<compile_context>
chip_gen: v7x
topology: tpu7x:2x2x1
jax: 0.10.2.dev20260603
libtpu: 0.0.44.dev20260713+nightly
codegen_flags: <defaults>
</compile_context>

<pallas_src>
import functools

import jax
import jax.numpy as jnp
from jax import lax
from jax.experimental import pallas as pl
from jax.experimental.pallas import tpu as pltpu
from jax.experimental.pallas import tpu_sc as plsc

NN = 100000
NP = 100864
EE = 1600000
EP = 1605632
TPW = EP // 32
RPT = NP // 16
ZR = 788
BLK = 2048
GRID = (NN + BLK - 1) // BLK

_f32 = jnp.float32


def _sc_hist_body(col_hbm, zer_hbm, out_hbm, hist_v, i0, i1, h0, h1):
    c = lax.axis_index("c")
    s = lax.axis_index("s")
    wid = s * 2 + c

    for k in range(8):
        pltpu.sync_copy(zer_hbm, hist_v.at[pl.ds(k * (2 * RPT), 2 * RPT)])

    ones = jnp.ones((16,), _f32)
    base = wid * TPW
    nch = TPW // 512

    def load(j, ib, hb):
        pltpu.async_copy(col_hbm.at[pl.ds(base + j * 512, 512)], ib, hb)

    def drain(ib, hb):
        pltpu.make_async_copy(col_hbm.at[pl.ds(base, 512)], ib, hb).wait()

    def scat(ib):
        def inner(k, carry2):
            plsc.addupdate_scatter(hist_v, [ib[pl.ds(k * 16, 16)]], ones)
            return carry2
        lax.fori_loop(0, 32, inner, 0)

    load(0, i0, h0)
    load(1, i1, h1)

    def pair(t, carry):
        j0 = t * 2
        drain(i0, h0)
        scat(i0)
        load(jnp.minimum(j0 + 2, nch - 1), i0, h0)
        drain(i1, h1)
        scat(i1)
        load(jnp.minimum(j0 + 3, nch - 1), i1, h1)
        return carry

    lax.fori_loop(0, nch // 2, pair, 0)
    drain(i0, h0)
    drain(i1, h1)
    pltpu.sync_copy(hist_v, out_hbm.at[wid])


def _sc_hist(colp, zeros1d):
    mesh = plsc.VectorSubcoreMesh(core_axis_name="c", subcore_axis_name="s")
    fn = pl.kernel(
        _sc_hist_body,
        out_type=jax.ShapeDtypeStruct((32, NP), _f32),
        mesh=mesh,
        scratch_types=[
            pltpu.VMEM((NP,), _f32),
            pltpu.VMEM((512,), jnp.int32),
            pltpu.VMEM((512,), jnp.int32),
            pltpu.SemaphoreType.DMA,
            pltpu.SemaphoreType.DMA,
        ],
        compiler_params=pltpu.CompilerParams(use_tc_tiling_on_sc=False, needs_layout_passes=False),
    )
    return fn(colp, zeros1d)


NCH = TPW // 128


def _sc_seg_body(row_hbm, col_hbm, y_hbm, zer_hbm, out_hbm,
                 r0i, r1i, r2i, r3i, c0i, c1i, c2i, c3i,
                 m0, m1, m2, m3, zb_v, acc_sh,
                 g0, g1, g2, g3, ir0, ir1, ir2, ir3, ic0, ic1, ic2, ic3):
    c = lax.axis_index("c")
    s = lax.axis_index("s")
    wid = s * 2 + c
    r0 = s * RPT

    pltpu.sync_copy(zer_hbm, zb_v)
    for k in range(8):
        pltpu.sync_copy(zb_v, acc_sh.at[pl.ds(r0 + k * ZR, ZR), :])
    plsc.subcore_barrier()

    base = wid * NCH
    slots = ((r0i, c0i, m0, g0, ir0, ic0), (r1i, c1i, m1, g1, ir1, ic1),
             (r2i, c2i, m2, g2, ir2, ic2), (r3i, c3i, m3, g3, ir3, ic3))

    def ld_idx(j, sl):
        pltpu.async_copy(row_hbm.at[pl.ds((base + j) * 128, 128)], sl[0], sl[4])
        pltpu.async_copy(col_hbm.at[pl.ds(base + j, 1), :], sl[1], sl[5])

    def gather(sl):
        pltpu.make_async_copy(row_hbm.at[pl.ds(base * 128, 128)], sl[0], sl[4]).wait()
        pltpu.async_copy(y_hbm.at[sl[0]], sl[2], sl[3])

    def scatter(sl):
        pltpu.make_async_copy(y_hbm.at[sl[0]], sl[2], sl[3]).wait()
        pltpu.make_async_copy(col_hbm.at[pl.ds(base, 1), :], sl[1], sl[5]).wait()
        pltpu.sync_copy(sl[2], acc_sh.at[sl[1].at[0]], add=True)

    ld_idx(0, slots[0])
    ld_idx(1, slots[1])
    gather(slots[0])
    ld_idx(2, slots[2])
    gather(slots[1])
    ld_idx(3, slots[3])

    def quad(t, carry):
        j0 = t * 4 + 2
        for v in range(4):
            sl_sc = slots[v % 4]
            sl_g = slots[(2 + v) % 4]
            scatter(sl_sc)
            ld_idx(j0 + v + 2, sl_sc)
            gather(sl_g)
        return carry

    lax.fori_loop(0, (NCH - 4) // 4, quad, 0)
    scatter(slots[0])
    gather(slots[2])
    scatter(slots[1])
    gather(slots[3])
    scatter(slots[2])
    scatter(slots[3])
    plsc.subcore_barrier()

    for k in range(8):
        pltpu.sync_copy(acc_sh.at[pl.ds(r0 + k * ZR, ZR), :], zb_v)
        pltpu.sync_copy(zb_v, out_hbm.at[c, pl.ds(r0 + k * ZR, ZR), :])


def _sc_seg(rowp, colp2, y, zeros2d):
    mesh = plsc.VectorSubcoreMesh(core_axis_name="c", subcore_axis_name="s")
    fn = pl.kernel(
        _sc_seg_body,
        out_type=jax.ShapeDtypeStruct((2, NP, 16), _f32),
        mesh=mesh,
        scratch_types=(
            [pltpu.VMEM((128,), jnp.int32)] * 4 +
            [pltpu.VMEM((1, 128), jnp.int32)] * 4 +
            [pltpu.VMEM((128, 16), _f32)] * 4 +
            [pltpu.VMEM((ZR, 16), _f32),
             pltpu.VMEM_SHARED((NP, 16), _f32)] +
            [pltpu.SemaphoreType.DMA] * 12
        ),
        compiler_params=pltpu.CompilerParams(use_tc_tiling_on_sc=False, needs_layout_passes=False),
    )
    return fn(rowp, colp2, y, zeros2d)


def _lrelu(v):
    return jnp.where(v > 0, v, 0.01 * v)


def _tc_a_body(yi_ref, dy_ref, hid_ref, ha_ref,
               dyW1, dyb1, dyW2, dyb2, rW1, rb1, rW2, rb2,
               Wih, bih, Whh, bhh, gcnW,
               h_out, y_out):
    dot = functools.partial(jnp.dot, preferred_element_type=_f32)
    yi = yi_ref[...]
    dy = dy_ref[...]
    hid = hid_ref[...]

    a1 = _lrelu(dot(yi, dyW1[...]) + dyb1[...])
    dyi = _lrelu(dot(a1, dyW2[...]) + dyb2[...])

    r1 = _lrelu(dot(dy, rW1[...]) + rb1[...])
    rg = _lrelu(dot(r1, rW2[...]) + rb2[...])

    gi = dot(rg, Wih[...]) + bih[...]
    gh = dot(hid, Whh[...]) + bhh[...]
    r = jax.nn.sigmoid(gi[:, 0:16] + gh[:, 0:16])
    z = jax.nn.sigmoid(gi[:, 16:32] + gh[:, 16:32])
    n = jnp.tanh(gi[:, 32:48] + r * gh[:, 32:48])
    h_new = (1.0 - z) * n + z * hid
    h_out[...] = h_new

    x = dot(jnp.concatenate([dyi, h_new], axis=1), gcnW[...])
    deg = lax.dot_general(ha_ref[...], jnp.ones((32, 1), _f32),
                          (((0,), (0,)), ((), ())),
                          preferred_element_type=_f32) + 1.0
    y_out[...] = x * lax.rsqrt(deg)


def _tc_a(yi, dy, hid, hist, p):
    def rowspec(d):
        return pl.BlockSpec((BLK, d), lambda i: (i, 0))

    def wspec(shape):
        nd = len(shape)
        return pl.BlockSpec(shape, lambda i, nd=nd: (0,) * nd)

    hspec = pl.BlockSpec((32, BLK), lambda i: (0, i))

    ws = [p['dy_W1'].T, p['dy_b1'][None], p['dy_W2'].T, p['dy_b2'][None],
          p['r_W1'].T, p['r_b1'][None], p['r_W2'].T, p['r_b2'][None],
          p['rg_Wih'].T, p['rg_bih'][None], p['rg_Whh'].T, p['rg_bhh'][None],
          p['gcn_W'].T]

    out = pl.pallas_call(
        _tc_a_body,
        grid=(GRID,),
        in_specs=[rowspec(yi.shape[1]), rowspec(8), rowspec(16),
                  hspec] + [wspec(w.shape) for w in ws],
        out_specs=[rowspec(16), rowspec(16)],
        out_shape=[jax.ShapeDtypeStruct((NN, 16), _f32)] * 2,
    )(yi, dy, hid, hist, *ws)
    return out


def _tc_d_body(dx_ref, sfW1, sfb1, sfW2, sfb2, dxf_out):
    dot = functools.partial(jnp.dot, preferred_element_type=_f32)
    d1 = _lrelu(dot(dx_ref[...], sfW1[...]) + sfb1[...])
    dxf_out[...] = _lrelu(dot(d1, sfW2[...]) + sfb2[...])


def _tc_d(dx, p):
    def rowspec(d):
        return pl.BlockSpec((BLK, d), lambda i: (i, 0))

    def wspec(shape):
        nd = len(shape)
        return pl.BlockSpec(shape, lambda i, nd=nd: (0,) * nd)

    ws = [p['sf_W1'].T, p['sf_b1'][None], p['sf_W2'].T, p['sf_b2'][None]]
    return pl.pallas_call(
        _tc_d_body,
        grid=(GRID,),
        in_specs=[rowspec(16)] + [wspec(w.shape) for w in ws],
        out_specs=rowspec(16),
        out_shape=jax.ShapeDtypeStruct((NN, 16), _f32),
    )(dx, *ws)


def _tc_c_body(s0_ref, s1_ref, y_ref, ha_ref, sig_ref, dxf_ref,
               gcnb, noW1, nob1, noW2, nob2, noW3, nob3,
               sgWih, sgbih, sgWhh, sgbhh,
               nko_out, ps_out):
    dot = functools.partial(jnp.dot, preferred_element_type=_f32)
    y = y_ref[...]
    deg = lax.dot_general(ha_ref[...], jnp.ones((32, 1), _f32),
                          (((0,), (0,)), ((), ())),
                          preferred_element_type=_f32) + 1.0
    dis = lax.rsqrt(deg)
    g = dis * (s0_ref[0] + s1_ref[0] + y) / deg + gcnb[...]

    nki = jnp.concatenate([g, sig_ref[...]], axis=1)
    h1 = _lrelu(dot(nki, noW1[...]) + nob1[...])
    h2 = _lrelu(dot(h1, noW2[...]) + nob2[...])
    nko = dot(h2, noW3[...]) + nob3[...]
    nko_out[...] = nko

    gi = dot(dxf_ref[...], sgWih[...]) + sgbih[...]
    gh = dot(nko, sgWhh[...]) + sgbhh[...]
    r = jax.nn.sigmoid(gi[:, 0:8] + gh[:, 0:8])
    z = jax.nn.sigmoid(gi[:, 8:16] + gh[:, 8:16])
    n = jnp.tanh(gi[:, 16:24] + r * gh[:, 16:24])
    ps_out[...] = (1.0 - z) * n + z * nko


def _tc_c(s, y, hist3, sig, dxf, p):
    def rowspec(d):
        return pl.BlockSpec((BLK, d), lambda i: (i, 0))

    def wspec(shape):
        nd = len(shape)
        return pl.BlockSpec(shape, lambda i, nd=nd: (0,) * nd)

    sspec0 = pl.BlockSpec((1, BLK, 16), lambda i: (0, i, 0))
    sspec1 = pl.BlockSpec((1, BLK, 16), lambda i: (1, i, 0))

    ws = [p['gcn_b'][None],
          p['no_W1'].T, p['no_b1'][None], p['no_W2'].T, p['no_b2'][None],
          p['no_W3'].T, p['no_b3'][None],
          p['sg_Wih'].T, p['sg_bih'][None], p['sg_Whh'].T, p['sg_bhh'][None]]

    out = pl.pallas_call(
        _tc_c_body,
        grid=(GRID,),
        in_specs=[sspec0, sspec1, rowspec(16),
                  pl.BlockSpec((32, BLK), lambda i: (0, i)),
                  rowspec(8), rowspec(16)] + [wspec(w.shape) for w in ws],
        out_specs=[rowspec(8), rowspec(8)],
        out_shape=[jax.ShapeDtypeStruct((NN, 8), _f32)] * 2,
    )(s, s, y, hist3, sig, dxf, *ws)
    return out


def kernel(delta_x_features, delta_y_i, y_innov_features, edge_index,
           hidden_r, pred_sigma, params):
    p = params
    row = edge_index[0].astype(jnp.int32)
    col = edge_index[1].astype(jnp.int32)
    pad = EP - EE
    rowp = jnp.concatenate([row, jnp.zeros((pad,), jnp.int32)])
    colp = jnp.concatenate([col, jnp.full((pad,), NN, jnp.int32)])
    zeros1d = jnp.zeros((2 * RPT,), _f32)
    zeros2d = jnp.zeros((ZR, 16), _f32)

    hist = _sc_hist(colp, zeros1d)

    h_new, y = _tc_a(y_innov_features, delta_y_i, hidden_r[0], hist, p)

    s = _sc_seg(rowp, colp.reshape(EP // 128, 128), y, zeros2d)

    dxf = _tc_d(delta_x_features, p)

    nko, ps_new = _tc_c(s, y, hist, pred_sigma.astype(_f32), dxf, p)

    return (nko, h_new, h_new[None], ps_new, edge_index)

# --- scband reference (transcript-rebuilt; emitter-appended) ---
"""Pipeline reference for scband-node-kalman-gnn-rnn-28913719837353 (READ-ONLY COPY).

The authoritative reference and input builder live on the scoring server;
editing this copy changes nothing except your own understanding.
"""

import jax, jax.numpy as jnp
import numpy as np

N = 100000
E = 1600000
SIG = 8
MEAS = 8
OUT = 8
HID = 16


def _lrelu(x):
    return jax.nn.leaky_relu(x, negative_slope=0.01)


def _mlp2(x, W1, b1, W2, b2):
    h = _lrelu(x @ W1.T + b1)
    return _lrelu(h @ W2.T + b2)


def _gru_cell(x, h, W_ih, W_hh, b_ih, b_hh):
    # PyTorch GRU cell equations (single layer, single time step)
    gi = x @ W_ih.T + b_ih
    gh = h @ W_hh.T + b_hh
    i_r, i_z, i_n = jnp.split(gi, 3, axis=-1)
    h_r, h_z, h_n = jnp.split(gh, 3, axis=-1)
    r = jax.nn.sigmoid(i_r + h_r)
    z = jax.nn.sigmoid(i_z + h_z)
    n = jnp.tanh(i_n + r * h_n)
    return (1.0 - z) * n + z * h


def _gcn_mean_norm(x, edge_index, W, b, n_nodes):
    # PyG GCNConv(normalize=True, add_self_loops=True, aggr='mean')
    x = x @ W.T
    loop = jnp.arange(n_nodes, dtype=edge_index.dtype)
    row = jnp.concatenate([edge_index[0], loop])
    col = jnp.concatenate([edge_index[1], loop])
    ones = jnp.ones(row.shape[0], dtype=x.dtype)
    deg = jax.ops.segment_sum(ones, col, num_segments=n_nodes)
    deg_inv_sqrt = jnp.where(deg > 0, jax.lax.rsqrt(jnp.maximum(deg, 1e-12)), 0.0)
    norm = deg_inv_sqrt[row] * deg_inv_sqrt[col]
    msg = x[row] * norm[:, None]
    agg = jax.ops.segment_sum(msg, col, num_segments=n_nodes)
    cnt = jax.ops.segment_sum(ones, col, num_segments=n_nodes)
    agg = agg / jnp.maximum(cnt, 1.0)[:, None]
    return agg + b


def _make_params(key):
    ks = jax.random.split(key, 32)
    s = 0.05
    p = {}
    # fc_delta_y_innov: Linear(72->16), Linear(16->16)
    p['dy_W1'] = jax.random.normal(ks[0], (HID, MEAS + SIG * MEAS), jnp.float32) * s
    p['dy_b1'] = jnp.zeros((HID,), jnp.float32)
    p['dy_W2'] = jax.random.normal(ks[1], (HID, HID), jnp.float32) * s
    p['dy_b2'] = jnp.zeros((HID,), jnp.float32)
    # fc_r: Linear(8->16), Linear(16->16)
    p['r_W1'] = jax.random.normal(ks[2], (HID, MEAS), jnp.float32) * s
    p['r_b1'] = jnp.zeros((HID,), jnp.float32)
    p['r_W2'] = jax.random.normal(ks[3], (HID, HID), jnp.float32) * s
    p['r_b2'] = jnp.zeros((HID,), jnp.float32)
    # r_input_gru: input 16, hidden 16
    p['rg_Wih'] = jax.random.normal(ks[4], (3 * HID, HID), jnp.float32) * s
    p['rg_Whh'] = jax.random.normal(ks[5], (3 * HID, HID), jnp.float32) * s
    p['rg_bih'] = jnp.zeros((3 * HID,), jnp.float32)
    p['rg_bhh'] = jnp.zeros((3 * HID,), jnp.float32)
    # gcn_nodes: in 2*HID=32 -> out HID=16
    p['gcn_W'] = jax.random.normal(ks[6], (HID, 2 * HID), jnp.float32) * s
    p['gcn_b'] = jnp.zeros((HID,), jnp.float32)
    # fc_signal_features: Linear(16->16), Linear(16->16)
    p['sf_W1'] = jax.random.normal(ks[7], (HID, 2 * SIG), jnp.float32) * s
    p['sf_b1'] = jnp.zeros((HID,), jnp.float32)
    p['sf_W2'] = jax.random.normal(ks[8], (HID, HID), jnp.float32) * s
    p['sf_b2'] = jnp.zeros((HID,), jnp.float32)
    # sigma_gru: input 16, hidden 8
    p['sg_Wih'] = jax.random.normal(ks[9], (3 * OUT, HID), jnp.float32) * s
    p['sg_Whh'] = jax.random.normal(ks[10], (3 * OUT, OUT), jnp.float32) * s
    p['sg_bih'] = jnp.zeros((3 * OUT,), jnp.float32)
    p['sg_bhh'] = jnp.zeros((3 * OUT,), jnp.float32)
    # fc_node_output: Linear(24->32), Linear(32->16), Linear(16->8)
    p['no_W1'] = jax.random.normal(ks[11], (2 * HID, HID + OUT), jnp.float32) * s
    p['no_b1'] = jnp.zeros((2 * HID,), jnp.float32)
    p['no_W2'] = jax.random.normal(ks[12], (HID, 2 * HID), jnp.float32) * s
    p['no_b2'] = jnp.zeros((HID,), jnp.float32)
    p['no_W3'] = jax.random.normal(ks[13], (OUT, HID), jnp.float32) * s
    p['no_b3'] = jnp.zeros((OUT,), jnp.float32)
    return p


def setup_inputs(seed: int = 0):
    key = jax.random.key(seed)
    ks = jax.random.split(key, 8)
    inp = {}
    inp['delta_x_features'] = jax.random.normal(ks[0], (N, 2 * SIG), jnp.float32)
    inp['delta_y_i'] = jax.random.normal(ks[1], (N, MEAS), jnp.float32)
    inp['y_innov_features'] = jax.random.normal(ks[2], (N, MEAS + SIG * MEAS), jnp.float32)
    inp['edge_index'] = jax.random.randint(ks[3], (2, E), 0, N, dtype=jnp.int64 if jax.config.jax_enable_x64 else jnp.int32)
    inp['hidden_r'] = jax.random.normal(ks[4], (1, N, HID), jnp.float32)
    inp['pred_sigma'] = jax.random.normal(ks[5], (N, OUT), jnp.float32)
    inp['params'] = _make_params(ks[6])
    return inp


def reference(delta_x_features, delta_y_i, y_innov_features, edge_index, hidden_r, pred_sigma, params):
    p = params
    delta_y_innov_i = _mlp2(y_innov_features, p['dy_W1'], p['dy_b1'], p['dy_W2'], p['dy_b2'])
    r_gru_input = _mlp2(delta_y_i, p['r_W1'], p['r_b1'], p['r_W2'], p['r_b2'])
    h_new = _gru_cell(r_gru_input, hidden_r[0], p['rg_Wih'], p['rg_Whh'], p['rg_bih'], p['rg_bhh'])
    r_gru_output = h_new
    hidden_r_new = h_new[None, ...]
    gnn_features = jnp.concatenate([delta_y_innov_i, r_gru_output], axis=-1)
    node_output_features = _gcn_mean_norm(gnn_features, edge_index, p['gcn_W'], p['gcn_b'], gnn_features.shape[0])
    node_kalman_input = jnp.concatenate([node_output_features, pred_sigma.astype(jnp.float32)], axis=-1)
    h = _lrelu(node_kalman_input @ p['no_W1'].T + p['no_b1'])
    h = _lrelu(h @ p['no_W2'].T + p['no_b2'])
    node_kalman_output = h @ p['no_W3'].T + p['no_b3']
    dxf = _mlp2(delta_x_features, p['sf_W1'], p['sf_b1'], p['sf_W2'], p['sf_b2'])
    pred_sigma_new = _gru_cell(dxf, node_kalman_output, p['sg_Wih'], p['sg_Whh'], p['sg_bih'], p['sg_bhh'])
    return (node_kalman_output, r_gru_output, hidden_r_new, pred_sigma_new, edge_index)

if __name__ == "__main__":
    import jax
    _d = setup_inputs()
    print(jax.jit(kernel)(*tuple(_d.values())))

</pallas_src>

<mosaic_0001>
#map = affine_map<(d0, d1) -> (0)>
#map1 = affine_map<(d0, d1) -> (0, 0)>
module attributes {stable_mosaic.version = 14 : i64} {
  func.func @_sc_hist_body(%arg0: i32, %arg1: i32, %arg2: memref<1605632xi32, #tpu.memory_space<hbm>>, %arg3: memref<12608xf32, #tpu.memory_space<hbm>>, %arg4: memref<32x100864xf32, #tpu.memory_space<hbm>>, %arg5: memref<100864xf32, #tpu.memory_space<vmem>>, %arg6: memref<512xi32, #tpu.memory_space<vmem>>, %arg7: memref<512xi32, #tpu.memory_space<vmem>>, %arg8: memref<!tpu.dma_semaphore, #tpu.memory_space<semaphore_mem>>, %arg9: memref<!tpu.dma_semaphore, #tpu.memory_space<semaphore_mem>>) attributes {dimension_semantics = [#tpu.dimension_semantics<core_parallel>, #tpu.dimension_semantics<subcore_parallel>], iteration_bounds = array<i64: 2, 16>, scalar_prefetch = 0 : i64, scratch_operands = 5 : i64, tpu.core_type = #tpu.core_type<sc_vector_subcore>, window_params = [{transform_indices = #map}, {transform_indices = #map}, {transform_indices = #map1}]} {
    %mul3A = arith.constant 2 : i32
    %mul3A_0 = arith.muli %arg1, %mul3A : i32
    %add3A = arith.addi %mul3A_0, %arg0 : i32
    "tpu.region"() ({
      %run_scoped3A = tpu.sem_alloc : memref<!tpu.dma_semaphore, #tpu.memory_space<semaphore_mem>>
      %dma_start3A_19 = arith.constant 0 : i32
      %dma_start3A_20 = tpu.memref_slice %arg5[%dma_start3A_19] : memref<100864xf32, #tpu.memory_space<vmem>> -> memref<12608xf32, #tpu.memory_space<vmem>>
      %dma_start3A_21 = arith.constant 0 : i32
      %dma_start3A_22 = tpu.memref_slice %arg5[%dma_start3A_21] : memref<100864xf32, #tpu.memory_space<vmem>> -> memref<12608xf32, #tpu.memory_space<vmem>>
      tpu.enqueue_dma source(%arg3 : memref<12608xf32, #tpu.memory_space<hbm>>) target(%dma_start3A_22 : memref<12608xf32, #tpu.memory_space<vmem>>) target_semaphore(%run_scoped3A : memref<!tpu.dma_semaphore, #tpu.memory_space<semaphore_mem>>)
      %dma_wait3A_23 = arith.constant 0 : i32
      %dma_wait3A_24 = tpu.memref_slice %arg5[%dma_wait3A_23] : memref<100864xf32, #tpu.memory_space<vmem>> -> memref<12608xf32, #tpu.memory_space<vmem>>
      %dma_wait3A_25 = arith.constant 0 : i32
      %dma_wait3A_26 = tpu.memref_slice %arg5[%dma_wait3A_25] : memref<100864xf32, #tpu.memory_space<vmem>> -> memref<12608xf32, #tpu.memory_space<vmem>>
      tpu.wait_dma2 semaphore(%run_scoped3A : memref<!tpu.dma_semaphore, #tpu.memory_space<semaphore_mem>>) src(%arg3 : memref<12608xf32, #tpu.memory_space<hbm>>) dst(%dma_wait3A_26 : memref<12608xf32, #tpu.memory_space<vmem>>)
      tpu.yield
    }) : () -> ()
    "tpu.region"() ({
      %run_scoped3A = tpu.sem_alloc : memref<!tpu.dma_semaphore, #tpu.memory_space<semaphore_mem>>
      %dma_start3A_19 = arith.constant 12608 : i32
      %dma_start3A_20 = tpu.memref_slice %arg5[%dma_start3A_19] : memref<100864xf32, #tpu.memory_space<vmem>> -> memref<12608xf32, #tpu.memory_space<vmem>>
      %dma_start3A_21 = arith.constant 12608 : i32
      %dma_start3A_22 = tpu.memref_slice %arg5[%dma_start3A_21] : memref<100864xf32, #tpu.memory_space<vmem>> -> memref<12608xf32, #tpu.memory_space<vmem>>
      tpu.enqueue_dma source(%arg3 : memref<12608xf32, #tpu.memory_space<hbm>>) target(%dma_start3A_22 : memref<12608xf32, #tpu.memory_space<vmem>>) target_semaphore(%run_scoped3A : memref<!tpu.dma_semaphore, #tpu.memory_space<semaphore_mem>>)
      %dma_wait3A_23 = arith.constant 12608 : i32
      %dma_wait3A_24 = tpu.memref_slice %arg5[%dma_wait3A_23] : memref<100864xf32, #tpu.memory_space<vmem>> -> memref<12608xf32, #tpu.memory_space<vmem>>
      %dma_wait3A_25 = arith.constant 12608 : i32
      %dma_wait3A_26 = tpu.memref_slice %arg5[%dma_wait3A_25] : memref<100864xf32, #tpu.memory_space<vmem>> -> memref<12608xf32, #tpu.memory_space<vmem>>
      tpu.wait_dma2 semaphore(%run_scoped3A : memref<!tpu.dma_semaphore, #tpu.memory_space<semaphore_mem>>) src(%arg3 : memref<12608xf32, #tpu.memory_space<hbm>>) dst(%dma_wait3A_26 : memref<12608xf32, #tpu.memory_space<vmem>>)
      tpu.yield
    }) : () -> ()
    "tpu.region"() ({
      %run_scoped3A = tpu.sem_alloc : memref<!tpu.dma_semaphore, #tpu.memory_space<semaphore_mem>>
      %dma_start3A_19 = arith.constant 25216 : i32
      %dma_start3A_20 = tpu.memref_slice %arg5[%dma_start3A_19] : memref<100864xf32, #tpu.memory_space<vmem>> -> memref<12608xf32, #tpu.memory_space<vmem>>
      %dma_start3A_21 = arith.constant 25216 : i32
      %dma_start3A_22 = tpu.memref_slice %arg5[%dma_start3A_21] : memref<100864xf32, #tpu.memory_space<vmem>> -> memref<12608xf32, #tpu.memory_space<vmem>>
      tpu.enqueue_dma source(%arg3 : memref<12608xf32, #tpu.memory_space<hbm>>) target(%dma_start3A_22 : memref<12608xf32, #tpu.memory_space<vmem>>) target_semaphore(%run_scoped3A : memref<!tpu.dma_semaphore, #tpu.memory_space<semaphore_mem>>)
      %dma_wait3A_23 = arith.constant 25216 : i32
      %dma_wait3A_24 = tpu.memref_slice %arg5[%dma_wait3A_23] : memref<100864xf32, #tpu.memory_space<vmem>> -> memref<12608xf32, #tpu.memory_space<vmem>>
      %dma_wait3A_25 = arith.constant 25216 : i32
      %dma_wait3A_26 = tpu.memref_slice %arg5[%dma_wait3A_25] : memref<100864xf32, #tpu.memory_space<vmem>> -> memref<12608xf32, #tpu.memory_space<vmem>>
      tpu.wait_dma2 semaphore(%run_scoped3A : memref<!tpu.dma_semaphore, #tpu.memory_space<semaphore_mem>>) src(%arg3 : memref<12608xf32, #tpu.memory_space<hbm>>) dst(%dma_wait3A_26 : memref<12608xf32, #tpu.memory_space<vmem>>)
      tpu.yield
    }) : () -> ()
    "tpu.region"() ({
      %run_scoped3A = tpu.sem_alloc : memref<!tpu.dma_semaphore, #tpu.memory_space<semaphore_mem>>
      %dma_start3A_19 = arith.constant 37824 : i32
      %dma_start3A_20 = tpu.memref_slice %arg5[%dma_start3A_19] : memref<100864xf32, #tpu.memory_space<vmem>> -> memref<12608xf32, #tpu.memory_space<vmem>>
      %dma_start3A_21 = arith.constant 37824 : i32
      %dma_start3A_22 = tpu.memref_slice %arg5[%dma_start3A_21] : memref<100864xf32, #tpu.memory_space<vmem>> -> memref<12608xf32, #tpu.memory_space<vmem>>
      tpu.enqueue_dma source(%arg3 : memref<12608xf32, #tpu.memory_space<hbm>>) target(%dma_start3A_22 : memref<12608xf32, #tpu.memory_space<vmem>>) target_semaphore(%run_scoped3A : memref<!tpu.dma_semaphore, #tpu.memory_space<semaphore_mem>>)
      %dma_wait3A_23 = arith.constant 37824 : i32
      %dma_wait3A_24 = tpu.memref_slice %arg5[%dma_wait3A_23] : memref<100864xf32, #tpu.memory_space<vmem>> -> memref<12608xf32, #tpu.memory_space<vmem>>
      %dma_wait3A_25 = arith.constant 37824 : i32
      %dma_wait3A_26 = tpu.memref_slice %arg5[%dma_wait3A_25] : memref<100864xf32, #tpu.memory_space<vmem>> -> memref<12608xf32, #tpu.memory_space<vmem>>
      tpu.wait_dma2 semaphore(%run_scoped3A : memref<!tpu.dma_semaphore, #tpu.memory_space<semaphore_mem>>) src(%arg3 : memref<12608xf32, #tpu.memory_space<hbm>>) dst(%dma_wait3A_26 : memref<12608xf32, #tpu.memory_space<vmem>>)
      tpu.yield
    }) : () -> ()
    "tpu.region"() ({
      %run_scoped3A = tpu.sem_alloc : memref<!tpu.dma_semaphore, #tpu.memory_space<semaphore_mem>>
      %dma_start3A_19 = arith.constant 50432 : i32
      %dma_start3A_20 = tpu.memref_slice %arg5[%dma_start3A_19] : memref<100864xf32, #tpu.memory_space<vmem>> -> memref<12608xf32, #tpu.memory_space<vmem>>
      %dma_start3A_21 = arith.constant 50432 : i32
      %dma_start3A_22 = tpu.memref_slice %arg5[%dma_start3A_21] : memref<100864xf32, #tpu.memory_space<vmem>> -> memref<12608xf32, #tpu.memory_space<vmem>>
      tpu.enqueue_dma source(%arg3 : memref<12608xf32, #tpu.memory_space<hbm>>) target(%dma_start3A_22 : memref<12608xf32, #tpu.memory_space<vmem>>) target_semaphore(%run_scoped3A : memref<!tpu.dma_semaphore, #tpu.memory_space<semaphore_mem>>)
      %dma_wait3A_23 = arith.constant 50432 : i32
      %dma_wait3A_24 = tpu.memref_slice %arg5[%dma_wait3A_23] : memref<100864xf32, #tpu.memory_space<vmem>> -> memref<12608xf32, #tpu.memory_space<vmem>>
      %dma_wait3A_25 = arith.constant 50432 : i32
      %dma_wait3A_26 = tpu.memref_slice %arg5[%dma_wait3A_25] : memref<100864xf32, #tpu.memory_space<vmem>> -> memref<12608xf32, #tpu.memory_space<vmem>>
      tpu.wait_dma2 semaphore(%run_scoped3A : memref<!tpu.dma_semaphore, #tpu.memory_space<semaphore_mem>>) src(%arg3 : memref<12608xf32, #tpu.memory_space<hbm>>) dst(%dma_wait3A_26 : memref<12608xf32, #tpu.memory_space<vmem>>)
      tpu.yield
    }) : () -> ()
    "tpu.region"() ({
      %run_scoped3A = tpu.sem_alloc : memref<!tpu.dma_semaphore, #tpu.memory_space<semaphore_mem>>
      %dma_start3A_19 = arith.constant 63040 : i32
      %dma_start3A_20 = tpu.memref_slice %arg5[%dma_start3A_19] : memref<100864xf32, #tpu.memory_space<vmem>> -> memref<12608xf32, #tpu.memory_space<vmem>>
      %dma_start3A_21 = arith.constant 63040 : i32
      %dma_start3A_22 = tpu.memref_slice %arg5[%dma_start3A_21] : memref<100864xf32, #tpu.memory_space<vmem>> -> memref<12608xf32, #tpu.memory_space<vmem>>
      tpu.enqueue_dma source(%arg3 : memref<12608xf32, #tpu.memory_space<hbm>>) target(%dma_start3A_22 : memref<12608xf32, #tpu.memory_space<vmem>>) target_semaphore(%run_scoped3A : memref<!tpu.dma_semaphore, #tpu.memory_space<semaphore_mem>>)
      %dma_wait3A_23 = arith.constant 63040 : i32
      %dma_wait3A_24 = tpu.memref_slice %arg5[%dma_wait3A_23] : memref<100864xf32, #tpu.memory_space<vmem>> -> memref<12608xf32, #tpu.memory_space<vmem>>
      %dma_wait3A_25 = arith.constant 63040 : i32
      %dma_wait3A_26 = tpu.memref_slice %arg5[%dma_wait3A_25] : memref<100864xf32, #tpu.memory_space<vmem>> -> memref<12608xf32, #tpu.memory_space<vmem>>
      tpu.wait_dma2 semaphore(%run_scoped3A : memref<!tpu.dma_semaphore, #tpu.memory_space<semaphore_mem>>) src(%arg3 : memref<12608xf32, #tpu.memory_space<hbm>>) dst(%dma_wait3A_26 : memref<12608xf32, #tpu.memory_space<vmem>>)
      tpu.yield
    }) : () -> ()
    "tpu.region"() ({
      %run_scoped3A = tpu.sem_alloc : memref<!tpu.dma_semaphore, #tpu.memory_space<semaphore_mem>>
      %dma_start3A_19 = arith.constant 75648 : i32
      %dma_start3A_20 = tpu.memref_slice %arg5[%dma_start3A_19] : memref<100864xf32, #tpu.memory_space<vmem>> -> memref<12608xf32, #tpu.memory_space<vmem>>
      %dma_start3A_21 = arith.constant 75648 : i32
      %dma_start3A_22 = tpu.memref_slice %arg5[%dma_start3A_21] : memref<100864xf32, #tpu.memory_space<vmem>> -> memref<12608xf32, #tpu.memory_space<vmem>>
      tpu.enqueue_dma source(%arg3 : memref<12608xf32, #tpu.memory_space<hbm>>) target(%dma_start3A_22 : memref<12608xf32, #tpu.memory_space<vmem>>) target_semaphore(%run_scoped3A : memref<!tpu.dma_semaphore, #tpu.memory_space<semaphore_mem>>)
      %dma_wait3A_23 = arith.constant 75648 : i32
      %dma_wait3A_24 = tpu.memref_slice %arg5[%dma_wait3A_23] : memref<100864xf32, #tpu.memory_space<vmem>> -> memref<12608xf32, #tpu.memory_space<vmem>>
      %dma_wait3A_25 = arith.constant 75648 : i32
      %dma_wait3A_26 = tpu.memref_slice %arg5[%dma_wait3A_25] : memref<100864xf32, #tpu.memory_space<vmem>> -> memref<12608xf32, #tpu.memory_space<vmem>>
      tpu.wait_dma2 semaphore(%run_scoped3A : memref<!tpu.dma_semaphore, #tpu.memory_space<semaphore_mem>>) src(%arg3 : memref<12608xf32, #tpu.memory_space<hbm>>) dst(%dma_wait3A_26 : memref<12608xf32, #tpu.memory_space<vmem>>)
      tpu.yield
    }) : () -> ()
    "tpu.region"() ({
      %run_scoped3A = tpu.sem_alloc : memref<!tpu.dma_semaphore, #tpu.memory_space<semaphore_mem>>
      %dma_start3A_19 = arith.constant 88256 : i32
      %dma_start3A_20 = tpu.memref_slice %arg5[%dma_start3A_19] : memref<100864xf32, #tpu.memory_space<vmem>> -> memref<12608xf32, #tpu.memory_space<vmem>>
      %dma_start3A_21 = arith.constant 88256 : i32
      %dma_start3A_22 = tpu.memref_slice %arg5[%dma_start3A_21] : memref<100864xf32, #tpu.memory_space<vmem>> -> memref<12608xf32, #tpu.memory_space<vmem>>
      tpu.enqueue_dma source(%arg3 : memref<12608xf32, #tpu.memory_space<hbm>>) target(%dma_start3A_22 : memref<12608xf32, #tpu.memory_space<vmem>>) target_semaphore(%run_scoped3A : memref<!tpu.dma_semaphore, #tpu.memory_space<semaphore_mem>>)
      %dma_wait3A_23 = arith.constant 88256 : i32
      %dma_wait3A_24 = tpu.memref_slice %arg5[%dma_wait3A_23] : memref<100864xf32, #tpu.memory_space<vmem>> -> memref<12608xf32, #tpu.memory_space<vmem>>
      %dma_wait3A_25 = arith.constant 88256 : i32
      %dma_wait3A_26 = tpu.memref_slice %arg5[%dma_wait3A_25] : memref<100864xf32, #tpu.memory_space<vmem>> -> memref<12608xf32, #tpu.memory_space<vmem>>
      tpu.wait_dma2 semaphore(%run_scoped3A : memref<!tpu.dma_semaphore, #tpu.memory_space<semaphore_mem>>) src(%arg3 : memref<12608xf32, #tpu.memory_space<hbm>>) dst(%dma_wait3A_26 : memref<12608xf32, #tpu.memory_space<vmem>>)
      tpu.yield
    }) : () -> ()
    %broadcast_in_dim3A = arith.constant 1.000000e+00 : f32
    %broadcast_in_dim3A_1 = vector.broadcast %broadcast_in_dim3A : f32 to vector<16xf32>
    %mul3A_2 = arith.constant 50176 : i32
    %mul3A_3 = arith.muli %add3A, %mul3A_2 : i32
    %add3A_4 = arith.constant 0 : i32
    %add3A_5 = arith.addi %mul3A_3, %add3A_4 : i32
    %dma_start3A = tpu.memref_slice %arg2[%add3A_5] : memref<1605632xi32, #tpu.memory_space<hbm>> -> memref<512xi32, #tpu.memory_space<hbm>>
    %dma_start3A_6 = tpu.memref_slice %arg2[%add3A_5] : memref<1605632xi32, #tpu.memory_space<hbm>> -> memref<512xi32, #tpu.memory_space<hbm>>
    tpu.enqueue_dma source(%dma_start3A_6 : memref<512xi32, #tpu.memory_space<hbm>>) target(%arg6 : memref<512xi32, #tpu.memory_space<vmem>>) target_semaphore(%arg8 : memref<!tpu.dma_semaphore, #tpu.memory_space<semaphore_mem>>)
    %add3A_7 = arith.constant 512 : i32
    %add3A_8 = arith.addi %mul3A_3, %add3A_7 : i32
    %dma_start3A_9 = tpu.memref_slice %arg2[%add3A_8] : memref<1605632xi32, #tpu.memory_space<hbm>> -> memref<512xi32, #tpu.memory_space<hbm>>
    %dma_start3A_10 = tpu.memref_slice %arg2[%add3A_8] : memref<1605632xi32, #tpu.memory_space<hbm>> -> memref<512xi32, #tpu.memory_space<hbm>>
    tpu.enqueue_dma source(%dma_start3A_10 : memref<512xi32, #tpu.memory_space<hbm>>) target(%arg7 : memref<512xi32, #tpu.memory_space<vmem>>) target_semaphore(%arg9 : memref<!tpu.dma_semaphore, #tpu.memory_space<semaphore_mem>>)
    %scan3A = arith.constant 0 : i32
    %scan3A_11 = arith.constant 0 : i32
    %scan3A_12 = arith.constant 49 : i32
    %scan3A_13 = arith.addi %scan3A_11, %scan3A_12 : i32
    %scan3A_14 = arith.constant 1 : i32
    scf.for %scan3A_19 = %scan3A_11 to %scan3A_13 step %scan3A_14  : i32 {
      %mul3A_20 = arith.constant 2 : i32
      %mul3A_21 = arith.muli %scan3A_19, %mul3A_20 : i32
      %dma_wait3A_22 = tpu.memref_slice %arg2[%mul3A_3] : memref<1605632xi32, #tpu.memory_space<hbm>> -> memref<512xi32, #tpu.memory_space<hbm>>
      %dma_wait3A_23 = tpu.memref_slice %arg2[%mul3A_3] : memref<1605632xi32, #tpu.memory_space<hbm>> -> memref<512xi32, #tpu.memory_space<hbm>>
      tpu.wait_dma2 semaphore(%arg8 : memref<!tpu.dma_semaphore, #tpu.memory_space<semaphore_mem>>) src(%dma_wait3A_23 : memref<512xi32, #tpu.memory_space<hbm>>) dst(%arg6 : memref<512xi32, #tpu.memory_space<vmem>>)
      %scan3A_24 = arith.constant 0 : i32
      %scan3A_25 = arith.constant 0 : i32
      %scan3A_26 = arith.constant 32 : i32
      %scan3A_27 = arith.addi %scan3A_25, %scan3A_26 : i32
      %scan3A_28 = arith.constant 1 : i32
      scf.for %scan3A_55 = %scan3A_25 to %scan3A_27 step %scan3A_28  : i32 {
        %mul3A_56 = arith.constant 16 : i32
        %mul3A_57 = arith.muli %scan3A_55, %mul3A_56 : i32
        %get3A = arith.index_cast %mul3A_57 : i32 to index
        %get3A_58 = tpu.vector_load %arg6[%get3A] {strides = array<i32>} : memref<512xi32, #tpu.memory_space<vmem>>, vector<16xi32>,
        tpu.vector_store_idx %arg5[%get3A_58], %broadcast_in_dim3A_1 {add = true} : memref<100864xf32, #tpu.memory_space<vmem>>[vector<16xi32>], vector<16xf32>,
      }
      %scan3A_29 = arith.constant 32 : i32
      %add3A_30 = arith.constant 2 : i32
      %add3A_31 = arith.addi %mul3A_21, %add3A_30 : i32
      %min3A = arith.constant 97 : i32
      %min3A_32 = arith.minsi %add3A_31, %min3A : i32
      %mul3A_33 = arith.constant 512 : i32
      %mul3A_34 = arith.muli %min3A_32, %mul3A_33 : i32
      %add3A_35 = arith.addi %mul3A_3, %mul3A_34 : i32
      %dma_start3A_36 = tpu.memref_slice %arg2[%add3A_35] : memref<1605632xi32, #tpu.memory_space<hbm>> -> memref<512xi32, #tpu.memory_space<hbm>>
      %dma_start3A_37 = tpu.memref_slice %arg2[%add3A_35] : memref<1605632xi32, #tpu.memory_space<hbm>> -> memref<512xi32, #tpu.memory_space<hbm>>
      tpu.enqueue_dma source(%dma_start3A_37 : memref<512xi32, #tpu.memory_space<hbm>>) target(%arg6 : memref<512xi32, #tpu.memory_space<vmem>>) target_semaphore(%arg8 : memref<!tpu.dma_semaphore, #tpu.memory_space<semaphore_mem>>)
      %dma_wait3A_38 = tpu.memref_slice %arg2[%mul3A_3] : memref<1605632xi32, #tpu.memory_space<hbm>> -> memref<512xi32, #tpu.memory_space<hbm>>
      %dma_wait3A_39 = tpu.memref_slice %arg2[%mul3A_3] : memref<1605632xi32, #tpu.memory_space<hbm>> -> memref<512xi32, #tpu.memory_space<hbm>>
      tpu.wait_dma2 semaphore(%arg9 : memref<!tpu.dma_semaphore, #tpu.memory_space<semaphore_mem>>) src(%dma_wait3A_39 : memref<512xi32, #tpu.memory_space<hbm>>) dst(%arg7 : memref<512xi32, #tpu.memory_space<vmem>>)
      %scan3A_40 = arith.constant 0 : i32
      %scan3A_41 = arith.constant 0 : i32
      %scan3A_42 = arith.constant 32 : i32
      %scan3A_43 = arith.addi %scan3A_41, %scan3A_42 : i32
      %scan3A_44 = arith.constant 1 : i32
      scf.for %scan3A_55 = %scan3A_41 to %scan3A_43 step %scan3A_44  : i32 {
        %mul3A_56 = arith.constant 16 : i32
        %mul3A_57 = arith.muli %scan3A_55, %mul3A_56 : i32
        %get3A = arith.index_cast %mul3A_57 : i32 to index
        %get3A_58 = tpu.vector_load %arg7[%get3A] {strides = array<i32>} : memref<512xi32, #tpu.memory_space<vmem>>, vector<16xi32>,
        tpu.vector_store_idx %arg5[%get3A_58], %broadcast_in_dim3A_1 {add = true} : memref<100864xf32, #tpu.memory_space<vmem>>[vector<16xi32>], vector<16xf32>,
      }
      %scan3A_45 = arith.constant 32 : i32
      %add3A_46 = arith.constant 3 : i32
      %add3A_47 = arith.addi %mul3A_21, %add3A_46 : i32
      %min3A_48 = arith.constant 97 : i32
      %min3A_49 = arith.minsi %add3A_47, %min3A_48 : i32
      %mul3A_50 = arith.constant 512 : i32
      %mul3A_51 = arith.muli %min3A_49, %mul3A_50 : i32
      %add3A_52 = arith.addi %mul3A_3, %mul3A_51 : i32
      %dma_start3A_53 = tpu.memref_slice %arg2[%add3A_52] : memref<1605632xi32, #tpu.memory_space<hbm>> -> memref<512xi32, #tpu.memory_space<hbm>>
      %dma_start3A_54 = tpu.memref_slice %arg2[%add3A_52] : memref<1605632xi32, #tpu.memory_space<hbm>> -> memref<512xi32, #tpu.memory_space<hbm>>
      tpu.enqueue_dma source(%dma_start3A_54 : memref<512xi32, #tpu.memory_space<hbm>>) target(%arg7 : memref<512xi32, #tpu.memory_space<vmem>>) target_semaphore(%arg9 : memref<!tpu.dma_semaphore, #tpu.memory_space<semaphore_mem>>)
    }
    %scan3A_15 = arith.constant 49 : i32
    %dma_wait3A = tpu.memref_slice %arg2[%mul3A_3] : memref<1605632xi32, #tpu.memory_space<hbm>> -> memref<512xi32, #tpu.memory_space<hbm>>
    %dma_wait3A_16 = tpu.memref_slice %arg2[%mul3A_3] : memref<1605632xi32, #tpu.memory_space<hbm>> -> memref<512xi32, #tpu.memory_space<hbm>>
    tpu.wait_dma2 semaphore(%arg8 : memref<!tpu.dma_semaphore, #tpu.memory_space<semaphore_mem>>) src(%dma_wait3A_16 : memref<512xi32, #tpu.memory_space<hbm>>) dst(%arg6 : memref<512xi32, #tpu.memory_space<vmem>>)
    %dma_wait3A_17 = tpu.memref_slice %arg2[%mul3A_3] : memref<1605632xi32, #tpu.memory_space<hbm>> -> memref<512xi32, #tpu.memory_space<hbm>>
    %dma_wait3A_18 = tpu.memref_slice %arg2[%mul3A_3] : memref<1605632xi32, #tpu.memory_space<hbm>> -> memref<512xi32, #tpu.memory_space<hbm>>
    tpu.wait_dma2 semaphore(%arg9 : memref<!tpu.dma_semaphore, #tpu.memory_space<semaphore_mem>>) src(%dma_wait3A_18 : memref<512xi32, #tpu.memory_space<hbm>>) dst(%arg7 : memref<512xi32, #tpu.memory_space<vmem>>)
    "tpu.region"() ({
      %run_scoped3A = tpu.sem_alloc : memref<!tpu.dma_semaphore, #tpu.memory_space<semaphore_mem>>
      %dma_start3A_19 = arith.constant 0 : i32
      %dma_start3A_20 = tpu.memref_slice %arg4[%add3A, %dma_start3A_19] : memref<32x100864xf32, #tpu.memory_space<hbm>> -> memref<1x100864xf32, #tpu.memory_space<hbm>>
      %dma_start3A_21 = tpu.memref_squeeze %dma_start3A_20 : memref<1x100864xf32, #tpu.memory_space<hbm>> -> memref<100864xf32, #tpu.memory_space<hbm>>
      %dma_start3A_22 = arith.constant 0 : i32
      %dma_start3A_23 = tpu.memref_slice %arg4[%add3A, %dma_start3A_22] : memref<32x100864xf32, #tpu.memory_space<hbm>> -> memref<1x100864xf32, #tpu.memory_space<hbm>>
      %dma_start3A_24 = tpu.memref_squeeze %dma_start3A_23 : memref<1x100864xf32, #tpu.memory_space<hbm>> -> memref<100864xf32, #tpu.memory_space<hbm>>
      tpu.enqueue_dma source(%arg5 : memref<100864xf32, #tpu.memory_space<vmem>>) target(%dma_start3A_24 : memref<100864xf32, #tpu.memory_space<hbm>>) target_semaphore(%run_scoped3A : memref<!tpu.dma_semaphore, #tpu.memory_space<semaphore_mem>>)
      %dma_wait3A_25 = arith.constant 0 : i32
      %dma_wait3A_26 = tpu.memref_slice %arg4[%add3A, %dma_wait3A_25] : memref<32x100864xf32, #tpu.memory_space<hbm>> -> memref<1x100864xf32, #tpu.memory_space<hbm>>
      %dma_wait3A_27 = tpu.memref_squeeze %dma_wait3A_26 : memref<1x100864xf32, #tpu.memory_space<hbm>> -> memref<100864xf32, #tpu.memory_space<hbm>>
      %dma_wait3A_28 = arith.constant 0 : i32
      %dma_wait3A_29 = tpu.memref_slice %arg4[%add3A, %dma_wait3A_28] : memref<32x100864xf32, #tpu.memory_space<hbm>> -> memref<1x100864xf32, #tpu.memory_space<hbm>>
      %dma_wait3A_30 = tpu.memref_squeeze %dma_wait3A_29 : memref<1x100864xf32, #tpu.memory_space<hbm>> -> memref<100864xf32, #tpu.memory_space<hbm>>
      tpu.wait_dma2 semaphore(%run_scoped3A : memref<!tpu.dma_semaphore, #tpu.memory_space<semaphore_mem>>) src(%arg5 : memref<100864xf32, #tpu.memory_space<vmem>>) dst(%dma_wait3A_30 : memref<100864xf32, #tpu.memory_space<hbm>>)
      tpu.yield
    }) : () -> ()
    return
  }
}

#map = affine_map<(d0, d1) -> (0)>
#map1 = affine_map<(d0, d1) -> (0, 0)>
#map2 = affine_map<(d0, d1) -> (0, 0, 0)>
module attributes {stable_mosaic.version = 14 : i64} {
  func.func @_sc_seg_body(%arg0: i32, %arg1: i32, %arg2: memref<1605632xi32, #tpu.memory_space<hbm>>, %arg3: memref<12544x128xi32, #tpu.memory_space<hbm>>, %arg4: memref<100000x16xf32, #tpu.memory_space<hbm>>, %arg5: memref<788x16xf32, #tpu.memory_space<hbm>>, %arg6: memref<2x100864x16xf32, #tpu.memory_space<hbm>>, %arg7: memref<128xi32, #tpu.memory_space<vmem>>, %arg8: memref<128xi32, #tpu.memory_space<vmem>>, %arg9: memref<128xi32, #tpu.memory_space<vmem>>, %arg10: memref<128xi32, #tpu.memory_space<vmem>>, %arg11: memref<1x128xi32, #tpu.memory_space<vmem>>, %arg12: memref<1x128xi32, #tpu.memory_space<vmem>>, %arg13: memref<1x128xi32, #tpu.memory_space<vmem>>, %arg14: memref<1x128xi32, #tpu.memory_space<vmem>>, %arg15: memref<128x16xf32, #tpu.memory_space<vmem>>, %arg16: memref<128x16xf32, #tpu.memory_space<vmem>>, %arg17: memref<128x16xf32, #tpu.memory_space<vmem>>, %arg18: memref<128x16xf32, #tpu.memory_space<vmem>>, %arg19: memref<788x16xf32, #tpu.memory_space<vmem>>, %arg20: memref<100864x16xf32, #tpu.memory_space<vmem_shared>>, %arg21: memref<!tpu.dma_semaphore, #tpu.memory_space<semaphore_mem>>, %arg22: memref<!tpu.dma_semaphore, #tpu.memory_space<semaphore_mem>>, %arg23: memref<!tpu.dma_semaphore, #tpu.memory_space<semaphore_mem>>, %arg24: memref<!tpu.dma_semaphore, #tpu.memory_space<semaphore_mem>>, %arg25: memref<!tpu.dma_semaphore, #tpu.memory_space<semaphore_mem>>, %arg26: memref<!tpu.dma_semaphore, #tpu.memory_space<semaphore_mem>>, %arg27: memref<!tpu.dma_semaphore, #tpu.memory_space<semaphore_mem>>, %arg28: memref<!tpu.dma_semaphore, #tpu.memory_space<semaphore_mem>>, %arg29: memref<!tpu.dma_semaphore, #tpu.memory_space<semaphore_mem>>, %arg30: memref<!tpu.dma_semaphore, #tpu.memory_space<semaphore_mem>>, %arg31: memref<!tpu.dma_semaphore, #tpu.memory_space<semaphore_mem>>, %arg32: memref<!tpu.dma_semaphore, #tpu.memory_space<semaphore_mem>>) attributes {dimension_semantics = [#tpu.dimension_semantics<core_parallel>, #tpu.dimension_semantics<subcore_parallel>], iteration_bounds = array<i64: 2, 16>, scalar_prefetch = 0 : i64, scratch_operands = 26 : i64, tpu.core_type = #tpu.core_type<sc_vector_subcore>, window_params = [{transform_indices = #map}, {transform_indices = #map1}, {transform_indices = #map1}, {transform_indices = #map1}, {transform_indices = #map2}]} {
    %mul3A = arith.constant 2 : i32
    %mul3A_0 = arith.muli %arg1, %mul3A : i32
    %add3A = arith.addi %mul3A_0, %arg0 : i32
    %mul3A_1 = arith.constant 6304 : i32
    %mul3A_2 = arith.muli %arg1, %mul3A_1 : i32
    "tpu.region"() ({
      %run_scoped3A_164 = tpu.sem_alloc : memref<!tpu.dma_semaphore, #tpu.memory_space<semaphore_mem>>
      tpu.enqueue_dma source(%arg5 : memref<788x16xf32, #tpu.memory_space<hbm>>) target(%arg19 : memref<788x16xf32, #tpu.memory_space<vmem>>) target_semaphore(%run_scoped3A_164 : memref<!tpu.dma_semaphore, #tpu.memory_space<semaphore_mem>>)
      tpu.wait_dma2 semaphore(%run_scoped3A_164 : memref<!tpu.dma_semaphore, #tpu.memory_space<semaphore_mem>>) src(%arg5 : memref<788x16xf32, #tpu.memory_space<hbm>>) dst(%arg19 : memref<788x16xf32, #tpu.memory_space<vmem>>)
      tpu.yield
    }) : () -> ()
    %add3A_3 = arith.constant 0 : i32
    %add3A_4 = arith.addi %mul3A_2, %add3A_3 : i32
    "tpu.region"() ({
      %run_scoped3A_164 = tpu.sem_alloc : memref<!tpu.dma_semaphore, #tpu.memory_space<semaphore_mem>>
      %dma_start3A_165 = arith.constant 0 : i32
      %dma_start3A_166 = tpu.memref_slice %arg20[%add3A_4, %dma_start3A_165] : memref<100864x16xf32, #tpu.memory_space<vmem_shared>> -> memref<788x16xf32, #tpu.memory_space<vmem_shared>>
      %dma_start3A_167 = arith.constant 0 : i32
      %dma_start3A_168 = tpu.memref_slice %arg20[%add3A_4, %dma_start3A_167] : memref<100864x16xf32, #tpu.memory_space<vmem_shared>> -> memref<788x16xf32, #tpu.memory_space<vmem_shared>>
      tpu.enqueue_dma source(%arg19 : memref<788x16xf32, #tpu.memory_space<vmem>>) target(%dma_start3A_168 : memref<788x16xf32, #tpu.memory_space<vmem_shared>>) target_semaphore(%run_scoped3A_164 : memref<!tpu.dma_semaphore, #tpu.memory_space<semaphore_mem>>)
      %dma_wait3A_169 = arith.constant 0 : i32
      %dma_wait3A_170 = tpu.memref_slice %arg20[%add3A_4, %dma_wait3A_169] : memref<100864x16xf32, #tpu.memory_space<vmem_shared>> -> memref<788x16xf32, #tpu.memory_space<vmem_shared>>
      %dma_wait3A_171 = arith.constant 0 : i32
      %dma_wait3A_172 = tpu.memref_slice %arg20[%add3A_4, %dma_wait3A_171] : memref<100864x16xf32, #tpu.memory_space<vmem_shared>> -> memref<788x16xf32, #tpu.memory_space<vmem_shared>>
      tpu.wait_dma2 semaphore(%run_scoped3A_164 : memref<!tpu.dma_semaphore, #tpu.memory_space<semaphore_mem>>) src(%arg19 : memref<788x16xf32, #tpu.memory_space<vmem>>) dst(%dma_wait3A_172 : memref<788x16xf32, #tpu.memory_space<vmem_shared>>)
      tpu.yield
    }) : () -> ()
    %add3A_5 = arith.constant 788 : i32
    %add3A_6 = arith.addi %mul3A_2, %add3A_5 : i32
    "tpu.region"() ({
      %run_scoped3A_164 = tpu.sem_alloc : memref<!tpu.dma_semaphore, #tpu.memory_space<semaphore_mem>>
      %dma_start3A_165 = arith.constant 0 : i32
      %dma_start3A_166 = tpu.memref_slice %arg20[%add3A_6, %dma_start3A_165] : memref<100864x16xf32, #tpu.memory_space<vmem_shared>> -> memref<788x16xf32, #tpu.memory_space<vmem_shared>>
      %dma_start3A_167 = arith.constant 0 : i32
      %dma_start3A_168 = tpu.memref_slice %arg20[%add3A_6, %dma_start3A_167] : memref<100864x16xf32, #tpu.memory_space<vmem_shared>> -> memref<788x16xf32, #tpu.memory_space<vmem_shared>>
      tpu.enqueue_dma source(%arg19 : memref<788x16xf32, #tpu.memory_space<vmem>>) target(%dma_start3A_168 : memref<788x16xf32, #tpu.memory_space<vmem_shared>>) target_semaphore(%run_scoped3A_164 : memref<!tpu.dma_semaphore, #tpu.memory_space<semaphore_mem>>)
      %dma_wait3A_169 = arith.constant 0 : i32
      %dma_wait3A_170 = tpu.memref_slice %arg20[%add3A_6, %dma_wait3A_169] : memref<100864x16xf32, #tpu.memory_space<vmem_shared>> -> memref<788x16xf32, #tpu.memory_space<vmem_shared>>
      %dma_wait3A_171 = arith.constant 0 : i32
      %dma_wait3A_172 = tpu.memref_slice %arg20[%add3A_6, %dma_wait3A_171] : memref<100864x16xf32, #tpu.memory_space<vmem_shared>> -> memref<788x16xf32, #tpu.memory_space<vmem_shared>>
      tpu.wait_dma2 semaphore(%run_scoped3A_164 : memref<!tpu.dma_semaphore, #tpu.memory_space<semaphore_mem>>) src(%arg19 : memref<788x16xf32, #tpu.memory_space<vmem>>) dst(%dma_wait3A_172 : memref<788x16xf32, #tpu.memory_space<vmem_shared>>)
      tpu.yield
    }) : () -> ()
    %add3A_7 = arith.constant 1576 : i32
    %add3A_8 = arith.addi %mul3A_2, %add3A_7 : i32
    "tpu.region"() ({
      %run_scoped3A_164 = tpu.sem_alloc : memref<!tpu.dma_semaphore, #tpu.memory_space<semaphore_mem>>
      %dma_start3A_165 = arith.constant 0 : i32
      %dma_start3A_166 = tpu.memref_slice %arg20[%add3A_8, %dma_start3A_165] : memref<100864x16xf32, #tpu.memory_space<vmem_shared>> -> memref<788x16xf32, #tpu.memory_space<vmem_shared>>
      %dma_start3A_167 = arith.constant 0 : i32
      %dma_start3A_168 = tpu.memref_slice %arg20[%add3A_8, %dma_start3A_167] : memref<100864x16xf32, #tpu.memory_space<vmem_shared>> -> memref<788x16xf32, #tpu.memory_space<vmem_shared>>
      tpu.enqueue_dma source(%arg19 : memref<788x16xf32, #tpu.memory_space<vmem>>) target(%dma_start3A_168 : memref<788x16xf32, #tpu.memory_space<vmem_shared>>) target_semaphore(%run_scoped3A_164 : memref<!tpu.dma_semaphore, #tpu.memory_space<semaphore_mem>>)
      %dma_wait3A_169 = arith.constant 0 : i32
      %dma_wait3A_170 = tpu.memref_slice %arg20[%add3A_8, %dma_wait3A_169] : memref<100864x16xf32, #tpu.memory_space<vmem_shared>> -> memref<788x16xf32, #tpu.memory_space<vmem_shared>>
      %dma_wait3A_171 = arith.constant 0 : i32
      %dma_wait3A_172 = tpu.memref_slice %arg20[%add3A_8, %dma_wait3A_171] : memref<100864x16xf32, #tpu.memory_space<vmem_shared>> -> memref<788x16xf32, #tpu.memory_space<vmem_shared>>
      tpu.wait_dma2 semaphore(%run_scoped3A_164 : memref<!tpu.dma_semaphore, #tpu.memory_space<semaphore_mem>>) src(%arg19 : memref<788x16xf32, #tpu.memory_space<vmem>>) dst(%dma_wait3A_172 : memref<788x16xf32, #tpu.memory_space<vmem_shared>>)
      tpu.yield
    }) : () -> ()
    %add3A_9 = arith.constant 2364 : i32
    %add3A_10 = arith.addi %mul3A_2, %add3A_9 : i32
    "tpu.region"() ({
      %run_scoped3A_164 = tpu.sem_alloc : memref<!tpu.dma_semaphore, #tpu.memory_space<semaphore_mem>>
      %dma_start3A_165 = arith.constant 0 : i32
      %dma_start3A_166 = tpu.memref_slice %arg20[%add3A_10, %dma_start3A_165] : memref<100864x16xf32, #tpu.memory_space<vmem_shared>> -> memref<788x16xf32, #tpu.memory_space<vmem_shared>>
      %dma_start3A_167 = arith.constant 0 : i32
      %dma_start3A_168 = tpu.memref_slice %arg20[%add3A_10, %dma_start3A_167] : memref<100864x16xf32, #tpu.memory_space<vmem_shared>> -> memref<788x16xf32, #tpu.memory_space<vmem_shared>>
      tpu.enqueue_dma source(%arg19 : memref<788x16xf32, #tpu.memory_space<vmem>>) target(%dma_start3A_168 : memref<788x16xf32, #tpu.memory_space<vmem_shared>>) target_semaphore(%run_scoped3A_164 : memref<!tpu.dma_semaphore, #tpu.memory_space<semaphore_mem>>)
      %dma_wait3A_169 = arith.constant 0 : i32
      %dma_wait3A_170 = tpu.memref_slice %arg20[%add3A_10, %dma_wait3A_169] : memref<100864x16xf32, #tpu.memory_space<vmem_shared>> -> memref<788x16xf32, #tpu.memory_space<vmem_shared>>
      %dma_wait3A_171 = arith.constant 0 : i32
      %dma_wait3A_172 = tpu.memref_slice %arg20[%add3A_10, %dma_wait3A_171] : memref<100864x16xf32, #tpu.memory_space<vmem_shared>> -> memref<788x16xf32, #tpu.memory_space<vmem_shared>>
      tpu.wait_dma2 semaphore(%run_scoped3A_164 : memref<!tpu.dma_semaphore, #tpu.memory_space<semaphore_mem>>) src(%arg19 : memref<788x16xf32, #tpu.memory_space<vmem>>) dst(%dma_wait3A_172 : memref<788x16xf32, #tpu.memory_space<vmem_shared>>)
      tpu.yield
    }) : () -> ()
    %add3A_11 = arith.constant 3152 : i32
    %add3A_12 = arith.addi %mul3A_2, %add3A_11 : i32
    "tpu.region"() ({
      %run_scoped3A_164 = tpu.sem_alloc : memref<!tpu.dma_semaphore, #tpu.memory_space<semaphore_mem>>
      %dma_start3A_165 = arith.constant 0 : i32
      %dma_start3A_166 = tpu.memref_slice %arg20[%add3A_12, %dma_start3A_165] : memref<100864x16xf32, #tpu.memory_space<vmem_shared>> -> memref<788x16xf32, #tpu.memory_space<vmem_shared>>
      %dma_start3A_167 = arith.constant 0 : i32
      %dma_start3A_168 = tpu.memref_slice %arg20[%add3A_12, %dma_start3A_167] : memref<100864x16xf32, #tpu.memory_space<vmem_shared>> -> memref<788x16xf32, #tpu.memory_space<vmem_shared>>
      tpu.enqueue_dma source(%arg19 : memref<788x16xf32, #tpu.memory_space<vmem>>) target(%dma_start3A_168 : memref<788x16xf32, #tpu.memory_space<vmem_shared>>) target_semaphore(%run_scoped3A_164 : memref<!tpu.dma_semaphore, #tpu.memory_space<semaphore_mem>>)
      %dma_wait3A_169 = arith.constant 0 : i32
      %dma_wait3A_170 = tpu.memref_slice %arg20[%add3A_12, %dma_wait3A_169] : memref<100864x16xf32, #tpu.memory_space<vmem_shared>> -> memref<788x16xf32, #tpu.memory_space<vmem_shared>>
      %dma_wait3A_171 = arith.constant 0 : i32
      %dma_wait3A_172 = tpu.memref_slice %arg20[%add3A_12, %dma_wait3A_171] : memref<100864x16xf32, #tpu.memory_space<vmem_shared>> -> memref<788x16xf32, #tpu.memory_space<vmem_shared>>
      tpu.wait_dma2 semaphore(%run_scoped3A_164 : memref<!tpu.dma_semaphore, #tpu.memory_space<semaphore_mem>>) src(%arg19 : memref<788x16xf32, #tpu.memory_space<vmem>>) dst(%dma_wait3A_172 : memref<788x16xf32, #tpu.memory_space<vmem_shared>>)
      tpu.yield
    }) : () -> ()
    %add3A_13 = arith.constant 3940 : i32
    %add3A_14 = arith.addi %mul3A_2, %add3A_13 : i32
    "tpu.region"() ({
      %run_scoped3A_164 = tpu.sem_alloc : memref<!tpu.dma_semaphore, #tpu.memory_space<semaphore_mem>>
      %dma_start3A_165 = arith.constant 0 : i32
      %dma_start3A_166 = tpu.memref_slice %arg20[%add3A_14, %dma_start3A_165] : memref<100864x16xf32, #tpu.memory_space<vmem_shared>> -> memref<788x16xf32, #tpu.memory_space<vmem_shared>>
      %dma_start3A_167 = arith.constant 0 : i32
      %dma_start3A_168 = tpu.memref_slice %arg20[%add3A_14, %dma_start3A_167] : memref<100864x16xf32, #tpu.memory_space<vmem_shared>> -> memref<788x16xf32, #tpu.memory_space<vmem_shared>>
      tpu.enqueue_dma source(%arg19 : memref<788x16xf32, #tpu.memory_space<vmem>>) target(%dma_start3A_168 : memref<788x16xf32, #tpu.memory_space<vmem_shared>>) target_semaphore(%run_scoped3A_164 : memref<!tpu.dma_semaphore, #tpu.memory_space<semaphore_mem>>)
      %dma_wait3A_169 = arith.constant 0 : i32
      %dma_wait3A_170 = tpu.memref_slice %arg20[%add3A_14, %dma_wait3A_169] : memref<100864x16xf32, #tpu.memory_space<vmem_shared>> -> memref<788x16xf32, #tpu.memory_space<vmem_shared>>
      %dma_wait3A_171 = arith.constant 0 : i32
      %dma_wait3A_172 = tpu.memref_slice %arg20[%add3A_14, %dma_wait3A_171] : memref<100864x16xf32, #tpu.memory_space<vmem_shared>> -> memref<788x16xf32, #tpu.memory_space<vmem_shared>>
      tpu.wait_dma2 semaphore(%run_scoped3A_164 : memref<!tpu.dma_semaphore, #tpu.memory_space<semaphore_mem>>) src(%arg19 : memref<788x16xf32, #tpu.memory_space<vmem>>) dst(%dma_wait3A_172 : memref<788x16xf32, #tpu.memory_space<vmem_shared>>)
      tpu.yield
    }) : () -> ()
    %add3A_15 = arith.constant 4728 : i32
    %add3A_16 = arith.addi %mul3A_2, %add3A_15 : i32
    "tpu.region"() ({
      %run_scoped3A_164 = tpu.sem_alloc : memref<!tpu.dma_semaphore, #tpu.memory_space<semaphore_mem>>
      %dma_start3A_165 = arith.constant 0 : i32
      %dma_start3A_166 = tpu.memref_slice %arg20[%add3A_16, %dma_start3A_165] : memref<100864x16xf32, #tpu.memory_space<vmem_shared>> -> memref<788x16xf32, #tpu.memory_space<vmem_shared>>
      %dma_start3A_167 = arith.constant 0 : i32
      %dma_start3A_168 = tpu.memref_slice %arg20[%add3A_16, %dma_start3A_167] : memref<100864x16xf32, #tpu.memory_space<vmem_shared>> -> memref<788x16xf32, #tpu.memory_space<vmem_shared>>
      tpu.enqueue_dma source(%arg19 : memref<788x16xf32, #tpu.memory_space<vmem>>) target(%dma_start3A_168 : memref<788x16xf32, #tpu.memory_space<vmem_shared>>) target_semaphore(%run_scoped3A_164 : memref<!tpu.dma_semaphore, #tpu.memory_space<semaphore_mem>>)
      %dma_wait3A_169 = arith.constant 0 : i32
      %dma_wait3A_170 = tpu.memref_slice %arg20[%add3A_16, %dma_wait3A_169] : memref<100864x16xf32, #tpu.memory_space<vmem_shared>> -> memref<788x16xf32, #tpu.memory_space<vmem_shared>>
      %dma_wait3A_171 = arith.constant 0 : i32
      %dma_wait3A_172 = tpu.memref_slice %arg20[%add3A_16, %dma_wait3A_171] : memref<100864x16xf32, #tpu.memory_space<vmem_shared>> -> memref<788x16xf32, #tpu.memory_space<vmem_shared>>
      tpu.wait_dma2 semaphore(%run_scoped3A_164 : memref<!tpu.dma_semaphore, #tpu.memory_space<semaphore_mem>>) src(%arg19 : memref<788x16xf32, #tpu.memory_space<vmem>>) dst(%dma_wait3A_172 : memref<788x16xf32, #tpu.memory_space<vmem_shared>>)
      tpu.yield
    }) : () -> ()
    %add3A_17 = arith.constant 5516 : i32
    %add3A_18 = arith.addi %mul3A_2, %add3A_17 : i32
    "tpu.region"() ({
      %run_scoped3A_164 = tpu.sem_alloc : memref<!tpu.dma_semaphore, #tpu.memory_space<semaphore_mem>>
      %dma_start3A_165 = arith.constant 0 : i32
      %dma_start3A_166 = tpu.memref_slice %arg20[%add3A_18, %dma_start3A_165] : memref<100864x16xf32, #tpu.memory_space<vmem_shared>> -> memref<788x16xf32, #tpu.memory_space<vmem_shared>>
      %dma_start3A_167 = arith.constant 0 : i32
      %dma_start3A_168 = tpu.memref_slice %arg20[%add3A_18, %dma_start3A_167] : memref<100864x16xf32, #tpu.memory_space<vmem_shared>> -> memref<788x16xf32, #tpu.memory_space<vmem_shared>>
      tpu.enqueue_dma source(%arg19 : memref<788x16xf32, #tpu.memory_space<vmem>>) target(%dma_start3A_168 : memref<788x16xf32, #tpu.memory_space<vmem_shared>>) target_semaphore(%run_scoped3A_164 : memref<!tpu.dma_semaphore, #tpu.memory_space<semaphore_mem>>)
      %dma_wait3A_169 = arith.constant 0 : i32
      %dma_wait3A_170 = tpu.memref_slice %arg20[%add3A_18, %dma_wait3A_169] : memref<100864x16xf32, #tpu.memory_space<vmem_shared>> -> memref<788x16xf32, #tpu.memory_space<vmem_shared>>
      %dma_wait3A_171 = arith.constant 0 : i32
      %dma_wait3A_172 = tpu.memref_slice %arg20[%add3A_18, %dma_wait3A_171] : memref<100864x16xf32, #tpu.memory_space<vmem_shared>> -> memref<788x16xf32, #tpu.memory_space<vmem_shared>>
      tpu.wait_dma2 semaphore(%run_scoped3A_164 : memref<!tpu.dma_semaphore, #tpu.memory_space<semaphore_mem>>) src(%arg19 : memref<788x16xf32, #tpu.memory_space<vmem>>) dst(%dma_wait3A_172 : memref<788x16xf32, #tpu.memory_space<vmem_shared>>)
      tpu.yield
    }) : () -> ()
    %barrier3A = arith.constant 0 : index
    tpu.barrier barrier_id(%barrier3A)
    %mul3A_19 = arith.constant 392 : i32
    %mul3A_20 = arith.muli %add3A, %mul3A_19 : i32
    %add3A_21 = arith.constant 0 : i32
    %add3A_22 = arith.addi %mul3A_20, %add3A_21 : i32
    %mul3A_23 = arith.constant 128 : i32
    %mul3A_24 = arith.muli %add3A_22, %mul3A_23 : i32
    %dma_start3A = tpu.memref_slice %arg2[%mul3A_24] : memref<1605632xi32, #tpu.memory_space<hbm>> -> memref<128xi32, #tpu.memory_space<hbm>>
    %dma_start3A_25 = tpu.memref_slice %arg2[%mul3A_24] : memref<1605632xi32, #tpu.memory_space<hbm>> -> memref<128xi32, #tpu.memory_space<hbm>>
    tpu.enqueue_dma source(%dma_start3A_25 : memref<128xi32, #tpu.memory_space<hbm>>) target(%arg7 : memref<128xi32, #tpu.memory_space<vmem>>) target_semaphore(%arg25 : memref<!tpu.dma_semaphore, #tpu.memory_space<semaphore_mem>>)
    %add3A_26 = arith.constant 0 : i32
    %add3A_27 = arith.addi %mul3A_20, %add3A_26 : i32
    %dma_start3A_28 = arith.constant 0 : i32
    %dma_start3A_29 = tpu.memref_slice %arg3[%add3A_27, %dma_start3A_28] : memref<12544x128xi32, #tpu.memory_space<hbm>> -> memref<1x128xi32, #tpu.memory_space<hbm>>
    %dma_start3A_30 = arith.constant 0 : i32
    %dma_start3A_31 = tpu.memref_slice %arg3[%add3A_27, %dma_start3A_30] : memref<12544x128xi32, #tpu.memory_space<hbm>> -> memref<1x128xi32, #tpu.memory_space<hbm>>
    tpu.enqueue_dma source(%dma_start3A_31 : memref<1x128xi32, #tpu.memory_space<hbm>>) target(%arg11 : memref<1x128xi32, #tpu.memory_space<vmem>>) target_semaphore(%arg29 : memref<!tpu.dma_semaphore, #tpu.memory_space<semaphore_mem>>)
    %add3A_32 = arith.constant 1 : i32
    %add3A_33 = arith.addi %mul3A_20, %add3A_32 : i32
    %mul3A_34 = arith.constant 128 : i32
    %mul3A_35 = arith.muli %add3A_33, %mul3A_34 : i32
    %dma_start3A_36 = tpu.memref_slice %arg2[%mul3A_35] : memref<1605632xi32, #tpu.memory_space<hbm>> -> memref<128xi32, #tpu.memory_space<hbm>>
    %dma_start3A_37 = tpu.memref_slice %arg2[%mul3A_35] : memref<1605632xi32, #tpu.memory_space<hbm>> -> memref<128xi32, #tpu.memory_space<hbm>>
    tpu.enqueue_dma source(%dma_start3A_37 : memref<128xi32, #tpu.memory_space<hbm>>) target(%arg8 : memref<128xi32, #tpu.memory_space<vmem>>) target_semaphore(%arg26 : memref<!tpu.dma_semaphore, #tpu.memory_space<semaphore_mem>>)
    %add3A_38 = arith.constant 1 : i32
    %add3A_39 = arith.addi %mul3A_20, %add3A_38 : i32
    %dma_start3A_40 = arith.constant 0 : i32
    %dma_start3A_41 = tpu.memref_slice %arg3[%add3A_39, %dma_start3A_40] : memref<12544x128xi32, #tpu.memory_space<hbm>> -> memref<1x128xi32, #tpu.memory_space<hbm>>
    %dma_start3A_42 = arith.constant 0 : i32
    %dma_start3A_43 = tpu.memref_slice %arg3[%add3A_39, %dma_start3A_42] : memref<12544x128xi32, #tpu.memory_space<hbm>> -> memref<1x128xi32, #tpu.memory_space<hbm>>
    tpu.enqueue_dma source(%dma_start3A_43 : memref<1x128xi32, #tpu.memory_space<hbm>>) target(%arg12 : memref<1x128xi32, #tpu.memory_space<vmem>>) target_semaphore(%arg30 : memref<!tpu.dma_semaphore, #tpu.memory_space<semaphore_mem>>)
    %mul3A_44 = arith.constant 128 : i32
    %mul3A_45 = arith.muli %mul3A_20, %mul3A_44 : i32
    %dma_wait3A = tpu.memref_slice %arg2[%mul3A_45] : memref<1605632xi32, #tpu.memory_space<hbm>> -> memref<128xi32, #tpu.memory_space<hbm>>
    %dma_wait3A_46 = tpu.memref_slice %arg2[%mul3A_45] : memref<1605632xi32, #tpu.memory_space<hbm>> -> memref<128xi32, #tpu.memory_space<hbm>>
    tpu.wait_dma2 semaphore(%arg25 : memref<!tpu.dma_semaphore, #tpu.memory_space<semaphore_mem>>) src(%dma_wait3A_46 : memref<128xi32, #tpu.memory_space<hbm>>) dst(%arg7 : memref<128xi32, #tpu.memory_space<vmem>>)
    %dma_start3A_47 = arith.constant 0 : i32
    %dma_start3A_48 = arith.constant 0 : i32
    %dma_start3A_49 = tpu.memref_slice %arg4[%dma_start3A_47, %dma_start3A_48] : memref<100000x16xf32, #tpu.memory_space<hbm>> -> memref<100000x16xf32, #tpu.memory_space<hbm>>
    tpu.enqueue_indirect_dma source(%dma_start3A_49 : memref<100000x16xf32, #tpu.memory_space<hbm>>) target(%arg15 : memref<128x16xf32, #tpu.memory_space<vmem>>) offsets(%arg7 : memref<128xi32, #tpu.memory_space<vmem>>) semaphore(%arg21 : memref<!tpu.dma_semaphore, #tpu.memory_space<semaphore_mem>>)
    %add3A_50 = arith.constant 2 : i32
    %add3A_51 = arith.addi %mul3A_20, %add3A_50 : i32
    %mul3A_52 = arith.constant 128 : i32
    %mul3A_53 = arith.muli %add3A_51, %mul3A_52 : i32
    %dma_start3A_54 = tpu.memref_slice %arg2[%mul3A_53] : memref<1605632xi32, #tpu.memory_space<hbm>> -> memref<128xi32, #tpu.memory_space<hbm>>
    %dma_start3A_55 = tpu.memref_slice %arg2[%mul3A_53] : memref<1605632xi32, #tpu.memory_space<hbm>> -> memref<128xi32, #tpu.memory_space<hbm>>
    tpu.enqueue_dma source(%dma_start3A_55 : memref<128xi32, #tpu.memory_space<hbm>>) target(%arg9 : memref<128xi32, #tpu.memory_space<vmem>>) target_semaphore(%arg27 : memref<!tpu.dma_semaphore, #tpu.memory_space<semaphore_mem>>)
    %add3A_56 = arith.constant 2 : i32
    %add3A_57 = arith.addi %mul3A_20, %add3A_56 : i32
    %dma_start3A_58 = arith.constant 0 : i32
    %dma_start3A_59 = tpu.memref_slice %arg3[%add3A_57, %dma_start3A_58] : memref<12544x128xi32, #tpu.memory_space<hbm>> -> memref<1x128xi32, #tpu.memory_space<hbm>>
    %dma_start3A_60 = arith.constant 0 : i32
    %dma_start3A_61 = tpu.memref_slice %arg3[%add3A_57, %dma_start3A_60] : memref<12544x128xi32, #tpu.memory_space<hbm>> -> memref<1x128xi32, #tpu.memory_space<hbm>>
    tpu.enqueue_dma source(%dma_start3A_61 : memref<1x128xi32, #tpu.memory_space<hbm>>) target(%arg13 : memref<1x128xi32, #tpu.memory_space<vmem>>) target_semaphore(%arg31 : memref<!tpu.dma_semaphore, #tpu.memory_space<semaphore_mem>>)
    %mul3A_62 = arith.constant 128 : i32
    %mul3A_63 = arith.muli %mul3A_20, %mul3A_62 : i32
    %dma_wait3A_64 = tpu.memref_slice %arg2[%mul3A_63] : memref<1605632xi32, #tpu.memory_space<hbm>> -> memref<128xi32, #tpu.memory_space<hbm>>
    %dma_wait3A_65 = tpu.memref_slice %arg2[%mul3A_63] : memref<1605632xi32, #tpu.memory_space<hbm>> -> memref<128xi32, #tpu.memory_space<hbm>>
    tpu.wait_dma2 semaphore(%arg26 : memref<!tpu.dma_semaphore, #tpu.memory_space<semaphore_mem>>) src(%dma_wait3A_65 : memref<128xi32, #tpu.memory_space<hbm>>) dst(%arg8 : memref<128xi32, #tpu.memory_space<vmem>>)
    %dma_start3A_66 = arith.constant 0 : i32
    %dma_start3A_67 = arith.constant 0 : i32
    %dma_start3A_68 = tpu.memref_slice %arg4[%dma_start3A_66, %dma_start3A_67] : memref<100000x16xf32, #tpu.memory_space<hbm>> -> memref<100000x16xf32, #tpu.memory_space<hbm>>
    tpu.enqueue_indirect_dma source(%dma_start3A_68 : memref<100000x16xf32, #tpu.memory_space<hbm>>) target(%arg16 : memref<128x16xf32, #tpu.memory_space<vmem>>) offsets(%arg8 : memref<128xi32, #tpu.memory_space<vmem>>) semaphore(%arg22 : memref<!tpu.dma_semaphore, #tpu.memory_space<semaphore_mem>>)
    %add3A_69 = arith.constant 3 : i32
    %add3A_70 = arith.addi %mul3A_20, %add3A_69 : i32
    %mul3A_71 = arith.constant 128 : i32
    %mul3A_72 = arith.muli %add3A_70, %mul3A_71 : i32
    %dma_start3A_73 = tpu.memref_slice %arg2[%mul3A_72] : memref<1605632xi32, #tpu.memory_space<hbm>> -> memref<128xi32, #tpu.memory_space<hbm>>
    %dma_start3A_74 = tpu.memref_slice %arg2[%mul3A_72] : memref<1605632xi32, #tpu.memory_space<hbm>> -> memref<128xi32, #tpu.memory_space<hbm>>
    tpu.enqueue_dma source(%dma_start3A_74 : memref<128xi32, #tpu.memory_space<hbm>>) target(%arg10 : memref<128xi32, #tpu.memory_space<vmem>>) target_semaphore(%arg28 : memref<!tpu.dma_semaphore, #tpu.memory_space<semaphore_mem>>)
    %add3A_75 = arith.constant 3 : i32
    %add3A_76 = arith.addi %mul3A_20, %add3A_75 : i32
    %dma_start3A_77 = arith.constant 0 : i32
    %dma_start3A_78 = tpu.memref_slice %arg3[%add3A_76, %dma_start3A_77] : memref<12544x128xi32, #tpu.memory_space<hbm>> -> memref<1x128xi32, #tpu.memory_space<hbm>>
    %dma_start3A_79 = arith.constant 0 : i32
    %dma_start3A_80 = tpu.memref_slice %arg3[%add3A_76, %dma_start3A_79] : memref<12544x128xi32, #tpu.memory_space<hbm>> -> memref<1x128xi32, #tpu.memory_space<hbm>>
    tpu.enqueue_dma source(%dma_start3A_80 : memref<1x128xi32, #tpu.memory_space<hbm>>) target(%arg14 : memref<1x128xi32, #tpu.memory_space<vmem>>) target_semaphore(%arg32 : memref<!tpu.dma_semaphore, #tpu.memory_space<semaphore_mem>>)
    %scan3A = arith.constant 0 : i32
    %scan3A_81 = arith.constant 0 : i32
    %scan3A_82 = arith.constant 97 : i32
    %scan3A_83 = arith.addi %scan3A_81, %scan3A_82 : i32
    %scan3A_84 = arith.constant 1 : i32
    scf.for %scan3A_164 = %scan3A_81 to %scan3A_83 step %scan3A_84  : i32 {
      %mul3A_165 = arith.constant 4 : i32
      %mul3A_166 = arith.muli %scan3A_164, %mul3A_165 : i32
      %add3A_167 = arith.constant 2 : i32
      %add3A_168 = arith.addi %mul3A_166, %add3A_167 : i32
      %dma_wait3A_169 = arith.constant 0 : i32
      %dma_wait3A_170 = arith.constant 0 : i32
      %dma_wait3A_171 = tpu.memref_slice %arg4[%dma_wait3A_169, %dma_wait3A_170] : memref<100000x16xf32, #tpu.memory_space<hbm>> -> memref<100000x16xf32, #tpu.memory_space<hbm>>
      tpu.wait_indirect_dma semaphore(%arg21 : memref<!tpu.dma_semaphore, #tpu.memory_space<semaphore_mem>>) src(%dma_wait3A_171 : memref<100000x16xf32, #tpu.memory_space<hbm>>) dst(%arg15 : memref<128x16xf32, #tpu.memory_space<vmem>>)
      %dma_wait3A_172 = arith.constant 0 : i32
      %dma_wait3A_173 = tpu.memref_slice %arg3[%mul3A_20, %dma_wait3A_172] : memref<12544x128xi32, #tpu.memory_space<hbm>> -> memref<1x128xi32, #tpu.memory_space<hbm>>
      %dma_wait3A_174 = arith.constant 0 : i32
      %dma_wait3A_175 = tpu.memref_slice %arg3[%mul3A_20, %dma_wait3A_174] : memref<12544x128xi32, #tpu.memory_space<hbm>> -> memref<1x128xi32, #tpu.memory_space<hbm>>
      tpu.wait_dma2 semaphore(%arg29 : memref<!tpu.dma_semaphore, #tpu.memory_space<semaphore_mem>>) src(%dma_wait3A_175 : memref<1x128xi32, #tpu.memory_space<hbm>>) dst(%arg11 : memref<1x128xi32, #tpu.memory_space<vmem>>)
      %run_scoped3A_176 = arith.constant 0 : i32
      "tpu.region"() ({
        %run_scoped3A_285 = tpu.sem_alloc : memref<!tpu.dma_semaphore, #tpu.memory_space<semaphore_mem>>
        %dma_start3A_286 = arith.constant 0 : i32
        %dma_start3A_287 = tpu.memref_slice %arg11[%run_scoped3A_176, %dma_start3A_286] : memref<1x128xi32, #tpu.memory_space<vmem>> -> memref<1x128xi32, #tpu.memory_space<vmem>>
        %dma_start3A_288 = tpu.memref_squeeze %dma_start3A_287 : memref<1x128xi32, #tpu.memory_space<vmem>> -> memref<128xi32, #tpu.memory_space<vmem>>
        %dma_start3A_289 = arith.constant 0 : i32
        %dma_start3A_290 = arith.constant 0 : i32
        %dma_start3A_291 = tpu.memref_slice %arg20[%dma_start3A_289, %dma_start3A_290] : memref<100864x16xf32, #tpu.memory_space<vmem_shared>> -> memref<100864x16xf32, #tpu.memory_space<vmem_shared>>
        tpu.enqueue_indirect_dma source(%arg15 : memref<128x16xf32, #tpu.memory_space<vmem>>) target(%dma_start3A_291 : memref<100864x16xf32, #tpu.memory_space<vmem_shared>>) offsets(%dma_start3A_288 : memref<128xi32, #tpu.memory_space<vmem>>) semaphore(%run_scoped3A_285 : memref<!tpu.dma_semaphore, #tpu.memory_space<semaphore_mem>>) {add = true}
        %dma_wait3A_292 = arith.constant 0 : i32
        %dma_wait3A_293 = tpu.memref_slice %arg11[%run_scoped3A_176, %dma_wait3A_292] : memref<1x128xi32, #tpu.memory_space<vmem>> -> memref<1x128xi32, #tpu.memory_space<vmem>>
        %dma_wait3A_294 = tpu.memref_squeeze %dma_wait3A_293 : memref<1x128xi32, #tpu.memory_space<vmem>> -> memref<128xi32, #tpu.memory_space<vmem>>
        %dma_wait3A_295 = arith.constant 0 : i32
        %dma_wait3A_296 = arith.constant 0 : i32
        %dma_wait3A_297 = tpu.memref_slice %arg20[%dma_wait3A_295, %dma_wait3A_296] : memref<100864x16xf32, #tpu.memory_space<vmem_shared>> -> memref<100864x16xf32, #tpu.memory_space<vmem_shared>>
        tpu.wait_indirect_dma semaphore(%run_scoped3A_285 : memref<!tpu.dma_semaphore, #tpu.memory_space<semaphore_mem>>) src(%arg15 : memref<128x16xf32, #tpu.memory_space<vmem>>) dst(%dma_wait3A_297 : memref<100864x16xf32, #tpu.memory_space<vmem_shared>>)
        tpu.yield
      }) : () -> ()
      %add3A_177 = arith.constant 0 : i32
      %add3A_178 = arith.addi %add3A_168, %add3A_177 : i32
      %add3A_179 = arith.constant 2 : i32
      %add3A_180 = arith.addi %add3A_178, %add3A_179 : i32
      %add3A_181 = arith.addi %mul3A_20, %add3A_180 : i32
      %mul3A_182 = arith.constant 128 : i32
      %mul3A_183 = arith.muli %add3A_181, %mul3A_182 : i32
      %dma_start3A_184 = tpu.memref_slice %arg2[%mul3A_183] : memref<1605632xi32, #tpu.memory_space<hbm>> -> memref<128xi32, #tpu.memory_space<hbm>>
      %dma_start3A_185 = tpu.memref_slice %arg2[%mul3A_183] : memref<1605632xi32, #tpu.memory_space<hbm>> -> memref<128xi32, #tpu.memory_space<hbm>>
      tpu.enqueue_dma source(%dma_start3A_185 : memref<128xi32, #tpu.memory_space<hbm>>) target(%arg7 : memref<128xi32, #tpu.memory_space<vmem>>) target_semaphore(%arg25 : memref<!tpu.dma_semaphore, #tpu.memory_space<semaphore_mem>>)
      %add3A_186 = arith.addi %mul3A_20, %add3A_180 : i32
      %dma_start3A_187 = arith.constant 0 : i32
      %dma_start3A_188 = tpu.memref_slice %arg3[%add3A_186, %dma_start3A_187] : memref<12544x128xi32, #tpu.memory_space<hbm>> -> memref<1x128xi32, #tpu.memory_space<hbm>>
      %dma_start3A_189 = arith.constant 0 : i32
      %dma_start3A_190 = tpu.memref_slice %arg3[%add3A_186, %dma_start3A_189] : memref<12544x128xi32, #tpu.memory_space<hbm>> -> memref<1x128xi32, #tpu.memory_space<hbm>>
      tpu.enqueue_dma source(%dma_start3A_190 : memref<1x128xi32, #tpu.memory_space<hbm>>) target(%arg11 : memref<1x128xi32, #tpu.memory_space<vmem>>) target_semaphore(%arg29 : memref<!tpu.dma_semaphore, #tpu.memory_space<semaphore_mem>>)
      %mul3A_191 = arith.constant 128 : i32
      %mul3A_192 = arith.muli %mul3A_20, %mul3A_191 : i32
      %dma_wait3A_193 = tpu.memref_slice %arg2[%mul3A_192] : memref<1605632xi32, #tpu.memory_space<hbm>> -> memref<128xi32, #tpu.memory_space<hbm>>
      %dma_wait3A_194 = tpu.memref_slice %arg2[%mul3A_192] : memref<1605632xi32, #tpu.memory_space<hbm>> -> memref<128xi32, #tpu.memory_space<hbm>>
      tpu.wait_dma2 semaphore(%arg27 : memref<!tpu.dma_semaphore, #tpu.memory_space<semaphore_mem>>) src(%dma_wait3A_194 : memref<128xi32, #tpu.memory_space<hbm>>) dst(%arg9 : memref<128xi32, #tpu.memory_space<vmem>>)
      %dma_start3A_195 = arith.constant 0 : i32
      %dma_start3A_196 = arith.constant 0 : i32
      %dma_start3A_197 = tpu.memref_slice %arg4[%dma_start3A_195, %dma_start3A_196] : memref<100000x16xf32, #tpu.memory_space<hbm>> -> memref<100000x16xf32, #tpu.memory_space<hbm>>
      tpu.enqueue_indirect_dma source(%dma_start3A_197 : memref<100000x16xf32, #tpu.memory_space<hbm>>) target(%arg17 : memref<128x16xf32, #tpu.memory_space<vmem>>) offsets(%arg9 : memref<128xi32, #tpu.memory_space<vmem>>) semaphore(%arg23 : memref<!tpu.dma_semaphore, #tpu.memory_space<semaphore_mem>>)
      %dma_wait3A_198 = arith.constant 0 : i32
      %dma_wait3A_199 = arith.constant 0 : i32
      %dma_wait3A_200 = tpu.memref_slice %arg4[%dma_wait3A_198, %dma_wait3A_199] : memref<100000x16xf32, #tpu.memory_space<hbm>> -> memref<100000x16xf32, #tpu.memory_space<hbm>>
      tpu.wait_indirect_dma semaphore(%arg22 : memref<!tpu.dma_semaphore, #tpu.memory_space<semaphore_mem>>) src(%dma_wait3A_200 : memref<100000x16xf32, #tpu.memory_space<hbm>>) dst(%arg16 : memref<128x16xf32, #tpu.memory_space<vmem>>)
      %dma_wait3A_201 = arith.constant 0 : i32
      %dma_wait3A_202 = tpu.memref_slice %arg3[%mul3A_20, %dma_wait3A_201] : memref<12544x128xi32, #tpu.memory_space<hbm>> -> memref<1x128xi32, #tpu.memory_space<hbm>>
      %dma_wait3A_203 = arith.constant 0 : i32
      %dma_wait3A_204 = tpu.memref_slice %arg3[%mul3A_20, %dma_wait3A_203] : memref<12544x128xi32, #tpu.memory_space<hbm>> -> memref<1x128xi32, #tpu.memory_space<hbm>>
      tpu.wait_dma2 semaphore(%arg30 : memref<!tpu.dma_semaphore, #tpu.memory_space<semaphore_mem>>) src(%dma_wait3A_204 : memref<1x128xi32, #tpu.memory_space<hbm>>) dst(%arg12 : memref<1x128xi32, #tpu.memory_space<vmem>>)
      %run_scoped3A_205 = arith.constant 0 : i32
      "tpu.region"() ({
        %run_scoped3A_285 = tpu.sem_alloc : memref<!tpu.dma_semaphore, #tpu.memory_space<semaphore_mem>>
        %dma_start3A_286 = arith.constant 0 : i32
        %dma_start3A_287 = tpu.memref_slice %arg12[%run_scoped3A_205, %dma_start3A_286] : memref<1x128xi32, #tpu.memory_space<vmem>> -> memref<1x128xi32, #tpu.memory_space<vmem>>
        %dma_start3A_288 = tpu.memref_squeeze %dma_start3A_287 : memref<1x128xi32, #tpu.memory_space<vmem>> -> memref<128xi32, #tpu.memory_space<vmem>>
        %dma_start3A_289 = arith.constant 0 : i32
        %dma_start3A_290 = arith.constant 0 : i32
        %dma_start3A_291 = tpu.memref_slice %arg20[%dma_start3A_289, %dma_start3A_290] : memref<100864x16xf32, #tpu.memory_space<vmem_shared>> -> memref<100864x16xf32, #tpu.memory_space<vmem_shared>>
        tpu.enqueue_indirect_dma source(%arg16 : memref<128x16xf32, #tpu.memory_space<vmem>>) target(%dma_start3A_291 : memref<100864x16xf32, #tpu.memory_space<vmem_shared>>) offsets(%dma_start3A_288 : memref<128xi32, #tpu.memory_space<vmem>>) semaphore(%run_scoped3A_285 : memref<!tpu.dma_semaphore, #tpu.memory_space<semaphore_mem>>) {add = true}
        %dma_wait3A_292 = arith.constant 0 : i32
        %dma_wait3A_293 = tpu.memref_slice %arg12[%run_scoped3A_205, %dma_wait3A_292] : memref<1x128xi32, #tpu.memory_space<vmem>> -> memref<1x128xi32, #tpu.memory_space<vmem>>
        %dma_wait3A_294 = tpu.memref_squeeze %dma_wait3A_293 : memref<1x128xi32, #tpu.memory_space<vmem>> -> memref<128xi32, #tpu.memory_space<vmem>>
        %dma_wait3A_295 = arith.constant 0 : i32
        %dma_wait3A_296 = arith.constant 0 : i32
        %dma_wait3A_297 = tpu.memref_slice %arg20[%dma_wait3A_295, %dma_wait3A_296] : memref<100864x16xf32, #tpu.memory_space<vmem_shared>> -> memref<100864x16xf32, #tpu.memory_space<vmem_shared>>
        tpu.wait_indirect_dma semaphore(%run_scoped3A_285 : memref<!tpu.dma_semaphore, #tpu.memory_space<semaphore_mem>>) src(%arg16 : memref<128x16xf32, #tpu.memory_space<vmem>>) dst(%dma_wait3A_297 : memref<100864x16xf32, #tpu.memory_space<vmem_shared>>)
        tpu.yield
      }) : () -> ()
      %add3A_206 = arith.constant 1 : i32
      %add3A_207 = arith.addi %add3A_168, %add3A_206 : i32
      %add3A_208 = arith.constant 2 : i32
      %add3A_209 = arith.addi %add3A_207, %add3A_208 : i32
      %add3A_210 = arith.addi %mul3A_20, %add3A_209 : i32
      %mul3A_211 = arith.constant 128 : i32
      %mul3A_212 = arith.muli %add3A_210, %mul3A_211 : i32
      %dma_start3A_213 = tpu.memref_slice %arg2[%mul3A_212] : memref<1605632xi32, #tpu.memory_space<hbm>> -> memref<128xi32, #tpu.memory_space<hbm>>
      %dma_start3A_214 = tpu.memref_slice %arg2[%mul3A_212] : memref<1605632xi32, #tpu.memory_space<hbm>> -> memref<128xi32, #tpu.memory_space<hbm>>
      tpu.enqueue_dma source(%dma_start3A_214 : memref<128xi32, #tpu.memory_space<hbm>>) target(%arg8 : memref<128xi32, #tpu.memory_space<vmem>>) target_semaphore(%arg26 : memref<!tpu.dma_semaphore, #tpu.memory_space<semaphore_mem>>)
      %add3A_215 = arith.addi %mul3A_20, %add3A_209 : i32
      %dma_start3A_216 = arith.constant 0 : i32
      %dma_start3A_217 = tpu.memref_slice %arg3[%add3A_215, %dma_start3A_216] : memref<12544x128xi32, #tpu.memory_space<hbm>> -> memref<1x128xi32, #tpu.memory_space<hbm>>
      %dma_start3A_218 = arith.constant 0 : i32
      %dma_start3A_219 = tpu.memref_slice %arg3[%add3A_215, %dma_start3A_218] : memref<12544x128xi32, #tpu.memory_space<hbm>> -> memref<1x128xi32, #tpu.memory_space<hbm>>
      tpu.enqueue_dma source(%dma_start3A_219 : memref<1x128xi32, #tpu.memory_space<hbm>>) target(%arg12 : memref<1x128xi32, #tpu.memory_space<vmem>>) target_semaphore(%arg30 : memref<!tpu.dma_semaphore, #tpu.memory_space<semaphore_mem>>)
      %mul3A_220 = arith.constant 128 : i32
      %mul3A_221 = arith.muli %mul3A_20, %mul3A_220 : i32
      %dma_wait3A_222 = tpu.memref_slice %arg2[%mul3A_221] : memref<1605632xi32, #tpu.memory_space<hbm>> -> memref<128xi32, #tpu.memory_space<hbm>>
      %dma_wait3A_223 = tpu.memref_slice %arg2[%mul3A_221] : memref<1605632xi32, #tpu.memory_space<hbm>> -> memref<128xi32, #tpu.memory_space<hbm>>
      tpu.wait_dma2 semaphore(%arg28 : memref<!tpu.dma_semaphore, #tpu.memory_space<semaphore_mem>>) src(%dma_wait3A_223 : memref<128xi32, #tpu.memory_space<hbm>>) dst(%arg10 : memref<128xi32, #tpu.memory_space<vmem>>)
      %dma_start3A_224 = arith.constant 0 : i32
      %dma_start3A_225 = arith.constant 0 : i32
      %dma_start3A_226 = tpu.memref_slice %arg4[%dma_start3A_224, %dma_start3A_225] : memref<100000x16xf32, #tpu.memory_space<hbm>> -> memref<100000x16xf32, #tpu.memory_space<hbm>>
      tpu.enqueue_indirect_dma source(%dma_start3A_226 : memref<100000x16xf32, #tpu.memory_space<hbm>>) target(%arg18 : memref<128x16xf32, #tpu.memory_space<vmem>>) offsets(%arg10 : memref<128xi32, #tpu.memory_space<vmem>>) semaphore(%arg24 : memref<!tpu.dma_semaphore, #tpu.memory_space<semaphore_mem>>)
      %dma_wait3A_227 = arith.constant 0 : i32
      %dma_wait3A_228 = arith.constant 0 : i32
      %dma_wait3A_229 = tpu.memref_slice %arg4[%dma_wait3A_227, %dma_wait3A_228] : memref<100000x16xf32, #tpu.memory_space<hbm>> -> memref<100000x16xf32, #tpu.memory_space<hbm>>
      tpu.wait_indirect_dma semaphore(%arg23 : memref<!tpu.dma_semaphore, #tpu.memory_space<semaphore_mem>>) src(%dma_wait3A_229 : memref<100000x16xf32, #tpu.memory_space<hbm>>) dst(%arg17 : memref<128x16xf32, #tpu.memory_space<vmem>>)
      %dma_wait3A_230 = arith.constant 0 : i32
      %dma_wait3A_231 = tpu.memref_slice %arg3[%mul3A_20, %dma_wait3A_230] : memref<12544x128xi32, #tpu.memory_space<hbm>> -> memref<1x128xi32, #tpu.memory_space<hbm>>
      %dma_wait3A_232 = arith.constant 0 : i32
      %dma_wait3A_233 = tpu.memref_slice %arg3[%mul3A_20, %dma_wait3A_232] : memref<12544x128xi32, #tpu.memory_space<hbm>> -> memref<1x128xi32, #tpu.memory_space<hbm>>
      tpu.wait_dma2 semaphore(%arg31 : memref<!tpu.dma_semaphore, #tpu.memory_space<semaphore_mem>>) src(%dma_wait3A_233 : memref<1x128xi32, #tpu.memory_space<hbm>>) dst(%arg13 : memref<1x128xi32, #tpu.memory_space<vmem>>)
      %run_scoped3A_234 = arith.constant 0 : i32
      "tpu.region"() ({
        %run_scoped3A_285 = tpu.sem_alloc : memref<!tpu.dma_semaphore, #tpu.memory_space<semaphore_mem>>
        %dma_start3A_286 = arith.constant 0 : i32
        %dma_start3A_287 = tpu.memref_slice %arg13[%run_scoped3A_234, %dma_start3A_286] : memref<1x128xi32, #tpu.memory_space<vmem>> -> memref<1x128xi32, #tpu.memory_space<vmem>>
        %dma_start3A_288 = tpu.memref_squeeze %dma_start3A_287 : memref<1x128xi32, #tpu.memory_space<vmem>> -> memref<128xi32, #tpu.memory_space<vmem>>
        %dma_start3A_289 = arith.constant 0 : i32
        %dma_start3A_290 = arith.constant 0 : i32
        %dma_start3A_291 = tpu.memref_slice %arg20[%dma_start3A_289, %dma_start3A_290] : memref<100864x16xf32, #tpu.memory_space<vmem_shared>> -> memref<100864x16xf32, #tpu.memory_space<vmem_shared>>
        tpu.enqueue_indirect_dma source(%arg17 : memref<128x16xf32, #tpu.memory_space<vmem>>) target(%dma_start3A_291 : memref<100864x16xf32, #tpu.memory_space<vmem_shared>>) offsets(%dma_start3A_288 : memref<128xi32, #tpu.memory_space<vmem>>) semaphore(%run_scoped3A_285 : memref<!tpu.dma_semaphore, #tpu.memory_space<semaphore_mem>>) {add = true}
        %dma_wait3A_292 = arith.constant 0 : i32
        %dma_wait3A_293 = tpu.memref_slice %arg13[%run_scoped3A_234, %dma_wait3A_292] : memref<1x128xi32, #tpu.memory_space<vmem>> -> memref<1x128xi32, #tpu.memory_space<vmem>>
        %dma_wait3A_294 = tpu.memref_squeeze %dma_wait3A_293 : memref<1x128xi32, #tpu.memory_space<vmem>> -> memref<128xi32, #tpu.memory_space<vmem>>
        %dma_wait3A_295 = arith.constant 0 : i32
        %dma_wait3A_296 = arith.constant 0 : i32
        %dma_wait3A_297 = tpu.memref_slice %arg20[%dma_wait3A_295, %dma_wait3A_296] : memref<100864x16xf32, #tpu.memory_space<vmem_shared>> -> memref<100864x16xf32, #tpu.memory_space<vmem_shared>>
        tpu.wait_indirect_dma semaphore(%run_scoped3A_285 : memref<!tpu.dma_semaphore, #tpu.memory_space<semaphore_mem>>) src(%arg17 : memref<128x16xf32, #tpu.memory_space<vmem>>) dst(%dma_wait3A_297 : memref<100864x16xf32, #tpu.memory_space<vmem_shared>>)
        tpu.yield
      }) : () -> ()
      %add3A_235 = arith.constant 2 : i32
      %add3A_236 = arith.addi %add3A_168, %add3A_235 : i32
      %add3A_237 = arith.constant 2 : i32
      %add3A_238 = arith.addi %add3A_236, %add3A_237 : i32
      %add3A_239 = arith.addi %mul3A_20, %add3A_238 : i32
      %mul3A_240 = arith.constant 128 : i32
      %mul3A_241 = arith.muli %add3A_239, %mul3A_240 : i32
      %dma_start3A_242 = tpu.memref_slice %arg2[%mul3A_241] : memref<1605632xi32, #tpu.memory_space<hbm>> -> memref<128xi32, #tpu.memory_space<hbm>>
      %dma_start3A_243 = tpu.memref_slice %arg2[%mul3A_241] : memref<1605632xi32, #tpu.memory_space<hbm>> -> memref<128xi32, #tpu.memory_space<hbm>>
      tpu.enqueue_dma source(%dma_start3A_243 : memref<128xi32, #tpu.memory_space<hbm>>) target(%arg9 : memref<128xi32, #tpu.memory_space<vmem>>) target_semaphore(%arg27 : memref<!tpu.dma_semaphore, #tpu.memory_space<semaphore_mem>>)
      %add3A_244 = arith.addi %mul3A_20, %add3A_238 : i32
      %dma_start3A_245 = arith.constant 0 : i32
      %dma_start3A_246 = tpu.memref_slice %arg3[%add3A_244, %dma_start3A_245] : memref<12544x128xi32, #tpu.memory_space<hbm>> -> memref<1x128xi32, #tpu.memory_space<hbm>>
      %dma_start3A_247 = arith.constant 0 : i32
      %dma_start3A_248 = tpu.memref_slice %arg3[%add3A_244, %dma_start3A_247] : memref<12544x128xi32, #tpu.memory_space<hbm>> -> memref<1x128xi32, #tpu.memory_space<hbm>>
      tpu.enqueue_dma source(%dma_start3A_248 : memref<1x128xi32, #tpu.memory_space<hbm>>) target(%arg13 : memref<1x128xi32, #tpu.memory_space<vmem>>) target_semaphore(%arg31 : memref<!tpu.dma_semaphore, #tpu.memory_space<semaphore_mem>>)
      %mul3A_249 = arith.constant 128 : i32
      %mul3A_250 = arith.muli %mul3A_20, %mul3A_249 : i32
      %dma_wait3A_251 = tpu.memref_slice %arg2[%mul3A_250] : memref<1605632xi32, #tpu.memory_space<hbm>> -> memref<128xi32, #tpu.memory_space<hbm>>
      %dma_wait3A_252 = tpu.memref_slice %arg2[%mul3A_250] : memref<1605632xi32, #tpu.memory_space<hbm>> -> memref<128xi32, #tpu.memory_space<hbm>>
      tpu.wait_dma2 semaphore(%arg25 : memref<!tpu.dma_semaphore, #tpu.memory_space<semaphore_mem>>) src(%dma_wait3A_252 : memref<128xi32, #tpu.memory_space<hbm>>) dst(%arg7 : memref<128xi32, #tpu.memory_space<vmem>>)
      %dma_start3A_253 = arith.constant 0 : i32
      %dma_start3A_254 = arith.constant 0 : i32
      %dma_start3A_255 = tpu.memref_slice %arg4[%dma_start3A_253, %dma_start3A_254] : memref<100000x16xf32, #tpu.memory_space<hbm>> -> memref<100000x16xf32, #tpu.memory_space<hbm>>
      tpu.enqueue_indirect_dma source(%dma_start3A_255 : memref<100000x16xf32, #tpu.memory_space<hbm>>) target(%arg15 : memref<128x16xf32, #tpu.memory_space<vmem>>) offsets(%arg7 : memref<128xi32, #tpu.memory_space<vmem>>) semaphore(%arg21 : memref<!tpu.dma_semaphore, #tpu.memory_space<semaphore_mem>>)
      %dma_wait3A_256 = arith.constant 0 : i32
      %dma_wait3A_257 = arith.constant 0 : i32
      %dma_wait3A_258 = tpu.memref_slice %arg4[%dma_wait3A_256, %dma_wait3A_257] : memref<100000x16xf32, #tpu.memory_space<hbm>> -> memref<100000x16xf32, #tpu.memory_space<hbm>>
      tpu.wait_indirect_dma semaphore(%arg24 : memref<!tpu.dma_semaphore, #tpu.memory_space<semaphore_mem>>) src(%dma_wait3A_258 : memref<100000x16xf32, #tpu.memory_space<hbm>>) dst(%arg18 : memref<128x16xf32, #tpu.memory_space<vmem>>)
      %dma_wait3A_259 = arith.constant 0 : i32
      %dma_wait3A_260 = tpu.memref_slice %arg3[%mul3A_20, %dma_wait3A_259] : memref<12544x128xi32, #tpu.memory_space<hbm>> -> memref<1x128xi32, #tpu.memory_space<hbm>>
      %dma_wait3A_261 = arith.constant 0 : i32
      %dma_wait3A_262 = tpu.memref_slice %arg3[%mul3A_20, %dma_wait3A_261] : memref<12544x128xi32, #tpu.memory_space<hbm>> -> memref<1x128xi32, #tpu.memory_space<hbm>>
      tpu.wait_dma2 semaphore(%arg32 : memref<!tpu.dma_semaphore, #tpu.memory_space<semaphore_mem>>) src(%dma_wait3A_262 : memref<1x128xi32, #tpu.memory_space<hbm>>) dst(%arg14 : memref<1x128xi32, #tpu.memory_space<vmem>>)
      %run_scoped3A_263 = arith.constant 0 : i32
      "tpu.region"() ({
        %run_scoped3A_285 = tpu.sem_alloc : memref<!tpu.dma_semaphore, #tpu.memory_space<semaphore_mem>>
        %dma_start3A_286 = arith.constant 0 : i32
        %dma_start3A_287 = tpu.memref_slice %arg14[%run_scoped3A_263, %dma_start3A_286] : memref<1x128xi32, #tpu.memory_space<vmem>> -> memref<1x128xi32, #tpu.memory_space<vmem>>
        %dma_start3A_288 = tpu.memref_squeeze %dma_start3A_287 : memref<1x128xi32, #tpu.memory_space<vmem>> -> memref<128xi32, #tpu.memory_space<vmem>>
        %dma_start3A_289 = arith.constant 0 : i32
        %dma_start3A_290 = arith.constant 0 : i32
        %dma_start3A_291 = tpu.memref_slice %arg20[%dma_start3A_289, %dma_start3A_290] : memref<100864x16xf32, #tpu.memory_space<vmem_shared>> -> memref<100864x16xf32, #tpu.memory_space<vmem_shared>>
        tpu.enqueue_indirect_dma source(%arg18 : memref<128x16xf32, #tpu.memory_space<vmem>>) target(%dma_start3A_291 : memref<100864x16xf32, #tpu.memory_space<vmem_shared>>) offsets(%dma_start3A_288 : memref<128xi32, #tpu.memory_space<vmem>>) semaphore(%run_scoped3A_285 : memref<!tpu.dma_semaphore, #tpu.memory_space<semaphore_mem>>) {add = true}
        %dma_wait3A_292 = arith.constant 0 : i32
        %dma_wait3A_293 = tpu.memref_slice %arg14[%run_scoped3A_263, %dma_wait3A_292] : memref<1x128xi32, #tpu.memory_space<vmem>> -> memref<1x128xi32, #tpu.memory_space<vmem>>
        %dma_wait3A_294 = tpu.memref_squeeze %dma_wait3A_293 : memref<1x128xi32, #tpu.memory_space<vmem>> -> memref<128xi32, #tpu.memory_space<vmem>>
        %dma_wait3A_295 = arith.constant 0 : i32
        %dma_wait3A_296 = arith.constant 0 : i32
        %dma_wait3A_297 = tpu.memref_slice %arg20[%dma_wait3A_295, %dma_wait3A_296] : memref<100864x16xf32, #tpu.memory_space<vmem_shared>> -> memref<100864x16xf32, #tpu.memory_space<vmem_shared>>
        tpu.wait_indirect_dma semaphore(%run_scoped3A_285 : memref<!tpu.dma_semaphore, #tpu.memory_space<semaphore_mem>>) src(%arg18 : memref<128x16xf32, #tpu.memory_space<vmem>>) dst(%dma_wait3A_297 : memref<100864x16xf32, #tpu.memory_space<vmem_shared>>)
        tpu.yield
      }) : () -> ()
      %add3A_264 = arith.constant 3 : i32
      %add3A_265 = arith.addi %add3A_168, %add3A_264 : i32
      %add3A_266 = arith.constant 2 : i32
      %add3A_267 = arith.addi %add3A_265, %add3A_266 : i32
      %add3A_268 = arith.addi %mul3A_20, %add3A_267 : i32
      %mul3A_269 = arith.constant 128 : i32
      %mul3A_270 = arith.muli %add3A_268, %mul3A_269 : i32
      %dma_start3A_271 = tpu.memref_slice %arg2[%mul3A_270] : memref<1605632xi32, #tpu.memory_space<hbm>> -> memref<128xi32, #tpu.memory_space<hbm>>
      %dma_start3A_272 = tpu.memref_slice %arg2[%mul3A_270] : memref<1605632xi32, #tpu.memory_space<hbm>> -> memref<128xi32, #tpu.memory_space<hbm>>
      tpu.enqueue_dma source(%dma_start3A_272 : memref<128xi32, #tpu.memory_space<hbm>>) target(%arg10 : memref<128xi32, #tpu.memory_space<vmem>>) target_semaphore(%arg28 : memref<!tpu.dma_semaphore, #tpu.memory_space<semaphore_mem>>)
      %add3A_273 = arith.addi %mul3A_20, %add3A_267 : i32
      %dma_start3A_274 = arith.constant 0 : i32
      %dma_start3A_275 = tpu.memref_slice %arg3[%add3A_273, %dma_start3A_274] : memref<12544x128xi32, #tpu.memory_space<hbm>> -> memref<1x128xi32, #tpu.memory_space<hbm>>
      %dma_start3A_276 = arith.constant 0 : i32
      %dma_start3A_277 = tpu.memref_slice %arg3[%add3A_273, %dma_start3A_276] : memref<12544x128xi32, #tpu.memory_space<hbm>> -> memref<1x128xi32, #tpu.memory_space<hbm>>
      tpu.enqueue_dma source(%dma_start3A_277 : memref<1x128xi32, #tpu.memory_space<hbm>>) target(%arg14 : memref<1x128xi32, #tpu.memory_space<vmem>>) target_semaphore(%arg32 : memref<!tpu.dma_semaphore, #tpu.memory_space<semaphore_mem>>)
      %mul3A_278 = arith.constant 128 : i32
      %mul3A_279 = arith.muli %mul3A_20, %mul3A_278 : i32
      %dma_wait3A_280 = tpu.memref_slice %arg2[%mul3A_279] : memref<1605632xi32, #tpu.memory_space<hbm>> -> memref<128xi32, #tpu.memory_space<hbm>>
      %dma_wait3A_281 = tpu.memref_slice %arg2[%mul3A_279] : memref<1605632xi32, #tpu.memory_space<hbm>> -> memref<128xi32, #tpu.memory_space<hbm>>
      tpu.wait_dma2 semaphore(%arg26 : memref<!tpu.dma_semaphore, #tpu.memory_space<semaphore_mem>>) src(%dma_wait3A_281 : memref<128xi32, #tpu.memory_space<hbm>>) dst(%arg8 : memref<128xi32, #tpu.memory_space<vmem>>)
      %dma_start3A_282 = arith.constant 0 : i32
      %dma_start3A_283 = arith.constant 0 : i32
      %dma_start3A_284 = tpu.memref_slice %arg4[%dma_start3A_282, %dma_start3A_283] : memref<100000x16xf32, #tpu.memory_space<hbm>> -> memref<100000x16xf32, #tpu.memory_space<hbm>>
      tpu.enqueue_indirect_dma source(%dma_start3A_284 : memref<100000x16xf32, #tpu.memory_space<hbm>>) target(%arg16 : memref<128x16xf32, #tpu.memory_space<vmem>>) offsets(%arg8 : memref<128xi32, #tpu.memory_space<vmem>>) semaphore(%arg22 : memref<!tpu.dma_semaphore, #tpu.memory_space<semaphore_mem>>)
    }
    %scan3A_85 = arith.constant 97 : i32
    %dma_wait3A_86 = arith.constant 0 : i32
    %dma_wait3A_87 = arith.constant 0 : i32
    %dma_wait3A_88 = tpu.memref_slice %arg4[%dma_wait3A_86, %dma_wait3A_87] : memref<100000x16xf32, #tpu.memory_space<hbm>> -> memref<100000x16xf32, #tpu.memory_space<hbm>>
    tpu.wait_indirect_dma semaphore(%arg21 : memref<!tpu.dma_semaphore, #tpu.memory_space<semaphore_mem>>) src(%dma_wait3A_88 : memref<100000x16xf32, #tpu.memory_space<hbm>>) dst(%arg15 : memref<128x16xf32, #tpu.memory_space<vmem>>)
    %dma_wait3A_89 = arith.constant 0 : i32
    %dma_wait3A_90 = tpu.memref_slice %arg3[%mul3A_20, %dma_wait3A_89] : memref<12544x128xi32, #tpu.memory_space<hbm>> -> memref<1x128xi32, #tpu.memory_space<hbm>>
    %dma_wait3A_91 = arith.constant 0 : i32
    %dma_wait3A_92 = tpu.memref_slice %arg3[%mul3A_20, %dma_wait3A_91] : memref<12544x128xi32, #tpu.memory_space<hbm>> -> memref<1x128xi32, #tpu.memory_space<hbm>>
    tpu.wait_dma2 semaphore(%arg29 : memref<!tpu.dma_semaphore, #tpu.memory_space<semaphore_mem>>) src(%dma_wait3A_92 : memref<1x128xi32, #tpu.memory_space<hbm>>) dst(%arg11 : memref<1x128xi32, #tpu.memory_space<vmem>>)
    %run_scoped3A = arith.constant 0 : i32
    "tpu.region"() ({
      %run_scoped3A_164 = tpu.sem_alloc : memref<!tpu.dma_semaphore, #tpu.memory_space<semaphore_mem>>
      %dma_start3A_165 = arith.constant 0 : i32
      %dma_start3A_166 = tpu.memref_slice %arg11[%run_scoped3A, %dma_start3A_165] : memref<1x128xi32, #tpu.memory_space<vmem>> -> memref<1x128xi32, #tpu.memory_space<vmem>>
      %dma_start3A_167 = tpu.memref_squeeze %dma_start3A_166 : memref<1x128xi32, #tpu.memory_space<vmem>> -> memref<128xi32, #tpu.memory_space<vmem>>
      %dma_start3A_168 = arith.constant 0 : i32
      %dma_start3A_169 = arith.constant 0 : i32
      %dma_start3A_170 = tpu.memref_slice %arg20[%dma_start3A_168, %dma_start3A_169] : memref<100864x16xf32, #tpu.memory_space<vmem_shared>> -> memref<100864x16xf32, #tpu.memory_space<vmem_shared>>
      tpu.enqueue_indirect_dma source(%arg15 : memref<128x16xf32, #tpu.memory_space<vmem>>) target(%dma_start3A_170 : memref<100864x16xf32, #tpu.memory_space<vmem_shared>>) offsets(%dma_start3A_167 : memref<128xi32, #tpu.memory_space<vmem>>) semaphore(%run_scoped3A_164 : memref<!tpu.dma_semaphore, #tpu.memory_space<semaphore_mem>>) {add = true}
      %dma_wait3A_171 = arith.constant 0 : i32
      %dma_wait3A_172 = tpu.memref_slice %arg11[%run_scoped3A, %dma_wait3A_171] : memref<1x128xi32, #tpu.memory_space<vmem>> -> memref<1x128xi32, #tpu.memory_space<vmem>>
      %dma_wait3A_173 = tpu.memref_squeeze %dma_wait3A_172 : memref<1x128xi32, #tpu.memory_space<vmem>> -> memref<128xi32, #tpu.memory_space<vmem>>
      %dma_wait3A_174 = arith.constant 0 : i32
      %dma_wait3A_175 = arith.constant 0 : i32
      %dma_wait3A_176 = tpu.memref_slice %arg20[%dma_wait3A_174, %dma_wait3A_175] : memref<100864x16xf32, #tpu.memory_space<vmem_shared>> -> memref<100864x16xf32, #tpu.memory_space<vmem_shared>>
      tpu.wait_indirect_dma semaphore(%run_scoped3A_164 : memref<!tpu.dma_semaphore, #tpu.memory_space<semaphore_mem>>) src(%arg15 : memref<128x16xf32, #tpu.memory_space<vmem>>) dst(%dma_wait3A_176 : memref<100864x16xf32, #tpu.memory_space<vmem_shared>>)
      tpu.yield
    }) : () -> ()
    %mul3A_93 = arith.constant 128 : i32
    %mul3A_94 = arith.muli %mul3A_20, %mul3A_93 : i32
    %dma_wait3A_95 = tpu.memref_slice %arg2[%mul3A_94] : memref<1605632xi32, #tpu.memory_space<hbm>> -> memref<128xi32, #tpu.memory_space<hbm>>
    %dma_wait3A_96 = tpu.memref_slice %arg2[%mul3A_94] : memref<1605632xi32, #tpu.memory_space<hbm>> -> memref<128xi32, #tpu.memory_space<hbm>>
    tpu.wait_dma2 semaphore(%arg27 : memref<!tpu.dma_semaphore, #tpu.memory_space<semaphore_mem>>) src(%dma_wait3A_96 : memref<128xi32, #tpu.memory_space<hbm>>) dst(%arg9 : memref<128xi32, #tpu.memory_space<vmem>>)
    %dma_start3A_97 = arith.constant 0 : i32
    %dma_start3A_98 = arith.constant 0 : i32
    %dma_start3A_99 = tpu.memref_slice %arg4[%dma_start3A_97, %dma_start3A_98] : memref<100000x16xf32, #tpu.memory_space<hbm>> -> memref<100000x16xf32, #tpu.memory_space<hbm>>
    tpu.enqueue_indirect_dma source(%dma_start3A_99 : memref<100000x16xf32, #tpu.memory_space<hbm>>) target(%arg17 : memref<128x16xf32, #tpu.memory_space<vmem>>) offsets(%arg9 : memref<128xi32, #tpu.memory_space<vmem>>) semaphore(%arg23 : memref<!tpu.dma_semaphore, #tpu.memory_space<semaphore_mem>>)
    %dma_wait3A_100 = arith.constant 0 : i32
    %dma_wait3A_101 = arith.constant 0 : i32
    %dma_wait3A_102 = tpu.memref_slice %arg4[%dma_wait3A_100, %dma_wait3A_101] : memref<100000x16xf32, #tpu.memory_space<hbm>> -> memref<100000x16xf32, #tpu.memory_space<hbm>>
    tpu.wait_indirect_dma semaphore(%arg22 : memref<!tpu.dma_semaphore, #tpu.memory_space<semaphore_mem>>) src(%dma_wait3A_102 : memref<100000x16xf32, #tpu.memory_space<hbm>>) dst(%arg16 : memref<128x16xf32, #tpu.memory_space<vmem>>)
    %dma_wait3A_103 = arith.constant 0 : i32
    %dma_wait3A_104 = tpu.memref_slice %arg3[%mul3A_20, %dma_wait3A_103] : memref<12544x128xi32, #tpu.memory_space<hbm>> -> memref<1x128xi32, #tpu.memory_space<hbm>>
    %dma_wait3A_105 = arith.constant 0 : i32
    %dma_wait3A_106 = tpu.memref_slice %arg3[%mul3A_20, %dma_wait3A_105] : memref<12544x128xi32, #tpu.memory_space<hbm>> -> memref<1x128xi32, #tpu.memory_space<hbm>>
    tpu.wait_dma2 semaphore(%arg30 : memref<!tpu.dma_semaphore, #tpu.memory_space<semaphore_mem>>) src(%dma_wait3A_106 : memref<1x128xi32, #tpu.memory_space<hbm>>) dst(%arg12 : memref<1x128xi32, #tpu.memory_space<vmem>>)
    %run_scoped3A_107 = arith.constant 0 : i32
    "tpu.region"() ({
      %run_scoped3A_164 = tpu.sem_alloc : memref<!tpu.dma_semaphore, #tpu.memory_space<semaphore_mem>>
      %dma_start3A_165 = arith.constant 0 : i32
      %dma_start3A_166 = tpu.memref_slice %arg12[%run_scoped3A_107, %dma_start3A_165] : memref<1x128xi32, #tpu.memory_space<vmem>> -> memref<1x128xi32, #tpu.memory_space<vmem>>
      %dma_start3A_167 = tpu.memref_squeeze %dma_start3A_166 : memref<1x128xi32, #tpu.memory_space<vmem>> -> memref<128xi32, #tpu.memory_space<vmem>>
      %dma_start3A_168 = arith.constant 0 : i32
      %dma_start3A_169 = arith.constant 0 : i32
      %dma_start3A_170 = tpu.memref_slice %arg20[%dma_start3A_168, %dma_start3A_169] : memref<100864x16xf32, #tpu.memory_space<vmem_shared>> -> memref<100864x16xf32, #tpu.memory_space<vmem_shared>>
      tpu.enqueue_indirect_dma source(%arg16 : memref<128x16xf32, #tpu.memory_space<vmem>>) target(%dma_start3A_170 : memref<100864x16xf32, #tpu.memory_space<vmem_shared>>) offsets(%dma_start3A_167 : memref<128xi32, #tpu.memory_space<vmem>>) semaphore(%run_scoped3A_164 : memref<!tpu.dma_semaphore, #tpu.memory_space<semaphore_mem>>) {add = true}
      %dma_wait3A_171 = arith.constant 0 : i32
      %dma_wait3A_172 = tpu.memref_slice %arg12[%run_scoped3A_107, %dma_wait3A_171] : memref<1x128xi32, #tpu.memory_space<vmem>> -> memref<1x128xi32, #tpu.memory_space<vmem>>
      %dma_wait3A_173 = tpu.memref_squeeze %dma_wait3A_172 : memref<1x128xi32, #tpu.memory_space<vmem>> -> memref<128xi32, #tpu.memory_space<vmem>>
      %dma_wait3A_174 = arith.constant 0 : i32
      %dma_wait3A_175 = arith.constant 0 : i32
      %dma_wait3A_176 = tpu.memref_slice %arg20[%dma_wait3A_174, %dma_wait3A_175] : memref<100864x16xf32, #tpu.memory_space<vmem_shared>> -> memref<100864x16xf32, #tpu.memory_space<vmem_shared>>
      tpu.wait_indirect_dma semaphore(%run_scoped3A_164 : memref<!tpu.dma_semaphore, #tpu.memory_space<semaphore_mem>>) src(%arg16 : memref<128x16xf32, #tpu.memory_space<vmem>>) dst(%dma_wait3A_176 : memref<100864x16xf32, #tpu.memory_space<vmem_shared>>)
      tpu.yield
    }) : () -> ()
    %mul3A_108 = arith.constant 128 : i32
    %mul3A_109 = arith.muli %mul3A_20, %mul3A_108 : i32
    %dma_wait3A_110 = tpu.memref_slice %arg2[%mul3A_109] : memref<1605632xi32, #tpu.memory_space<hbm>> -> memref<128xi32, #tpu.memory_space<hbm>>
    %dma_wait3A_111 = tpu.memref_slice %arg2[%mul3A_109] : memref<1605632xi32, #tpu.memory_space<hbm>> -> memref<128xi32, #tpu.memory_space<hbm>>
    tpu.wait_dma2 semaphore(%arg28 : memref<!tpu.dma_semaphore, #tpu.memory_space<semaphore_mem>>) src(%dma_wait3A_111 : memref<128xi32, #tpu.memory_space<hbm>>) dst(%arg10 : memref<128xi32, #tpu.memory_space<vmem>>)
    %dma_start3A_112 = arith.constant 0 : i32
    %dma_start3A_113 = arith.constant 0 : i32
    %dma_start3A_114 = tpu.memref_slice %arg4[%dma_start3A_112, %dma_start3A_113] : memref<100000x16xf32, #tpu.memory_space<hbm>> -> memref<100000x16xf32, #tpu.memory_space<hbm>>
    tpu.enqueue_indirect_dma source(%dma_start3A_114 : memref<100000x16xf32, #tpu.memory_space<hbm>>) target(%arg18 : memref<128x16xf32, #tpu.memory_space<vmem>>) offsets(%arg10 : memref<128xi32, #tpu.memory_space<vmem>>) semaphore(%arg24 : memref<!tpu.dma_semaphore, #tpu.memory_space<semaphore_mem>>)
    %dma_wait3A_115 = arith.constant 0 : i32
    %dma_wait3A_116 = arith.constant 0 : i32
    %dma_wait3A_117 = tpu.memref_slice %arg4[%dma_wait3A_115, %dma_wait3A_116] : memref<100000x16xf32, #tpu.memory_space<hbm>> -> memref<100000x16xf32, #tpu.memory_space<hbm>>
    tpu.wait_indirect_dma semaphore(%arg23 : memref<!tpu.dma_semaphore, #tpu.memory_space<semaphore_mem>>) src(%dma_wait3A_117 : memref<100000x16xf32, #tpu.memory_space<hbm>>) dst(%arg17 : memref<128x16xf32, #tpu.memory_space<vmem>>)
    %dma_wait3A_118 = arith.constant 0 : i32
    %dma_wait3A_119 = tpu.memref_slice %arg3[%mul3A_20, %dma_wait3A_118] : memref<12544x128xi32, #tpu.memory_space<hbm>> -> memref<1x128xi32, #tpu.memory_space<hbm>>
    %dma_wait3A_120 = arith.constant 0 : i32
    %dma_wait3A_121 = tpu.memref_slice %arg3[%mul3A_20, %dma_wait3A_120] : memref<12544x128xi32, #tpu.memory_space<hbm>> -> memref<1x128xi32, #tpu.memory_space<hbm>>
    tpu.wait_dma2 semaphore(%arg31 : memref<!tpu.dma_semaphore, #tpu.memory_space<semaphore_mem>>) src(%dma_wait3A_121 : memref<1x128xi32, #tpu.memory_space<hbm>>) dst(%arg13 : memref<1x128xi32, #tpu.memory_space<vmem>>)
    %run_scoped3A_122 = arith.constant 0 : i32
    "tpu.region"() ({
      %run_scoped3A_164 = tpu.sem_alloc : memref<!tpu.dma_semaphore, #tpu.memory_space<semaphore_mem>>
      %dma_start3A_165 = arith.constant 0 : i32
      %dma_start3A_166 = tpu.memref_slice %arg13[%run_scoped3A_122, %dma_start3A_165] : memref<1x128xi32, #tpu.memory_space<vmem>> -> memref<1x128xi32, #tpu.memory_space<vmem>>
      %dma_start3A_167 = tpu.memref_squeeze %dma_start3A_166 : memref<1x128xi32, #tpu.memory_space<vmem>> -> memref<128xi32, #tpu.memory_space<vmem>>
      %dma_start3A_168 = arith.constant 0 : i32
      %dma_start3A_169 = arith.constant 0 : i32
      %dma_start3A_170 = tpu.memref_slice %arg20[%dma_start3A_168, %dma_start3A_169] : memref<100864x16xf32, #tpu.memory_space<vmem_shared>> -> memref<100864x16xf32, #tpu.memory_space<vmem_shared>>
      tpu.enqueue_indirect_dma source(%arg17 : memref<128x16xf32, #tpu.memory_space<vmem>>) target(%dma_start3A_170 : memref<100864x16xf32, #tpu.memory_space<vmem_shared>>) offsets(%dma_start3A_167 : memref<128xi32, #tpu.memory_space<vmem>>) semaphore(%run_scoped3A_164 : memref<!tpu.dma_semaphore, #tpu.memory_space<semaphore_mem>>) {add = true}
      %dma_wait3A_171 = arith.constant 0 : i32
      %dma_wait3A_172 = tpu.memref_slice %arg13[%run_scoped3A_122, %dma_wait3A_171] : memref<1x128xi32, #tpu.memory_space<vmem>> -> memref<1x128xi32, #tpu.memory_space<vmem>>
      %dma_wait3A_173 = tpu.memref_squeeze %dma_wait3A_172 : memref<1x128xi32, #tpu.memory_space<vmem>> -> memref<128xi32, #tpu.memory_space<vmem>>
      %dma_wait3A_174 = arith.constant 0 : i32
      %dma_wait3A_175 = arith.constant 0 : i32
      %dma_wait3A_176 = tpu.memref_slice %arg20[%dma_wait3A_174, %dma_wait3A_175] : memref<100864x16xf32, #tpu.memory_space<vmem_shared>> -> memref<100864x16xf32, #tpu.memory_space<vmem_shared>>
      tpu.wait_indirect_dma semaphore(%run_scoped3A_164 : memref<!tpu.dma_semaphore, #tpu.memory_space<semaphore_mem>>) src(%arg17 : memref<128x16xf32, #tpu.memory_space<vmem>>) dst(%dma_wait3A_176 : memref<100864x16xf32, #tpu.memory_space<vmem_shared>>)
      tpu.yield
    }) : () -> ()
    %dma_wait3A_123 = arith.constant 0 : i32
    %dma_wait3A_124 = arith.constant 0 : i32
    %dma_wait3A_125 = tpu.memref_slice %arg4[%dma_wait3A_123, %dma_wait3A_124] : memref<100000x16xf32, #tpu.memory_space<hbm>> -> memref<100000x16xf32, #tpu.memory_space<hbm>>
    tpu.wait_indirect_dma semaphore(%arg24 : memref<!tpu.dma_semaphore, #tpu.memory_space<semaphore_mem>>) src(%dma_wait3A_125 : memref<100000x16xf32, #tpu.memory_space<hbm>>) dst(%arg18 : memref<128x16xf32, #tpu.memory_space<vmem>>)
    %dma_wait3A_126 = arith.constant 0 : i32
    %dma_wait3A_127 = tpu.memref_slice %arg3[%mul3A_20, %dma_wait3A_126] : memref<12544x128xi32, #tpu.memory_space<hbm>> -> memref<1x128xi32, #tpu.memory_space<hbm>>
    %dma_wait3A_128 = arith.constant 0 : i32
    %dma_wait3A_129 = tpu.memref_slice %arg3[%mul3A_20, %dma_wait3A_128] : memref<12544x128xi32, #tpu.memory_space<hbm>> -> memref<1x128xi32, #tpu.memory_space<hbm>>
    tpu.wait_dma2 semaphore(%arg32 : memref<!tpu.dma_semaphore, #tpu.memory_space<semaphore_mem>>) src(%dma_wait3A_129 : memref<1x128xi32, #tpu.memory_space<hbm>>) dst(%arg14 : memref<1x128xi32, #tpu.memory_space<vmem>>)
    %run_scoped3A_130 = arith.constant 0 : i32
    "tpu.region"() ({
      %run_scoped3A_164 = tpu.sem_alloc : memref<!tpu.dma_semaphore, #tpu.memory_space<semaphore_mem>>
      %dma_start3A_165 = arith.constant 0 : i32
      %dma_start3A_166 = tpu.memref_slice %arg14[%run_scoped3A_130, %dma_start3A_165] : memref<1x128xi32, #tpu.memory_space<vmem>> -> memref<1x128xi32, #tpu.memory_space<vmem>>
      %dma_start3A_167 = tpu.memref_squeeze %dma_start3A_166 : memref<1x128xi32, #tpu.memory_space<vmem>> -> memref<128xi32, #tpu.memory_space<vmem>>
      %dma_start3A_168 = arith.constant 0 : i32
      %dma_start3A_169 = arith.constant 0 : i32
      %dma_start3A_170 = tpu.memref_slice %arg20[%dma_start3A_168, %dma_start3A_169] : memref<100864x16xf32, #tpu.memory_space<vmem_shared>> -> memref<100864x16xf32, #tpu.memory_space<vmem_shared>>
      tpu.enqueue_indirect_dma source(%arg18 : memref<128x16xf32, #tpu.memory_space<vmem>>) target(%dma_start3A_170 : memref<100864x16xf32, #tpu.memory_space<vmem_shared>>) offsets(%dma_start3A_167 : memref<128xi32, #tpu.memory_space<vmem>>) semaphore(%run_scoped3A_164 : memref<!tpu.dma_semaphore, #tpu.memory_space<semaphore_mem>>) {add = true}
      %dma_wait3A_171 = arith.constant 0 : i32
      %dma_wait3A_172 = tpu.memref_slice %arg14[%run_scoped3A_130, %dma_wait3A_171] : memref<1x128xi32, #tpu.memory_space<vmem>> -> memref<1x128xi32, #tpu.memory_space<vmem>>
      %dma_wait3A_173 = tpu.memref_squeeze %dma_wait3A_172 : memref<1x128xi32, #tpu.memory_space<vmem>> -> memref<128xi32, #tpu.memory_space<vmem>>
      %dma_wait3A_174 = arith.constant 0 : i32
      %dma_wait3A_175 = arith.constant 0 : i32
      %dma_wait3A_176 = tpu.memref_slice %arg20[%dma_wait3A_174, %dma_wait3A_175] : memref<100864x16xf32, #tpu.memory_space<vmem_shared>> -> memref<100864x16xf32, #tpu.memory_space<vmem_shared>>
      tpu.wait_indirect_dma semaphore(%run_scoped3A_164 : memref<!tpu.dma_semaphore, #tpu.memory_space<semaphore_mem>>) src(%arg18 : memref<128x16xf32, #tpu.memory_space<vmem>>) dst(%dma_wait3A_176 : memref<100864x16xf32, #tpu.memory_space<vmem_shared>>)
      tpu.yield
    }) : () -> ()
    %barrier3A_131 = arith.constant 0 : index
    tpu.barrier barrier_id(%barrier3A_131)
    %add3A_132 = arith.constant 0 : i32
    %add3A_133 = arith.addi %mul3A_2, %add3A_132 : i32
    "tpu.region"() ({
      %run_scoped3A_164 = tpu.sem_alloc : memref<!tpu.dma_semaphore, #tpu.memory_space<semaphore_mem>>
      %dma_start3A_165 = arith.constant 0 : i32
      %dma_start3A_166 = tpu.memref_slice %arg20[%add3A_133, %dma_start3A_165] : memref<100864x16xf32, #tpu.memory_space<vmem_shared>> -> memref<788x16xf32, #tpu.memory_space<vmem_shared>>
      %dma_start3A_167 = arith.constant 0 : i32
      %dma_start3A_168 = tpu.memref_slice %arg20[%add3A_133, %dma_start3A_167] : memref<100864x16xf32, #tpu.memory_space<vmem_shared>> -> memref<788x16xf32, #tpu.memory_space<vmem_shared>>
      tpu.enqueue_dma source(%dma_start3A_168 : memref<788x16xf32, #tpu.memory_space<vmem_shared>>) target(%arg19 : memref<788x16xf32, #tpu.memory_space<vmem>>) target_semaphore(%run_scoped3A_164 : memref<!tpu.dma_semaphore, #tpu.memory_space<semaphore_mem>>)
      %dma_wait3A_169 = arith.constant 0 : i32
      %dma_wait3A_170 = tpu.memref_slice %arg20[%add3A_133, %dma_wait3A_169] : memref<100864x16xf32, #tpu.memory_space<vmem_shared>> -> memref<788x16xf32, #tpu.memory_space<vmem_shared>>
      %dma_wait3A_171 = arith.constant 0 : i32
      %dma_wait3A_172 = tpu.memref_slice %arg20[%add3A_133, %dma_wait3A_171] : memref<100864x16xf32, #tpu.memory_space<vmem_shared>> -> memref<788x16xf32, #tpu.memory_space<vmem_shared>>
      tpu.wait_dma2 semaphore(%run_scoped3A_164 : memref<!tpu.dma_semaphore, #tpu.memory_space<semaphore_mem>>) src(%dma_wait3A_172 : memref<788x16xf32, #tpu.memory_space<vmem_shared>>) dst(%arg19 : memref<788x16xf32, #tpu.memory_space<vmem>>)
      tpu.yield
    }) : () -> ()
    %add3A_134 = arith.constant 0 : i32
    %add3A_135 = arith.addi %mul3A_2, %add3A_134 : i32
    "tpu.region"() ({
      %run_scoped3A_164 = tpu.sem_alloc : memref<!tpu.dma_semaphore, #tpu.memory_space<semaphore_mem>>
      %dma_start3A_165 = arith.constant 0 : i32
      %dma_start3A_166 = tpu.memref_slice %arg6[%arg0, %add3A_135, %dma_start3A_165] : memref<2x100864x16xf32, #tpu.memory_space<hbm>> -> memref<1x788x16xf32, #tpu.memory_space<hbm>>
      %dma_start3A_167 = tpu.memref_squeeze %dma_start3A_166 : memref<1x788x16xf32, #tpu.memory_space<hbm>> -> memref<788x16xf32, #tpu.memory_space<hbm>>
      %dma_start3A_168 = arith.constant 0 : i32
      %dma_start3A_169 = tpu.memref_slice %arg6[%arg0, %add3A_135, %dma_start3A_168] : memref<2x100864x16xf32, #tpu.memory_space<hbm>> -> memref<1x788x16xf32, #tpu.memory_space<hbm>>
      %dma_start3A_170 = tpu.memref_squeeze %dma_start3A_169 : memref<1x788x16xf32, #tpu.memory_space<hbm>> -> memref<788x16xf32, #tpu.memory_space<hbm>>
      tpu.enqueue_dma source(%arg19 : memref<788x16xf32, #tpu.memory_space<vmem>>) target(%dma_start3A_170 : memref<788x16xf32, #tpu.memory_space<hbm>>) target_semaphore(%run_scoped3A_164 : memref<!tpu.dma_semaphore, #tpu.memory_space<semaphore_mem>>)
      %dma_wait3A_171 = arith.constant 0 : i32
      %dma_wait3A_172 = tpu.memref_slice %arg6[%arg0, %add3A_135, %dma_wait3A_171] : memref<2x100864x16xf32, #tpu.memory_space<hbm>> -> memref<1x788x16xf32, #tpu.memory_space<hbm>>
      %dma_wait3A_173 = tpu.memref_squeeze %dma_wait3A_172 : memref<1x788x16xf32, #tpu.memory_space<hbm>> -> memref<788x16xf32, #tpu.memory_space<hbm>>
      %dma_wait3A_174 = arith.constant 0 : i32
      %dma_wait3A_175 = tpu.memref_slice %arg6[%arg0, %add3A_135, %dma_wait3A_174] : memref<2x100864x16xf32, #tpu.memory_space<hbm>> -> memref<1x788x16xf32, #tpu.memory_space<hbm>>
      %dma_wait3A_176 = tpu.memref_squeeze %dma_wait3A_175 : memref<1x788x16xf32, #tpu.memory_space<hbm>> -> memref<788x16xf32, #tpu.memory_space<hbm>>
      tpu.wait_dma2 semaphore(%run_scoped3A_164 : memref<!tpu.dma_semaphore, #tpu.memory_space<semaphore_mem>>) src(%arg19 : memref<788x16xf32, #tpu.memory_space<vmem>>) dst(%dma_wait3A_176 : memref<788x16xf32, #tpu.memory_space<hbm>>)
      tpu.yield
    }) : () -> ()
    %add3A_136 = arith.constant 788 : i32
    %add3A_137 = arith.addi %mul3A_2, %add3A_136 : i32
    "tpu.region"() ({
      %run_scoped3A_164 = tpu.sem_alloc : memref<!tpu.dma_semaphore, #tpu.memory_space<semaphore_mem>>
      %dma_start3A_165 = arith.constant 0 : i32
      %dma_start3A_166 = tpu.memref_slice %arg20[%add3A_137, %dma_start3A_165] : memref<100864x16xf32, #tpu.memory_space<vmem_shared>> -> memref<788x16xf32, #tpu.memory_space<vmem_shared>>
      %dma_start3A_167 = arith.constant 0 : i32
      %dma_start3A_168 = tpu.memref_slice %arg20[%add3A_137, %dma_start3A_167] : memref<100864x16xf32, #tpu.memory_space<vmem_shared>> -> memref<788x16xf32, #tpu.memory_space<vmem_shared>>
      tpu.enqueue_dma source(%dma_start3A_168 : memref<788x16xf32, #tpu.memory_space<vmem_shared>>) target(%arg19 : memref<788x16xf32, #tpu.memory_space<vmem>>) target_semaphore(%run_scoped3A_164 : memref<!tpu.dma_semaphore, #tpu.memory_space<semaphore_mem>>)
      %dma_wait3A_169 = arith.constant 0 : i32
      %dma_wait3A_170 = tpu.memref_slice %arg20[%add3A_137, %dma_wait3A_169] : memref<100864x16xf32, #tpu.memory_space<vmem_shared>> -> memref<788x16xf32, #tpu.memory_space<vmem_shared>>
      %dma_wait3A_171 = arith.constant 0 : i32
      %dma_wait3A_172 = tpu.memref_slice %arg20[%add3A_137, %dma_wait3A_171] : memref<100864x16xf32, #tpu.memory_space<vmem_shared>> -> memref<788x16xf32, #tpu.memory_space<vmem_shared>>
      tpu.wait_dma2 semaphore(%run_scoped3A_164 : memref<!tpu.dma_semaphore, #tpu.memory_space<semaphore_mem>>) src(%dma_wait3A_172 : memref<788x16xf32, #tpu.memory_space<vmem_shared>>) dst(%arg19 : memref<788x16xf32, #tpu.memory_space<vmem>>)
      tpu.yield
    }) : () -> ()
    %add3A_138 = arith.constant 788 : i32
    %add3A_139 = arith.addi %mul3A_2, %add3A_138 : i32
    "tpu.region"() ({
      %run_scoped3A_164 = tpu.sem_alloc : memref<!tpu.dma_semaphore, #tpu.memory_space<semaphore_mem>>
      %dma_start3A_165 = arith.constant 0 : i32
      %dma_start3A_166 = tpu.memref_slice %arg6[%arg0, %add3A_139, %dma_start3A_165] : memref<2x100864x16xf32, #tpu.memory_space<hbm>> -> memref<1x788x16xf32, #tpu.memory_space<hbm>>
      %dma_start3A_167 = tpu.memref_squeeze %dma_start3A_166 : memref<1x788x16xf32, #tpu.memory_space<hbm>> -> memref<788x16xf32, #tpu.memory_space<hbm>>
      %dma_start3A_168 = arith.constant 0 : i32
      %dma_start3A_169 = tpu.memref_slice %arg6[%arg0, %add3A_139, %dma_start3A_168] : memref<2x100864x16xf32, #tpu.memory_space<hbm>> -> memref<1x788x16xf32, #tpu.memory_space<hbm>>
      %dma_start3A_170 = tpu.memref_squeeze %dma_start3A_169 : memref<1x788x16xf32, #tpu.memory_space<hbm>> -> memref<788x16xf32, #tpu.memory_space<hbm>>
      tpu.enqueue_dma source(%arg19 : memref<788x16xf32, #tpu.memory_space<vmem>>) target(%dma_start3A_170 : memref<788x16xf32, #tpu.memory_space<hbm>>) target_semaphore(%run_scoped3A_164 : memref<!tpu.dma_semaphore, #tpu.memory_space<semaphore_mem>>)
      %dma_wait3A_171 = arith.constant 0 : i32
      %dma_wait3A_172 = tpu.memref_slice %arg6[%arg0, %add3A_139, %dma_wait3A_171] : memref<2x100864x16xf32, #tpu.memory_space<hbm>> -> memref<1x788x16xf32, #tpu.memory_space<hbm>>
      %dma_wait3A_173 = tpu.memref_squeeze %dma_wait3A_172 : memref<1x788x16xf32, #tpu.memory_space<hbm>> -> memref<788x16xf32, #tpu.memory_space<hbm>>
      %dma_wait3A_174 = arith.constant 0 : i32
      %dma_wait3A_175 = tpu.memref_slice %arg6[%arg0, %add3A_139, %dma_wait3A_174] : memref<2x100864x16xf32, #tpu.memory_space<hbm>> -> memref<1x788x16xf32, #tpu.memory_space<hbm>>
      %dma_wait3A_176 = tpu.memref_squeeze %dma_wait3A_175 : memref<1x788x16xf32, #tpu.memory_space<hbm>> -> memref<788x16xf32, #tpu.memory_space<hbm>>
      tpu.wait_dma2 semaphore(%run_scoped3A_164 : memref<!tpu.dma_semaphore, #tpu.memory_space<semaphore_mem>>) src(%arg19 : memref<788x16xf32, #tpu.memory_space<vmem>>) dst(%dma_wait3A_176 : memref<788x16xf32, #tpu.memory_space<hbm>>)
      tpu.yield
    }) : () -> ()
    %add3A_140 = arith.constant 1576 : i32
    %add3A_141 = arith.addi %mul3A_2, %add3A_140 : i32
    "tpu.region"() ({
      %run_scoped3A_164 = tpu.sem_alloc : memref<!tpu.dma_semaphore, #tpu.memory_space<semaphore_mem>>
      %dma_start3A_165 = arith.constant 0 : i32
      %dma_start3A_166 = tpu.memref_slice %arg20[%add3A_141, %dma_start3A_165] : memref<100864x16xf32, #tpu.memory_space<vmem_shared>> -> memref<788x16xf32, #tpu.memory_space<vmem_shared>>
      %dma_start3A_167 = arith.constant 0 : i32
      %dma_start3A_168 = tpu.memref_slice %arg20[%add3A_141, %dma_start3A_167] : memref<100864x16xf32, #tpu.memory_space<vmem_shared>> -> memref<788x16xf32, #tpu.memory_space<vmem_shared>>
      tpu.enqueue_dma source(%dma_start3A_168 : memref<788x16xf32, #tpu.memory_space<vmem_shared>>) target(%arg19 : memref<788x16xf32, #tpu.memory_space<vmem>>) target_semaphore(%run_scoped3A_164 : memref<!tpu.dma_semaphore, #tpu.memory_space<semaphore_mem>>)
      %dma_wait3A_169 = arith.constant 0 : i32
      %dma_wait3A_170 = tpu.memref_slice %arg20[%add3A_141, %dma_wait3A_169] : memref<100864x16xf32, #tpu.memory_space<vmem_shared>> -> memref<788x16xf32, #tpu.memory_space<vmem_shared>>
      %dma_wait3A_171 = arith.constant 0 : i32
      %dma_wait3A_172 = tpu.memref_slice %arg20[%add3A_141, %dma_wait3A_171] : memref<100864x16xf32, #tpu.memory_space<vmem_shared>> -> memref<788x16xf32, #tpu.memory_space<vmem_shared>>
      tpu.wait_dma2 semaphore(%run_scoped3A_164 : memref<!tpu.dma_semaphore, #tpu.memory_space<semaphore_mem>>) src(%dma_wait3A_172 : memref<788x16xf32, #tpu.memory_space<vmem_shared>>) dst(%arg19 : memref<788x16xf32, #tpu.memory_space<vmem>>)
      tpu.yield
    }) : () -> ()
    %add3A_142 = arith.constant 1576 : i32
    %add3A_143 = arith.addi %mul3A_2, %add3A_142 : i32
    "tpu.region"() ({
      %run_scoped3A_164 = tpu.sem_alloc : memref<!tpu.dma_semaphore, #tpu.memory_space<semaphore_mem>>
      %dma_start3A_165 = arith.constant 0 : i32
      %dma_start3A_166 = tpu.memref_slice %arg6[%arg0, %add3A_143, %dma_start3A_165] : memref<2x100864x16xf32, #tpu.memory_space<hbm>> -> memref<1x788x16xf32, #tpu.memory_space<hbm>>
      %dma_start3A_167 = tpu.memref_squeeze %dma_start3A_166 : memref<1x788x16xf32, #tpu.memory_space<hbm>> -> memref<788x16xf32, #tpu.memory_space<hbm>>
      %dma_start3A_168 = arith.constant 0 : i32
      %dma_start3A_169 = tpu.memref_slice %arg6[%arg0, %add3A_143, %dma_start3A_168] : memref<2x100864x16xf32, #tpu.memory_space<hbm>> -> memref<1x788x16xf32, #tpu.memory_space<hbm>>
      %dma_start3A_170 = tpu.memref_squeeze %dma_start3A_169 : memref<1x788x16xf32, #tpu.memory_space<hbm>> -> memref<788x16xf32, #tpu.memory_space<hbm>>
      tpu.enqueue_dma source(%arg19 : memref<788x16xf32, #tpu.memory_space<vmem>>) target(%dma_start3A_170 : memref<788x16xf32, #tpu.memory_space<hbm>>) target_semaphore(%run_scoped3A_164 : memref<!tpu.dma_semaphore, #tpu.memory_space<semaphore_mem>>)
      %dma_wait3A_171 = arith.constant 0 : i32
      %dma_wait3A_172 = tpu.memref_slice %arg6[%arg0, %add3A_143, %dma_wait3A_171] : memref<2x100864x16xf32, #tpu.memory_space<hbm>> -> memref<1x788x16xf32, #tpu.memory_space<hbm>>
      %dma_wait3A_173 = tpu.memref_squeeze %dma_wait3A_172 : memref<1x788x16xf32, #tpu.memory_space<hbm>> -> memref<788x16xf32, #tpu.memory_space<hbm>>
      %dma_wait3A_174 = arith.constant 0 : i32
      %dma_wait3A_175 = tpu.memref_slice %arg6[%arg0, %add3A_143, %dma_wait3A_174] : memref<2x100864x16xf32, #tpu.memory_space<hbm>> -> memref<1x788x16xf32, #tpu.memory_space<hbm>>
      %dma_wait3A_176 = tpu.memref_squeeze %dma_wait3A_175 : memref<1x788x16xf32, #tpu.memory_space<hbm>> -> memref<788x16xf32, #tpu.memory_space<hbm>>
      tpu.wait_dma2 semaphore(%run_scoped3A_164 : memref<!tpu.dma_semaphore, #tpu.memory_space<semaphore_mem>>) src(%arg19 : memref<788x16xf32, #tpu.memory_space<vmem>>) dst(%dma_wait3A_176 : memref<788x16xf32, #tpu.memory_space<hbm>>)
      tpu.yield
    }) : () -> ()
    %add3A_144 = arith.constant 2364 : i32
    %add3A_145 = arith.addi %mul3A_2, %add3A_144 : i32
    "tpu.region"() ({
      %run_scoped3A_164 = tpu.sem_alloc : memref<!tpu.dma_semaphore, #tpu.memory_space<semaphore_mem>>
      %dma_start3A_165 = arith.constant 0 : i32
      %dma_start3A_166 = tpu.memref_slice %arg20[%add3A_145, %dma_start3A_165] : memref<100864x16xf32, #tpu.memory_space<vmem_shared>> -> memref<788x16xf32, #tpu.memory_space<vmem_shared>>
      %dma_start3A_167 = arith.constant 0 : i32
      %dma_start3A_168 = tpu.memref_slice %arg20[%add3A_145, %dma_start3A_167] : memref<100864x16xf32, #tpu.memory_space<vmem_shared>> -> memref<788x16xf32, #tpu.memory_space<vmem_shared>>
      tpu.enqueue_dma source(%dma_start3A_168 : memref<788x16xf32, #tpu.memory_space<vmem_shared>>) target(%arg19 : memref<788x16xf32, #tpu.memory_space<vmem>>) target_semaphore(%run_scoped3A_164 : memref<!tpu.dma_semaphore, #tpu.memory_space<semaphore_mem>>)
      %dma_wait3A_169 = arith.constant 0 : i32
      %dma_wait3A_170 = tpu.memref_slice %arg20[%add3A_145, %dma_wait3A_169] : memref<100864x16xf32, #tpu.memory_space<vmem_shared>> -> memref<788x16xf32, #tpu.memory_space<vmem_shared>>
      %dma_wait3A_171 = arith.constant 0 : i32
      %dma_wait3A_172 = tpu.memref_slice %arg20[%add3A_145, %dma_wait3A_171] : memref<100864x16xf32, #tpu.memory_space<vmem_shared>> -> memref<788x16xf32, #tpu.memory_space<vmem_shared>>
      tpu.wait_dma2 semaphore(%run_scoped3A_164 : memref<!tpu.dma_semaphore, #tpu.memory_space<semaphore_mem>>) src(%dma_wait3A_172 : memref<788x16xf32, #tpu.memory_space<vmem_shared>>) dst(%arg19 : memref<788x16xf32, #tpu.memory_space<vmem>>)
      tpu.yield
    }) : () -> ()
    %add3A_146 = arith.constant 2364 : i32
    %add3A_147 = arith.addi %mul3A_2, %add3A_146 : i32
    "tpu.region"() ({
      %run_scoped3A_164 = tpu.sem_alloc : memref<!tpu.dma_semaphore, #tpu.memory_space<semaphore_mem>>
      %dma_start3A_165 = arith.constant 0 : i32
      %dma_start3A_166 = tpu.memref_slice %arg6[%arg0, %add3A_147, %dma_start3A_165] : memref<2x100864x16xf32, #tpu.memory_space<hbm>> -> memref<1x788x16xf32, #tpu.memory_space<hbm>>
      %dma_start3A_167 = tpu.memref_squeeze %dma_start3A_166 : memref<1x788x16xf32, #tpu.memory_space<hbm>> -> memref<788x16xf32, #tpu.memory_space<hbm>>
      %dma_start3A_168 = arith.constant 0 : i32
      %dma_start3A_169 = tpu.memref_slice %arg6[%arg0, %add3A_147, %dma_start3A_168] : memref<2x100864x16xf32, #tpu.memory_space<hbm>> -> memref<1x788x16xf32, #tpu.memory_space<hbm>>
      %dma_start3A_170 = tpu.memref_squeeze %dma_start3A_169 : memref<1x788x16xf32, #tpu.memory_space<hbm>> -> memref<788x16xf32, #tpu.memory_space<hbm>>
      tpu.enqueue_dma source(%arg19 : memref<788x16xf32, #tpu.memory_space<vmem>>) target(%dma_start3A_170 : memref<788x16xf32, #tpu.memory_space<hbm>>) target_semaphore(%run_scoped3A_164 : memref<!tpu.dma_semaphore, #tpu.memory_space<semaphore_mem>>)
      %dma_wait3A_171 = arith.constant 0 : i32
      %dma_wait3A_172 = tpu.memref_slice %arg6[%arg0, %add3A_147, %dma_wait3A_171] : memref<2x100864x16xf32, #tpu.memory_space<hbm>> -> memref<1x788x16xf32, #tpu.memory_space<hbm>>
      %dma_wait3A_173 = tpu.memref_squeeze %dma_wait3A_172 : memref<1x788x16xf32, #tpu.memory_space<hbm>> -> memref<788x16xf32, #tpu.memory_space<hbm>>
      %dma_wait3A_174 = arith.constant 0 : i32
      %dma_wait3A_175 = tpu.memref_slice %arg6[%arg0, %add3A_147, %dma_wait3A_174] : memref<2x100864x16xf32, #tpu.memory_space<hbm>> -> memref<1x788x16xf32, #tpu.memory_space<hbm>>
      %dma_wait3A_176 = tpu.memref_squeeze %dma_wait3A_175 : memref<1x788x16xf32, #tpu.memory_space<hbm>> -> memref<788x16xf32, #tpu.memory_space<hbm>>
      tpu.wait_dma2 semaphore(%run_scoped3A_164 : memref<!tpu.dma_semaphore, #tpu.memory_space<semaphore_mem>>) src(%arg19 : memref<788x16xf32, #tpu.memory_space<vmem>>) dst(%dma_wait3A_176 : memref<788x16xf32, #tpu.memory_space<hbm>>)
      tpu.yield
    }) : () -> ()
    %add3A_148 = arith.constant 3152 : i32
    %add3A_149 = arith.addi %mul3A_2, %add3A_148 : i32
    "tpu.region"() ({
      %run_scoped3A_164 = tpu.sem_alloc : memref<!tpu.dma_semaphore, #tpu.memory_space<semaphore_mem>>
      %dma_start3A_165 = arith.constant 0 : i32
      %dma_start3A_166 = tpu.memref_slice %arg20[%add3A_149, %dma_start3A_165] : memref<100864x16xf32, #tpu.memory_space<vmem_shared>> -> memref<788x16xf32, #tpu.memory_space<vmem_shared>>
      %dma_start3A_167 = arith.constant 0 : i32
      %dma_start3A_168 = tpu.memref_slice %arg20[%add3A_149, %dma_start3A_167] : memref<100864x16xf32, #tpu.memory_space<vmem_shared>> -> memref<788x16xf32, #tpu.memory_space<vmem_shared>>
      tpu.enqueue_dma source(%dma_start3A_168 : memref<788x16xf32, #tpu.memory_space<vmem_shared>>) target(%arg19 : memref<788x16xf32, #tpu.memory_space<vmem>>) target_semaphore(%run_scoped3A_164 : memref<!tpu.dma_semaphore, #tpu.memory_space<semaphore_mem>>)
      %dma_wait3A_169 = arith.constant 0 : i32
      %dma_wait3A_170 = tpu.memref_slice %arg20[%add3A_149, %dma_wait3A_169] : memref<100864x16xf32, #tpu.memory_space<vmem_shared>> -> memref<788x16xf32, #tpu.memory_space<vmem_shared>>
      %dma_wait3A_171 = arith.constant 0 : i32
      %dma_wait3A_172 = tpu.memref_slice %arg20[%add3A_149, %dma_wait3A_171] : memref<100864x16xf32, #tpu.memory_space<vmem_shared>> -> memref<788x16xf32, #tpu.memory_space<vmem_shared>>
      tpu.wait_dma2 semaphore(%run_scoped3A_164 : memref<!tpu.dma_semaphore, #tpu.memory_space<semaphore_mem>>) src(%dma_wait3A_172 : memref<788x16xf32, #tpu.memory_space<vmem_shared>>) dst(%arg19 : memref<788x16xf32, #tpu.memory_space<vmem>>)
      tpu.yield
    }) : () -> ()
    %add3A_150 = arith.constant 3152 : i32
    %add3A_151 = arith.addi %mul3A_2, %add3A_150 : i32
    "tpu.region"() ({
      %run_scoped3A_164 = tpu.sem_alloc : memref<!tpu.dma_semaphore, #tpu.memory_space<semaphore_mem>>
      %dma_start3A_165 = arith.constant 0 : i32
      %dma_start3A_166 = tpu.memref_slice %arg6[%arg0, %add3A_151, %dma_start3A_165] : memref<2x100864x16xf32, #tpu.memory_space<hbm>> -> memref<1x788x16xf32, #tpu.memory_space<hbm>>
      %dma_start3A_167 = tpu.memref_squeeze %dma_start3A_166 : memref<1x788x16xf32, #tpu.memory_space<hbm>> -> memref<788x16xf32, #tpu.memory_space<hbm>>
      %dma_start3A_168 = arith.constant 0 : i32
      %dma_start3A_169 = tpu.memref_slice %arg6[%arg0, %add3A_151, %dma_start3A_168] : memref<2x100864x16xf32, #tpu.memory_space<hbm>> -> memref<1x788x16xf32, #tpu.memory_space<hbm>>
      %dma_start3A_170 = tpu.memref_squeeze %dma_start3A_169 : memref<1x788x16xf32, #tpu.memory_space<hbm>> -> memref<788x16xf32, #tpu.memory_space<hbm>>
      tpu.enqueue_dma source(%arg19 : memref<788x16xf32, #tpu.memory_space<vmem>>) target(%dma_start3A_170 : memref<788x16xf32, #tpu.memory_space<hbm>>) target_semaphore(%run_scoped3A_164 : memref<!tpu.dma_semaphore, #tpu.memory_space<semaphore_mem>>)
      %dma_wait3A_171 = arith.constant 0 : i32
      %dma_wait3A_172 = tpu.memref_slice %arg6[%arg0, %add3A_151, %dma_wait3A_171] : memref<2x100864x16xf32, #tpu.memory_space<hbm>> -> memref<1x788x16xf32, #tpu.memory_space<hbm>>
      %dma_wait3A_173 = tpu.memref_squeeze %dma_wait3A_172 : memref<1x788x16xf32, #tpu.memory_space<hbm>> -> memref<788x16xf32, #tpu.memory_space<hbm>>
      %dma_wait3A_174 = arith.constant 0 : i32
      %dma_wait3A_175 = tpu.memref_slice %arg6[%arg0, %add3A_151, %dma_wait3A_174] : memref<2x100864x16xf32, #tpu.memory_space<hbm>> -> memref<1x788x16xf32, #tpu.memory_space<hbm>>
      %dma_wait3A_176 = tpu.memref_squeeze %dma_wait3A_175 : memref<1x788x16xf32, #tpu.memory_space<hbm>> -> memref<788x16xf32, #tpu.memory_space<hbm>>
      tpu.wait_dma2 semaphore(%run_scoped3A_164 : memref<!tpu.dma_semaphore, #tpu.memory_space<semaphore_mem>>) src(%arg19 : memref<788x16xf32, #tpu.memory_space<vmem>>) dst(%dma_wait3A_176 : memref<788x16xf32, #tpu.memory_space<hbm>>)
      tpu.yield
    }) : () -> ()
    %add3A_152 = arith.constant 3940 : i32
    %add3A_153 = arith.addi %mul3A_2, %add3A_152 : i32
    "tpu.region"() ({
      %run_scoped3A_164 = tpu.sem_alloc : memref<!tpu.dma_semaphore, #tpu.memory_space<semaphore_mem>>
      %dma_start3A_165 = arith.constant 0 : i32
      %dma_start3A_166 = tpu.memref_slice %arg20[%add3A_153, %dma_start3A_165] : memref<100864x16xf32, #tpu.memory_space<vmem_shared>> -> memref<788x16xf32, #tpu.memory_space<vmem_shared>>
      %dma_start3A_167 = arith.constant 0 : i32
      %dma_start3A_168 = tpu.memref_slice %arg20[%add3A_153, %dma_start3A_167] : memref<100864x16xf32, #tpu.memory_space<vmem_shared>> -> memref<788x16xf32, #tpu.memory_space<vmem_shared>>
      tpu.enqueue_dma source(%dma_start3A_168 : memref<788x16xf32, #tpu.memory_space<vmem_shared>>) target(%arg19 : memref<788x16xf32, #tpu.memory_space<vmem>>) target_semaphore(%run_scoped3A_164 : memref<!tpu.dma_semaphore, #tpu.memory_space<semaphore_mem>>)
      %dma_wait3A_169 = arith.constant 0 : i32
      %dma_wait3A_170 = tpu.memref_slice %arg20[%add3A_153, %dma_wait3A_169] : memref<100864x16xf32, #tpu.memory_space<vmem_shared>> -> memref<788x16xf32, #tpu.memory_space<vmem_shared>>
      %dma_wait3A_171 = arith.constant 0 : i32
      %dma_wait3A_172 = tpu.memref_slice %arg20[%add3A_153, %dma_wait3A_171] : memref<100864x16xf32, #tpu.memory_space<vmem_shared>> -> memref<788x16xf32, #tpu.memory_space<vmem_shared>>
      tpu.wait_dma2 semaphore(%run_scoped3A_164 : memref<!tpu.dma_semaphore, #tpu.memory_space<semaphore_mem>>) src(%dma_wait3A_172 : memref<788x16xf32, #tpu.memory_space<vmem_shared>>) dst(%arg19 : memref<788x16xf32, #tpu.memory_space<vmem>>)
      tpu.yield
    }) : () -> ()
    %add3A_154 = arith.constant 3940 : i32
    %add3A_155 = arith.addi %mul3A_2, %add3A_154 : i32
    "tpu.region"() ({
      %run_scoped3A_164 = tpu.sem_alloc : memref<!tpu.dma_semaphore, #tpu.memory_space<semaphore_mem>>
      %dma_start3A_165 = arith.constant 0 : i32
      %dma_start3A_166 = tpu.memref_slice %arg6[%arg0, %add3A_155, %dma_start3A_165] : memref<2x100864x16xf32, #tpu.memory_space<hbm>> -> memref<1x788x16xf32, #tpu.memory_space<hbm>>
      %dma_start3A_167 = tpu.memref_squeeze %dma_start3A_166 : memref<1x788x16xf32, #tpu.memory_space<hbm>> -> memref<788x16xf32, #tpu.memory_space<hbm>>
      %dma_start3A_168 = arith.constant 0 : i32
      %dma_start3A_169 = tpu.memref_slice %arg6[%arg0, %add3A_155, %dma_start3A_168] : memref<2x100864x16xf32, #tpu.memory_space<hbm>> -> memref<1x788x16xf32, #tpu.memory_space<hbm>>
      %dma_start3A_170 = tpu.memref_squeeze %dma_start3A_169 : memref<1x788x16xf32, #tpu.memory_space<hbm>> -> memref<788x16xf32, #tpu.memory_space<hbm>>
      tpu.enqueue_dma source(%arg19 : memref<788x16xf32, #tpu.memory_space<vmem>>) target(%dma_start3A_170 : memref<788x16xf32, #tpu.memory_space<hbm>>) target_semaphore(%run_scoped3A_164 : memref<!tpu.dma_semaphore, #tpu.memory_space<semaphore_mem>>)
      %dma_wait3A_171 = arith.constant 0 : i32
      %dma_wait3A_172 = tpu.memref_slice %arg6[%arg0, %add3A_155, %dma_wait3A_171] : memref<2x100864x16xf32, #tpu.memory_space<hbm>> -> memref<1x788x16xf32, #tpu.memory_space<hbm>>
      %dma_wait3A_173 = tpu.memref_squeeze %dma_wait3A_172 : memref<1x788x16xf32, #tpu.memory_space<hbm>> -> memref<788x16xf32, #tpu.memory_space<hbm>>
      %dma_wait3A_174 = arith.constant 0 : i32
      %dma_wait3A_175 = tpu.memref_slice %arg6[%arg0, %add3A_155, %dma_wait3A_174] : memref<2x100864x16xf32, #tpu.memory_space<hbm>> -> memref<1x788x16xf32, #tpu.memory_space<hbm>>
      %dma_wait3A_176 = tpu.memref_squeeze %dma_wait3A_175 : memref<1x788x16xf32, #tpu.memory_space<hbm>> -> memref<788x16xf32, #tpu.memory_space<hbm>>
      tpu.wait_dma2 semaphore(%run_scoped3A_164 : memref<!tpu.dma_semaphore, #tpu.memory_space<semaphore_mem>>) src(%arg19 : memref<788x16xf32, #tpu.memory_space<vmem>>) dst(%dma_wait3A_176 : memref<788x16xf32, #tpu.memory_space<hbm>>)
      tpu.yield
    }) : () -> ()
    %add3A_156 = arith.constant 4728 : i32
    %add3A_157 = arith.addi %mul3A_2, %add3A_156 : i32
    "tpu.region"() ({
      %run_scoped3A_164 = tpu.sem_alloc : memref<!tpu.dma_semaphore, #tpu.memory_space<semaphore_mem>>
      %dma_start3A_165 = arith.constant 0 : i32
      %dma_start3A_166 = tpu.memref_slice %arg20[%add3A_157, %dma_start3A_165] : memref<100864x16xf32, #tpu.memory_space<vmem_shared>> -> memref<788x16xf32, #tpu.memory_space<vmem_shared>>
      %dma_start3A_167 = arith.constant 0 : i32
      %dma_start3A_168 = tpu.memref_slice %arg20[%add3A_157, %dma_start3A_167] : memref<100864x16xf32, #tpu.memory_space<vmem_shared>> -> memref<788x16xf32, #tpu.memory_space<vmem_shared>>
      tpu.enqueue_dma source(%dma_start3A_168 : memref<788x16xf32, #tpu.memory_space<vmem_shared>>) target(%arg19 : memref<788x16xf32, #tpu.memory_space<vmem>>) target_semaphore(%run_scoped3A_164 : memref<!tpu.dma_semaphore, #tpu.memory_space<semaphore_mem>>)
      %dma_wait3A_169 = arith.constant 0 : i32
      %dma_wait3A_170 = tpu.memref_slice %arg20[%add3A_157, %dma_wait3A_169] : memref<100864x16xf32, #tpu.memory_space<vmem_shared>> -> memref<788x16xf32, #tpu.memory_space<vmem_shared>>
      %dma_wait3A_171 = arith.constant 0 : i32
      %dma_wait3A_172 = tpu.memref_slice %arg20[%add3A_157, %dma_wait3A_171] : memref<100864x16xf32, #tpu.memory_space<vmem_shared>> -> memref<788x16xf32, #tpu.memory_space<vmem_shared>>
      tpu.wait_dma2 semaphore(%run_scoped3A_164 : memref<!tpu.dma_semaphore, #tpu.memory_space<semaphore_mem>>) src(%dma_wait3A_172 : memref<788x16xf32, #tpu.memory_space<vmem_shared>>) dst(%arg19 : memref<788x16xf32, #tpu.memory_space<vmem>>)
      tpu.yield
    }) : () -> ()
    %add3A_158 = arith.constant 4728 : i32
    %add3A_159 = arith.addi %mul3A_2, %add3A_158 : i32
    "tpu.region"() ({
      %run_scoped3A_164 = tpu.sem_alloc : memref<!tpu.dma_semaphore, #tpu.memory_space<semaphore_mem>>
      %dma_start3A_165 = arith.constant 0 : i32
      %dma_start3A_166 = tpu.memref_slice %arg6[%arg0, %add3A_159, %dma_start3A_165] : memref<2x100864x16xf32, #tpu.memory_space<hbm>> -> memref<1x788x16xf32, #tpu.memory_space<hbm>>
      %dma_start3A_167 = tpu.memref_squeeze %dma_start3A_166 : memref<1x788x16xf32, #tpu.memory_space<hbm>> -> memref<788x16xf32, #tpu.memory_space<hbm>>
      %dma_start3A_168 = arith.constant 0 : i32
      %dma_start3A_169 = tpu.memref_slice %arg6[%arg0, %add3A_159, %dma_start3A_168] : memref<2x100864x16xf32, #tpu.memory_space<hbm>> -> memref<1x788x16xf32, #tpu.memory_space<hbm>>
      %dma_start3A_170 = tpu.memref_squeeze %dma_start3A_169 : memref<1x788x16xf32, #tpu.memory_space<hbm>> -> memref<788x16xf32, #tpu.memory_space<hbm>>
      tpu.enqueue_dma source(%arg19 : memref<788x16xf32, #tpu.memory_space<vmem>>) target(%dma_start3A_170 : memref<788x16xf32, #tpu.memory_space<hbm>>) target_semaphore(%run_scoped3A_164 : memref<!tpu.dma_semaphore, #tpu.memory_space<semaphore_mem>>)
      %dma_wait3A_171 = arith.constant 0 : i32
      %dma_wait3A_172 = tpu.memref_slice %arg6[%arg0, %add3A_159, %dma_wait3A_171] : memref<2x100864x16xf32, #tpu.memory_space<hbm>> -> memref<1x788x16xf32, #tpu.memory_space<hbm>>
      %dma_wait3A_173 = tpu.memref_squeeze %dma_wait3A_172 : memref<1x788x16xf32, #tpu.memory_space<hbm>> -> memref<788x16xf32, #tpu.memory_space<hbm>>
      %dma_wait3A_174 = arith.constant 0 : i32
      %dma_wait3A_175 = tpu.memref_slice %arg6[%arg0, %add3A_159, %dma_wait3A_174] : memref<2x100864x16xf32, #tpu.memory_space<hbm>> -> memref<1x788x16xf32, #tpu.memory_space<hbm>>
      %dma_wait3A_176 = tpu.memref_squeeze %dma_wait3A_175 : memref<1x788x16xf32, #tpu.memory_space<hbm>> -> memref<788x16xf32, #tpu.memory_space<hbm>>
      tpu.wait_dma2 semaphore(%run_scoped3A_164 : memref<!tpu.dma_semaphore, #tpu.memory_space<semaphore_mem>>) src(%arg19 : memref<788x16xf32, #tpu.memory_space<vmem>>) dst(%dma_wait3A_176 : memref<788x16xf32, #tpu.memory_space<hbm>>)
      tpu.yield
    }) : () -> ()
    %add3A_160 = arith.constant 5516 : i32
    %add3A_161 = arith.addi %mul3A_2, %add3A_160 : i32
    "tpu.region"() ({
      %run_scoped3A_164 = tpu.sem_alloc : memref<!tpu.dma_semaphore, #tpu.memory_space<semaphore_mem>>
      %dma_start3A_165 = arith.constant 0 : i32
      %dma_start3A_166 = tpu.memref_slice %arg20[%add3A_161, %dma_start3A_165] : memref<100864x16xf32, #tpu.memory_space<vmem_shared>> -> memref<788x16xf32, #tpu.memory_space<vmem_shared>>
      %dma_start3A_167 = arith.constant 0 : i32
      %dma_start3A_168 = tpu.memref_slice %arg20[%add3A_161, %dma_start3A_167] : memref<100864x16xf32, #tpu.memory_space<vmem_shared>> -> memref<788x16xf32, #tpu.memory_space<vmem_shared>>
      tpu.enqueue_dma source(%dma_start3A_168 : memref<788x16xf32, #tpu.memory_space<vmem_shared>>) target(%arg19 : memref<788x16xf32, #tpu.memory_space<vmem>>) target_semaphore(%run_scoped3A_164 : memref<!tpu.dma_semaphore, #tpu.memory_space<semaphore_mem>>)
      %dma_wait3A_169 = arith.constant 0 : i32
      %dma_wait3A_170 = tpu.memref_slice %arg20[%add3A_161, %dma_wait3A_169] : memref<100864x16xf32, #tpu.memory_space<vmem_shared>> -> memref<788x16xf32, #tpu.memory_space<vmem_shared>>
      %dma_wait3A_171 = arith.constant 0 : i32
      %dma_wait3A_172 = tpu.memref_slice %arg20[%add3A_161, %dma_wait3A_171] : memref<100864x16xf32, #tpu.memory_space<vmem_shared>> -> memref<788x16xf32, #tpu.memory_space<vmem_shared>>
      tpu.wait_dma2 semaphore(%run_scoped3A_164 : memref<!tpu.dma_semaphore, #tpu.memory_space<semaphore_mem>>) src(%dma_wait3A_172 : memref<788x16xf32, #tpu.memory_space<vmem_shared>>) dst(%arg19 : memref<788x16xf32, #tpu.memory_space<vmem>>)
      tpu.yield
    }) : () -> ()
    %add3A_162 = arith.constant 5516 : i32
    %add3A_163 = arith.addi %mul3A_2, %add3A_162 : i32
    "tpu.region"() ({
      %run_scoped3A_164 = tpu.sem_alloc : memref<!tpu.dma_semaphore, #tpu.memory_space<semaphore_mem>>
      %dma_start3A_165 = arith.constant 0 : i32
      %dma_start3A_166 = tpu.memref_slice %arg6[%arg0, %add3A_163, %dma_start3A_165] : memref<2x100864x16xf32, #tpu.memory_space<hbm>> -> memref<1x788x16xf32, #tpu.memory_space<hbm>>
      %dma_start3A_167 = tpu.memref_squeeze %dma_start3A_166 : memref<1x788x16xf32, #tpu.memory_space<hbm>> -> memref<788x16xf32, #tpu.memory_space<hbm>>
      %dma_start3A_168 = arith.constant 0 : i32
      %dma_start3A_169 = tpu.memref_slice %arg6[%arg0, %add3A_163, %dma_start3A_168] : memref<2x100864x16xf32, #tpu.memory_space<hbm>> -> memref<1x788x16xf32, #tpu.memory_space<hbm>>
      %dma_start3A_170 = tpu.memref_squeeze %dma_start3A_169 : memref<1x788x16xf32, #tpu.memory_space<hbm>> -> memref<788x16xf32, #tpu.memory_space<hbm>>
      tpu.enqueue_dma source(%arg19 : memref<788x16xf32, #tpu.memory_space<vmem>>) target(%dma_start3A_170 : memref<788x16xf32, #tpu.memory_space<hbm>>) target_semaphore(%run_scoped3A_164 : memref<!tpu.dma_semaphore, #tpu.memory_space<semaphore_mem>>)
      %dma_wait3A_171 = arith.constant 0 : i32
      %dma_wait3A_172 = tpu.memref_slice %arg6[%arg0, %add3A_163, %dma_wait3A_171] : memref<2x100864x16xf32, #tpu.memory_space<hbm>> -> memref<1x788x16xf32, #tpu.memory_space<hbm>>
      %dma_wait3A_173 = tpu.memref_squeeze %dma_wait3A_172 : memref<1x788x16xf32, #tpu.memory_space<hbm>> -> memref<788x16xf32, #tpu.memory_space<hbm>>
      %dma_wait3A_174 = arith.constant 0 : i32
      %dma_wait3A_175 = tpu.memref_slice %arg6[%arg0, %add3A_163, %dma_wait3A_174] : memref<2x100864x16xf32, #tpu.memory_space<hbm>> -> memref<1x788x16xf32, #tpu.memory_space<hbm>>
      %dma_wait3A_176 = tpu.memref_squeeze %dma_wait3A_175 : memref<1x788x16xf32, #tpu.memory_space<hbm>> -> memref<788x16xf32, #tpu.memory_space<hbm>>
      tpu.wait_dma2 semaphore(%run_scoped3A_164 : memref<!tpu.dma_semaphore, #tpu.memory_space<semaphore_mem>>) src(%arg19 : memref<788x16xf32, #tpu.memory_space<vmem>>) dst(%dma_wait3A_176 : memref<788x16xf32, #tpu.memory_space<hbm>>)
      tpu.yield
    }) : () -> ()
    return
  }
}

module attributes {stable_mosaic.version = 14 : i64} {
  func.func @_tc_a_body(%arg0: i32, %arg1: memref<2048x72xf32, #tpu.memory_space<vmem>>, %arg2: memref<2048x8xf32, #tpu.memory_space<vmem>>, %arg3: memref<2048x16xf32, #tpu.memory_space<vmem>>, %arg4: memref<32x2048xf32, #tpu.memory_space<vmem>>, %arg5: memref<72x16xf32, #tpu.memory_space<vmem>>, %arg6: memref<1x16xf32, #tpu.memory_space<vmem>>, %arg7: memref<16x16xf32, #tpu.memory_space<vmem>>, %arg8: memref<1x16xf32, #tpu.memory_space<vmem>>, %arg9: memref<8x16xf32, #tpu.memory_space<vmem>>, %arg10: memref<1x16xf32, #tpu.memory_space<vmem>>, %arg11: memref<16x16xf32, #tpu.memory_space<vmem>>, %arg12: memref<1x16xf32, #tpu.memory_space<vmem>>, %arg13: memref<16x48xf32, #tpu.memory_space<vmem>>, %arg14: memref<1x48xf32, #tpu.memory_space<vmem>>, %arg15: memref<16x48xf32, #tpu.memory_space<vmem>>, %arg16: memref<1x48xf32, #tpu.memory_space<vmem>>, %arg17: memref<32x16xf32, #tpu.memory_space<vmem>>, %arg18: memref<2048x16xf32, #tpu.memory_space<vmem>>, %arg19: memref<2048x16xf32, #tpu.memory_space<vmem>>) attributes {dimension_semantics = [#tpu.dimension_semantics<arbitrary>], iteration_bounds = array<i64: 49>, scalar_prefetch = 0 : i64, scratch_operands = 0 : i64, tpu.core_type = #tpu.core_type<tc>, window_params = [{transform_indices = @transform_0, window_bounds = array<i64: 2048, 72>}, {transform_indices = @transform_1, window_bounds = array<i64: 2048, 8>}, {transform_indices = @transform_2, window_bounds = array<i64: 2048, 16>}, {transform_indices = @transform_3, window_bounds = array<i64: 32, 2048>}, {pipeline_mode = #tpu.pipeline_mode<synchronous>, transform_indices = @transform_4, window_bounds = array<i64: 72, 16>}, {pipeline_mode = #tpu.pipeline_mode<synchronous>, transform_indices = @transform_5, window_bounds = array<i64: 1, 16>}, {pipeline_mode = #tpu.pipeline_mode<synchronous>, transform_indices = @transform_6, window_bounds = array<i64: 16, 16>}, {pipeline_mode = #tpu.pipeline_mode<synchronous>, transform_indices = @transform_7, window_bounds = array<i64: 1, 16>}, {pipeline_mode = #tpu.pipeline_mode<synchronous>, transform_indices = @transform_8, window_bounds = array<i64: 8, 16>}, {pipeline_mode = #tpu.pipeline_mode<synchronous>, transform_indices = @transform_9, window_bounds = array<i64: 1, 16>}, {pipeline_mode = #tpu.pipeline_mode<synchronous>, transform_indices = @transform_10, window_bounds = array<i64: 16, 16>}, {pipeline_mode = #tpu.pipeline_mode<synchronous>, transform_indices = @transform_11, window_bounds = array<i64: 1, 16>}, {pipeline_mode = #tpu.pipeline_mode<synchronous>, transform_indices = @transform_12, window_bounds = array<i64: 16, 48>}, {pipeline_mode = #tpu.pipeline_mode<synchronous>, transform_indices = @transform_13, window_bounds = array<i64: 1, 48>}, {pipeline_mode = #tpu.pipeline_mode<synchronous>, transform_indices = @transform_14, window_bounds = array<i64: 16, 48>}, {pipeline_mode = #tpu.pipeline_mode<synchronous>, transform_indices = @transform_15, window_bounds = array<i64: 1, 48>}, {pipeline_mode = #tpu.pipeline_mode<synchronous>, transform_indices = @transform_16, window_bounds = array<i64: 32, 16>}, {transform_indices = @transform_17, window_bounds = array<i64: 2048, 16>}, {transform_indices = @transform_18, window_bounds = array<i64: 2048, 16>}]} {
    %get3A = arith.constant 0 : index
    %get3A_0 = arith.constant 0 : index
    %get3A_1 = vector.load %arg1[%get3A, %get3A_0] : memref<2048x72xf32, #tpu.memory_space<vmem>>, vector<2048x72xf32>
    %get3A_2 = arith.constant 0 : index
    %get3A_3 = arith.constant 0 : index
    %get3A_4 = vector.load %arg2[%get3A_2, %get3A_3] : memref<2048x8xf32, #tpu.memory_space<vmem>>, vector<2048x8xf32>
    %get3A_5 = arith.constant 0 : index
    %get3A_6 = arith.constant 0 : index
    %get3A_7 = vector.load %arg3[%get3A_5, %get3A_6] : memref<2048x16xf32, #tpu.memory_space<vmem>>, vector<2048x16xf32>
    %get3A_8 = arith.constant 0 : index
    %get3A_9 = arith.constant 0 : index
    %get3A_10 = vector.load %arg5[%get3A_8, %get3A_9] : memref<72x16xf32, #tpu.memory_space<vmem>>, vector<72x16xf32>
    %dot_general3A = arith.constant dense<0.000000e+00> : vector<2048x16xf32>
    %dot_general3A_11 = tpu.matmul %get3A_1, %get3A_10, %dot_general3A {dimension_numbers = #tpu.dot_dimension_numbers<[1], [0], [0], [1], [0, 0, 1, 1], [], []>, transpose_lhs_hint = false} : vector<2048x72xf32>, vector<72x16xf32>, vector<2048x16xf32> -> vector<2048x16xf32>
    %get3A_12 = arith.constant 0 : index
    %get3A_13 = arith.constant 0 : index
    %get3A_14 = vector.load %arg6[%get3A_12, %get3A_13] : memref<1x16xf32, #tpu.memory_space<vmem>>, vector<1x16xf32>
    %add3A = vector.broadcast %get3A_14 : vector<1x16xf32> to vector<2048x16xf32>
    %add3A_15 = arith.addf %dot_general3A_11, %add3A : vector<2048x16xf32>
    %jit3A = arith.constant 0.00999999977 : f32
    %ge3A = arith.constant 0.000000e+00 : f32
    %ge3A_16 = vector.broadcast %ge3A : f32 to vector<2048x16xf32>
    %ge3A_17 = arith.cmpf oge, %add3A_15, %ge3A_16 : vector<2048x16xf32>
    %mul3A = vector.broadcast %jit3A : f32 to vector<2048x16xf32>
    %mul3A_18 = arith.mulf %mul3A, %add3A_15 : vector<2048x16xf32>
    %select_n3A = arith.select %ge3A_17, %add3A_15, %mul3A_18 : vector<2048x16xi1>, vector<2048x16xf32>
    %get3A_19 = arith.constant 0 : index
    %get3A_20 = arith.constant 0 : index
    %get3A_21 = vector.load %arg7[%get3A_19, %get3A_20] : memref<16x16xf32, #tpu.memory_space<vmem>>, vector<16x16xf32>
    %dot_general3A_22 = arith.constant dense<0.000000e+00> : vector<2048x16xf32>
    %dot_general3A_23 = tpu.matmul %select_n3A, %get3A_21, %dot_general3A_22 {dimension_numbers = #tpu.dot_dimension_numbers<[1], [0], [0], [1], [0, 0, 1, 1], [], []>, transpose_lhs_hint = false} : vector<2048x16xf32>, vector<16x16xf32>, vector<2048x16xf32> -> vector<2048x16xf32>
    %get3A_24 = arith.constant 0 : index
    %get3A_25 = arith.constant 0 : index
    %get3A_26 = vector.load %arg8[%get3A_24, %get3A_25] : memref<1x16xf32, #tpu.memory_space<vmem>>, vector<1x16xf32>
    %add3A_27 = vector.broadcast %get3A_26 : vector<1x16xf32> to vector<2048x16xf32>
    %add3A_28 = arith.addf %dot_general3A_23, %add3A_27 : vector<2048x16xf32>
    %jit3A_29 = arith.constant 0.00999999977 : f32
    %ge3A_30 = arith.constant 0.000000e+00 : f32
    %ge3A_31 = vector.broadcast %ge3A_30 : f32 to vector<2048x16xf32>
    %ge3A_32 = arith.cmpf oge, %add3A_28, %ge3A_31 : vector<2048x16xf32>
    %mul3A_33 = vector.broadcast %jit3A_29 : f32 to vector<2048x16xf32>
    %mul3A_34 = arith.mulf %mul3A_33, %add3A_28 : vector<2048x16xf32>
    %select_n3A_35 = arith.select %ge3A_32, %add3A_28, %mul3A_34 : vector<2048x16xi1>, vector<2048x16xf32>
    %get3A_36 = arith.constant 0 : index
    %get3A_37 = arith.constant 0 : index
    %get3A_38 = vector.load %arg9[%get3A_36, %get3A_37] : memref<8x16xf32, #tpu.memory_space<vmem>>, vector<8x16xf32>
    %dot_general3A_39 = arith.constant dense<0.000000e+00> : vector<2048x16xf32>
    %dot_general3A_40 = tpu.matmul %get3A_4, %get3A_38, %dot_general3A_39 {dimension_numbers = #tpu.dot_dimension_numbers<[1], [0], [0], [1], [0, 0, 1, 1], [], []>, transpose_lhs_hint = false} : vector<2048x8xf32>, vector<8x16xf32>, vector<2048x16xf32> -> vector<2048x16xf32>
    %get3A_41 = arith.constant 0 : index
    %get3A_42 = arith.constant 0 : index
    %get3A_43 = vector.load %arg10[%get3A_41, %get3A_42] : memref<1x16xf32, #tpu.memory_space<vmem>>, vector<1x16xf32>
    %add3A_44 = vector.broadcast %get3A_43 : vector<1x16xf32> to vector<2048x16xf32>
    %add3A_45 = arith.addf %dot_general3A_40, %add3A_44 : vector<2048x16xf32>
    %jit3A_46 = arith.constant 0.00999999977 : f32
    %ge3A_47 = arith.constant 0.000000e+00 : f32
    %ge3A_48 = vector.broadcast %ge3A_47 : f32 to vector<2048x16xf32>
    %ge3A_49 = arith.cmpf oge, %add3A_45, %ge3A_48 : vector<2048x16xf32>
    %mul3A_50 = vector.broadcast %jit3A_46 : f32 to vector<2048x16xf32>
    %mul3A_51 = arith.mulf %mul3A_50, %add3A_45 : vector<2048x16xf32>
    %select_n3A_52 = arith.select %ge3A_49, %add3A_45, %mul3A_51 : vector<2048x16xi1>, vector<2048x16xf32>
    %get3A_53 = arith.constant 0 : index
    %get3A_54 = arith.constant 0 : index
    %get3A_55 = vector.load %arg11[%get3A_53, %get3A_54] : memref<16x16xf32, #tpu.memory_space<vmem>>, vector<16x16xf32>
    %dot_general3A_56 = arith.constant dense<0.000000e+00> : vector<2048x16xf32>
    %dot_general3A_57 = tpu.matmul %select_n3A_52, %get3A_55, %dot_general3A_56 {dimension_numbers = #tpu.dot_dimension_numbers<[1], [0], [0], [1], [0, 0, 1, 1], [], []>, transpose_lhs_hint = false} : vector<2048x16xf32>, vector<16x16xf32>, vector<2048x16xf32> -> vector<2048x16xf32>
    %get3A_58 = arith.constant 0 : index
    %get3A_59 = arith.constant 0 : index
    %get3A_60 = vector.load %arg12[%get3A_58, %get3A_59] : memref<1x16xf32, #tpu.memory_space<vmem>>, vector<1x16xf32>
    %add3A_61 = vector.broadcast %get3A_60 : vector<1x16xf32> to vector<2048x16xf32>
    %add3A_62 = arith.addf %dot_general3A_57, %add3A_61 : vector<2048x16xf32>
    %jit3A_63 = arith.constant 0.00999999977 : f32
    %ge3A_64 = arith.constant 0.000000e+00 : f32
    %ge3A_65 = vector.broadcast %ge3A_64 : f32 to vector<2048x16xf32>
    %ge3A_66 = arith.cmpf oge, %add3A_62, %ge3A_65 : vector<2048x16xf32>
    %mul3A_67 = vector.broadcast %jit3A_63 : f32 to vector<2048x16xf32>
    %mul3A_68 = arith.mulf %mul3A_67, %add3A_62 : vector<2048x16xf32>
    %select_n3A_69 = arith.select %ge3A_66, %add3A_62, %mul3A_68 : vector<2048x16xi1>, vector<2048x16xf32>
    %get3A_70 = arith.constant 0 : index
    %get3A_71 = arith.constant 0 : index
    %get3A_72 = vector.load %arg13[%get3A_70, %get3A_71] : memref<16x48xf32, #tpu.memory_space<vmem>>, vector<16x48xf32>
    %dot_general3A_73 = arith.constant dense<0.000000e+00> : vector<2048x48xf32>
    %dot_general3A_74 = tpu.matmul %select_n3A_69, %get3A_72, %dot_general3A_73 {dimension_numbers = #tpu.dot_dimension_numbers<[1], [0], [0], [1], [0, 0, 1, 1], [], []>, transpose_lhs_hint = false} : vector<2048x16xf32>, vector<16x48xf32>, vector<2048x48xf32> -> vector<2048x48xf32>
    %get3A_75 = arith.constant 0 : index
    %get3A_76 = arith.constant 0 : index
    %get3A_77 = vector.load %arg14[%get3A_75, %get3A_76] : memref<1x48xf32, #tpu.memory_space<vmem>>, vector<1x48xf32>
    %add3A_78 = vector.broadcast %get3A_77 : vector<1x48xf32> to vector<2048x48xf32>
    %add3A_79 = arith.addf %dot_general3A_74, %add3A_78 : vector<2048x48xf32>
    %get3A_80 = arith.constant 0 : index
    %get3A_81 = arith.constant 0 : index
    %get3A_82 = vector.load %arg15[%get3A_80, %get3A_81] : memref<16x48xf32, #tpu.memory_space<vmem>>, vector<16x48xf32>
    %dot_general3A_83 = arith.constant dense<0.000000e+00> : vector<2048x48xf32>
    %dot_general3A_84 = tpu.matmul %get3A_7, %get3A_82, %dot_general3A_83 {dimension_numbers = #tpu.dot_dimension_numbers<[1], [0], [0], [1], [0, 0, 1, 1], [], []>, transpose_lhs_hint = false} : vector<2048x16xf32>, vector<16x48xf32>, vector<2048x48xf32> -> vector<2048x48xf32>
    %get3A_85 = arith.constant 0 : index
    %get3A_86 = arith.constant 0 : index
    %get3A_87 = vector.load %arg16[%get3A_85, %get3A_86] : memref<1x48xf32, #tpu.memory_space<vmem>>, vector<1x48xf32>
    %add3A_88 = vector.broadcast %get3A_87 : vector<1x48xf32> to vector<2048x48xf32>
    %add3A_89 = arith.addf %dot_general3A_84, %add3A_88 : vector<2048x48xf32>
    %slice3A = vector.extract_strided_slice %add3A_79 {offsets = [0, 0], sizes = [2048, 16], strides = [1, 1]} : vector<2048x48xf32> to vector<2048x16xf32>
    %slice3A_90 = vector.extract_strided_slice %add3A_89 {offsets = [0, 0], sizes = [2048, 16], strides = [1, 1]} : vector<2048x48xf32> to vector<2048x16xf32>
    %add3A_91 = arith.addf %slice3A, %slice3A_90 : vector<2048x16xf32>
    %logistic3A = arith.negf %add3A_91 : vector<2048x16xf32>
    %logistic3A_92 = math.exp %logistic3A : vector<2048x16xf32>
    %logistic3A_93 = arith.constant 1.000000e+00 : f32
    %logistic3A_94 = vector.broadcast %logistic3A_93 : f32 to vector<2048x16xf32>
    %logistic3A_95 = arith.addf %logistic3A_94, %logistic3A_92 : vector<2048x16xf32>
    %logistic3A_96 = arith.divf %logistic3A_94, %logistic3A_95 : vector<2048x16xf32>
    %slice3A_97 = vector.extract_strided_slice %add3A_79 {offsets = [0, 16], sizes = [2048, 16], strides = [1, 1]} : vector<2048x48xf32> to vector<2048x16xf32>
    %slice3A_98 = vector.extract_strided_slice %add3A_89 {offsets = [0, 16], sizes = [2048, 16], strides = [1, 1]} : vector<2048x48xf32> to vector<2048x16xf32>
    %add3A_99 = arith.addf %slice3A_97, %slice3A_98 : vector<2048x16xf32>
    %logistic3A_100 = arith.negf %add3A_99 : vector<2048x16xf32>
    %logistic3A_101 = math.exp %logistic3A_100 : vector<2048x16xf32>
    %logistic3A_102 = arith.constant 1.000000e+00 : f32
    %logistic3A_103 = vector.broadcast %logistic3A_102 : f32 to vector<2048x16xf32>
    %logistic3A_104 = arith.addf %logistic3A_103, %logistic3A_101 : vector<2048x16xf32>
    %logistic3A_105 = arith.divf %logistic3A_103, %logistic3A_104 : vector<2048x16xf32>
    %slice3A_106 = vector.extract_strided_slice %add3A_79 {offsets = [0, 32], sizes = [2048, 16], strides = [1, 1]} : vector<2048x48xf32> to vector<2048x16xf32>
    %slice3A_107 = vector.extract_strided_slice %add3A_89 {offsets = [0, 32], sizes = [2048, 16], strides = [1, 1]} : vector<2048x48xf32> to vector<2048x16xf32>
    %mul3A_108 = arith.mulf %logistic3A_96, %slice3A_107 : vector<2048x16xf32>
    %add3A_109 = arith.addf %slice3A_106, %mul3A_108 : vector<2048x16xf32>
    %tanh3A = math.tanh %add3A_109 : vector<2048x16xf32>
    %sub3A = arith.constant 1.000000e+00 : f32
    %sub3A_110 = vector.broadcast %sub3A : f32 to vector<2048x16xf32>
    %sub3A_111 = arith.subf %sub3A_110, %logistic3A_105 : vector<2048x16xf32>
    %mul3A_112 = arith.mulf %sub3A_111, %tanh3A : vector<2048x16xf32>
    %mul3A_113 = arith.mulf %logistic3A_105, %get3A_7 : vector<2048x16xf32>
    %add3A_114 = arith.addf %mul3A_112, %mul3A_113 : vector<2048x16xf32>
    %swap3A = arith.constant 0 : index
    %swap3A_115 = arith.constant 0 : index
    %swap3A_116 = vector.load %arg18[%swap3A, %swap3A_115] : memref<2048x16xf32, #tpu.memory_space<vmem>>, vector<2048x16xf32>
    tpu.vector_store %arg18[%swap3A, %swap3A_115], %add3A_114 {strides = array<i32>} : memref<2048x16xf32, #tpu.memory_space<vmem>>, vector<2048x16xf32>,
    %concatenate3A = tpu.concatenate %select_n3A_35, %add3A_114 in 1 : vector<2048x16xf32>, vector<2048x16xf32> -> vector<2048x32xf32>
    %get3A_117 = arith.constant 0 : index
    %get3A_118 = arith.constant 0 : index
    %get3A_119 = vector.load %arg17[%get3A_117, %get3A_118] : memref<32x16xf32, #tpu.memory_space<vmem>>, vector<32x16xf32>
    %dot_general3A_120 = arith.constant dense<0.000000e+00> : vector<2048x16xf32>
    %dot_general3A_121 = tpu.matmul %concatenate3A, %get3A_119, %dot_general3A_120 {dimension_numbers = #tpu.dot_dimension_numbers<[1], [0], [0], [1], [0, 0, 1, 1], [], []>, transpose_lhs_hint = false} : vector<2048x32xf32>, vector<32x16xf32>, vector<2048x16xf32> -> vector<2048x16xf32>
    %get3A_122 = arith.constant 0 : index
    %get3A_123 = arith.constant 0 : index
    %get3A_124 = vector.load %arg4[%get3A_122, %get3A_123] : memref<32x2048xf32, #tpu.memory_space<vmem>>, vector<32x2048xf32>
    %broadcast_in_dim3A = arith.constant 1.000000e+00 : f32
    %broadcast_in_dim3A_125 = vector.broadcast %broadcast_in_dim3A : f32 to vector<32x1xf32>
    %dot_general3A_126 = arith.constant dense<0.000000e+00> : vector<2048x1xf32>
    %dot_general3A_127 = tpu.matmul %get3A_124, %broadcast_in_dim3A_125, %dot_general3A_126 {dimension_numbers = #tpu.dot_dimension_numbers<[0], [0], [1], [1], [0, 1, 1, 1], [], []>, transpose_lhs_hint = false} : vector<32x2048xf32>, vector<32x1xf32>, vector<2048x1xf32> -> vector<2048x1xf32>
    %add3A_128 = arith.constant 1.000000e+00 : f32
    %add3A_129 = vector.broadcast %add3A_128 : f32 to vector<2048x1xf32>
    %add3A_130 = arith.addf %dot_general3A_127, %add3A_129 : vector<2048x1xf32>
    %rsqrt3A = math.rsqrt %add3A_130 : vector<2048x1xf32>
    %mul3A_131 = vector.broadcast %rsqrt3A : vector<2048x1xf32> to vector<2048x16xf32>
    %mul3A_132 = arith.mulf %dot_general3A_121, %mul3A_131 : vector<2048x16xf32>
    %swap3A_133 = arith.constant 0 : index
    %swap3A_134 = arith.constant 0 : index
    %swap3A_135 = vector.load %arg19[%swap3A_133, %swap3A_134] : memref<2048x16xf32, #tpu.memory_space<vmem>>, vector<2048x16xf32>
    tpu.vector_store %arg19[%swap3A_133, %swap3A_134], %mul3A_132 {strides = array<i32>} : memref<2048x16xf32, #tpu.memory_space<vmem>>, vector<2048x16xf32>,
    return
  }
  func.func @transform_0(%arg0: i32) -> (i32, i32) {
    %c0_i32 = arith.constant 0 : i32
    %c0_i32_0 = arith.constant 0 : i32
    return %arg0, %c0_i32 : i32, i32
  }
  func.func @transform_1(%arg0: i32) -> (i32, i32) {
    %c0_i32 = arith.constant 0 : i32
    %c0_i32_0 = arith.constant 0 : i32
    return %arg0, %c0_i32 : i32, i32
  }
  func.func @transform_2(%arg0: i32) -> (i32, i32) {
    %c0_i32 = arith.constant 0 : i32
    %c0_i32_0 = arith.constant 0 : i32
    return %arg0, %c0_i32 : i32, i32
  }
  func.func @transform_3(%arg0: i32) -> (i32, i32) {
    %c0_i32 = arith.constant 0 : i32
    %c0_i32_0 = arith.constant 0 : i32
    return %c0_i32, %arg0 : i32, i32
  }
  func.func @transform_4(%arg0: i32) -> (i32, i32) {
    %c0_i32 = arith.constant 0 : i32
    %c0_i32_0 = arith.constant 0 : i32
    %c0_i32_1 = arith.constant 0 : i32
    return %c0_i32, %c0_i32_0 : i32, i32
  }
  func.func @transform_5(%arg0: i32) -> (i32, i32) {
    %c0_i32 = arith.constant 0 : i32
    %c0_i32_0 = arith.constant 0 : i32
    %c0_i32_1 = arith.constant 0 : i32
    return %c0_i32, %c0_i32_0 : i32, i32
  }
  func.func @transform_6(%arg0: i32) -> (i32, i32) {
    %c0_i32 = arith.constant 0 : i32
    %c0_i32_0 = arith.constant 0 : i32
    %c0_i32_1 = arith.constant 0 : i32
    return %c0_i32, %c0_i32_0 : i32, i32
  }
  func.func @transform_7(%arg0: i32) -> (i32, i32) {
    %c0_i32 = arith.constant 0 : i32
    %c0_i32_0 = arith.constant 0 : i32
    %c0_i32_1 = arith.constant 0 : i32
    return %c0_i32, %c0_i32_0 : i32, i32
  }
  func.func @transform_8(%arg0: i32) -> (i32, i32) {
    %c0_i32 = arith.constant 0 : i32
    %c0_i32_0 = arith.constant 0 : i32
    %c0_i32_1 = arith.constant 0 : i32
    return %c0_i32, %c0_i32_0 : i32, i32
  }
  func.func @transform_9(%arg0: i32) -> (i32, i32) {
    %c0_i32 = arith.constant 0 : i32
    %c0_i32_0 = arith.constant 0 : i32
    %c0_i32_1 = arith.constant 0 : i32
    return %c0_i32, %c0_i32_0 : i32, i32
  }
  func.func @transform_10(%arg0: i32) -> (i32, i32) {
    %c0_i32 = arith.constant 0 : i32
    %c0_i32_0 = arith.constant 0 : i32
    %c0_i32_1 = arith.constant 0 : i32
    return %c0_i32, %c0_i32_0 : i32, i32
  }
  func.func @transform_11(%arg0: i32) -> (i32, i32) {
    %c0_i32 = arith.constant 0 : i32
    %c0_i32_0 = arith.constant 0 : i32
    %c0_i32_1 = arith.constant 0 : i32
    return %c0_i32, %c0_i32_0 : i32, i32
  }
  func.func @transform_12(%arg0: i32) -> (i32, i32) {
    %c0_i32 = arith.constant 0 : i32
    %c0_i32_0 = arith.constant 0 : i32
    %c0_i32_1 = arith.constant 0 : i32
    return %c0_i32, %c0_i32_0 : i32, i32
  }
  func.func @transform_13(%arg0: i32) -> (i32, i32) {
    %c0_i32 = arith.constant 0 : i32
    %c0_i32_0 = arith.constant 0 : i32
    %c0_i32_1 = arith.constant 0 : i32
    return %c0_i32, %c0_i32_0 : i32, i32
  }
  func.func @transform_14(%arg0: i32) -> (i32, i32) {
    %c0_i32 = arith.constant 0 : i32
    %c0_i32_0 = arith.constant 0 : i32
    %c0_i32_1 = arith.constant 0 : i32
    return %c0_i32, %c0_i32_0 : i32, i32
  }
  func.func @transform_15(%arg0: i32) -> (i32, i32) {
    %c0_i32 = arith.constant 0 : i32
    %c0_i32_0 = arith.constant 0 : i32
    %c0_i32_1 = arith.constant 0 : i32
    return %c0_i32, %c0_i32_0 : i32, i32
  }
  func.func @transform_16(%arg0: i32) -> (i32, i32) {
    %c0_i32 = arith.constant 0 : i32
    %c0_i32_0 = arith.constant 0 : i32
    %c0_i32_1 = arith.constant 0 : i32
    return %c0_i32, %c0_i32_0 : i32, i32
  }
  func.func @transform_17(%arg0: i32) -> (i32, i32) {
    %c0_i32 = arith.constant 0 : i32
    %c0_i32_0 = arith.constant 0 : i32
    return %arg0, %c0_i32 : i32, i32
  }
  func.func @transform_18(%arg0: i32) -> (i32, i32) {
    %c0_i32 = arith.constant 0 : i32
    %c0_i32_0 = arith.constant 0 : i32
    return %arg0, %c0_i32 : i32, i32
  }
}

module attributes {stable_mosaic.version = 14 : i64} {
  func.func @_tc_d_body(%arg0: i32, %arg1: memref<2048x16xf32, #tpu.memory_space<vmem>>, %arg2: memref<16x16xf32, #tpu.memory_space<vmem>>, %arg3: memref<1x16xf32, #tpu.memory_space<vmem>>, %arg4: memref<16x16xf32, #tpu.memory_space<vmem>>, %arg5: memref<1x16xf32, #tpu.memory_space<vmem>>, %arg6: memref<2048x16xf32, #tpu.memory_space<vmem>>) attributes {dimension_semantics = [#tpu.dimension_semantics<arbitrary>], iteration_bounds = array<i64: 49>, scalar_prefetch = 0 : i64, scratch_operands = 0 : i64, tpu.core_type = #tpu.core_type<tc>, window_params = [{transform_indices = @transform_0, window_bounds = array<i64: 2048, 16>}, {pipeline_mode = #tpu.pipeline_mode<synchronous>, transform_indices = @transform_1, window_bounds = array<i64: 16, 16>}, {pipeline_mode = #tpu.pipeline_mode<synchronous>, transform_indices = @transform_2, window_bounds = array<i64: 1, 16>}, {pipeline_mode = #tpu.pipeline_mode<synchronous>, transform_indices = @transform_3, window_bounds = array<i64: 16, 16>}, {pipeline_mode = #tpu.pipeline_mode<synchronous>, transform_indices = @transform_4, window_bounds = array<i64: 1, 16>}, {transform_indices = @transform_5, window_bounds = array<i64: 2048, 16>}]} {
    %get3A = arith.constant 0 : index
    %get3A_0 = arith.constant 0 : index
    %get3A_1 = vector.load %arg1[%get3A, %get3A_0] : memref<2048x16xf32, #tpu.memory_space<vmem>>, vector<2048x16xf32>
    %get3A_2 = arith.constant 0 : index
    %get3A_3 = arith.constant 0 : index
    %get3A_4 = vector.load %arg2[%get3A_2, %get3A_3] : memref<16x16xf32, #tpu.memory_space<vmem>>, vector<16x16xf32>
    %dot_general3A = arith.constant dense<0.000000e+00> : vector<2048x16xf32>
    %dot_general3A_5 = tpu.matmul %get3A_1, %get3A_4, %dot_general3A {dimension_numbers = #tpu.dot_dimension_numbers<[1], [0], [0], [1], [0, 0, 1, 1], [], []>, transpose_lhs_hint = false} : vector<2048x16xf32>, vector<16x16xf32>, vector<2048x16xf32> -> vector<2048x16xf32>
    %get3A_6 = arith.constant 0 : index
    %get3A_7 = arith.constant 0 : index
    %get3A_8 = vector.load %arg3[%get3A_6, %get3A_7] : memref<1x16xf32, #tpu.memory_space<vmem>>, vector<1x16xf32>
    %add3A = vector.broadcast %get3A_8 : vector<1x16xf32> to vector<2048x16xf32>
    %add3A_9 = arith.addf %dot_general3A_5, %add3A : vector<2048x16xf32>
    %jit3A = arith.constant 0.00999999977 : f32
    %ge3A = arith.constant 0.000000e+00 : f32
    %ge3A_10 = vector.broadcast %ge3A : f32 to vector<2048x16xf32>
    %ge3A_11 = arith.cmpf oge, %add3A_9, %ge3A_10 : vector<2048x16xf32>
    %mul3A = vector.broadcast %jit3A : f32 to vector<2048x16xf32>
    %mul3A_12 = arith.mulf %mul3A, %add3A_9 : vector<2048x16xf32>
    %select_n3A = arith.select %ge3A_11, %add3A_9, %mul3A_12 : vector<2048x16xi1>, vector<2048x16xf32>
    %get3A_13 = arith.constant 0 : index
    %get3A_14 = arith.constant 0 : index
    %get3A_15 = vector.load %arg4[%get3A_13, %get3A_14] : memref<16x16xf32, #tpu.memory_space<vmem>>, vector<16x16xf32>
    %dot_general3A_16 = arith.constant dense<0.000000e+00> : vector<2048x16xf32>
    %dot_general3A_17 = tpu.matmul %select_n3A, %get3A_15, %dot_general3A_16 {dimension_numbers = #tpu.dot_dimension_numbers<[1], [0], [0], [1], [0, 0, 1, 1], [], []>, transpose_lhs_hint = false} : vector<2048x16xf32>, vector<16x16xf32>, vector<2048x16xf32> -> vector<2048x16xf32>
    %get3A_18 = arith.constant 0 : index
    %get3A_19 = arith.constant 0 : index
    %get3A_20 = vector.load %arg5[%get3A_18, %get3A_19] : memref<1x16xf32, #tpu.memory_space<vmem>>, vector<1x16xf32>
    %add3A_21 = vector.broadcast %get3A_20 : vector<1x16xf32> to vector<2048x16xf32>
    %add3A_22 = arith.addf %dot_general3A_17, %add3A_21 : vector<2048x16xf32>
    %jit3A_23 = arith.constant 0.00999999977 : f32
    %ge3A_24 = arith.constant 0.000000e+00 : f32
    %ge3A_25 = vector.broadcast %ge3A_24 : f32 to vector<2048x16xf32>
    %ge3A_26 = arith.cmpf oge, %add3A_22, %ge3A_25 : vector<2048x16xf32>
    %mul3A_27 = vector.broadcast %jit3A_23 : f32 to vector<2048x16xf32>
    %mul3A_28 = arith.mulf %mul3A_27, %add3A_22 : vector<2048x16xf32>
    %select_n3A_29 = arith.select %ge3A_26, %add3A_22, %mul3A_28 : vector<2048x16xi1>, vector<2048x16xf32>
    %swap3A = arith.constant 0 : index
    %swap3A_30 = arith.constant 0 : index
    %swap3A_31 = vector.load %arg6[%swap3A, %swap3A_30] : memref<2048x16xf32, #tpu.memory_space<vmem>>, vector<2048x16xf32>
    tpu.vector_store %arg6[%swap3A, %swap3A_30], %select_n3A_29 {strides = array<i32>} : memref<2048x16xf32, #tpu.memory_space<vmem>>, vector<2048x16xf32>,
    return
  }
  func.func @transform_0(%arg0: i32) -> (i32, i32) {
    %c0_i32 = arith.constant 0 : i32
    %c0_i32_0 = arith.constant 0 : i32
    return %arg0, %c0_i32 : i32, i32
  }
  func.func @transform_1(%arg0: i32) -> (i32, i32) {
    %c0_i32 = arith.constant 0 : i32
    %c0_i32_0 = arith.constant 0 : i32
    %c0_i32_1 = arith.constant 0 : i32
    return %c0_i32, %c0_i32_0 : i32, i32
  }
  func.func @transform_2(%arg0: i32) -> (i32, i32) {
    %c0_i32 = arith.constant 0 : i32
    %c0_i32_0 = arith.constant 0 : i32
    %c0_i32_1 = arith.constant 0 : i32
    return %c0_i32, %c0_i32_0 : i32, i32
  }
  func.func @transform_3(%arg0: i32) -> (i32, i32) {
    %c0_i32 = arith.constant 0 : i32
    %c0_i32_0 = arith.constant 0 : i32
    %c0_i32_1 = arith.constant 0 : i32
    return %c0_i32, %c0_i32_0 : i32, i32
  }
  func.func @transform_4(%arg0: i32) -> (i32, i32) {
    %c0_i32 = arith.constant 0 : i32
    %c0_i32_0 = arith.constant 0 : i32
    %c0_i32_1 = arith.constant 0 : i32
    return %c0_i32, %c0_i32_0 : i32, i32
  }
  func.func @transform_5(%arg0: i32) -> (i32, i32) {
    %c0_i32 = arith.constant 0 : i32
    %c0_i32_0 = arith.constant 0 : i32
    return %arg0, %c0_i32 : i32, i32
  }
}

module attributes {stable_mosaic.version = 14 : i64} {
  func.func @_tc_c_body(%arg0: i32, %arg1: memref<1x2048x16xf32, #tpu.memory_space<vmem>>, %arg2: memref<1x2048x16xf32, #tpu.memory_space<vmem>>, %arg3: memref<2048x16xf32, #tpu.memory_space<vmem>>, %arg4: memref<32x2048xf32, #tpu.memory_space<vmem>>, %arg5: memref<2048x8xf32, #tpu.memory_space<vmem>>, %arg6: memref<2048x16xf32, #tpu.memory_space<vmem>>, %arg7: memref<1x16xf32, #tpu.memory_space<vmem>>, %arg8: memref<24x32xf32, #tpu.memory_space<vmem>>, %arg9: memref<1x32xf32, #tpu.memory_space<vmem>>, %arg10: memref<32x16xf32, #tpu.memory_space<vmem>>, %arg11: memref<1x16xf32, #tpu.memory_space<vmem>>, %arg12: memref<16x8xf32, #tpu.memory_space<vmem>>, %arg13: memref<1x8xf32, #tpu.memory_space<vmem>>, %arg14: memref<16x24xf32, #tpu.memory_space<vmem>>, %arg15: memref<1x24xf32, #tpu.memory_space<vmem>>, %arg16: memref<8x24xf32, #tpu.memory_space<vmem>>, %arg17: memref<1x24xf32, #tpu.memory_space<vmem>>, %arg18: memref<2048x8xf32, #tpu.memory_space<vmem>>, %arg19: memref<2048x8xf32, #tpu.memory_space<vmem>>) attributes {dimension_semantics = [#tpu.dimension_semantics<arbitrary>], iteration_bounds = array<i64: 49>, scalar_prefetch = 0 : i64, scratch_operands = 0 : i64, tpu.core_type = #tpu.core_type<tc>, window_params = [{transform_indices = @transform_0, window_bounds = array<i64: 1, 2048, 16>}, {transform_indices = @transform_1, window_bounds = array<i64: 1, 2048, 16>}, {transform_indices = @transform_2, window_bounds = array<i64: 2048, 16>}, {transform_indices = @transform_3, window_bounds = array<i64: 32, 2048>}, {transform_indices = @transform_4, window_bounds = array<i64: 2048, 8>}, {transform_indices = @transform_5, window_bounds = array<i64: 2048, 16>}, {pipeline_mode = #tpu.pipeline_mode<synchronous>, transform_indices = @transform_6, window_bounds = array<i64: 1, 16>}, {pipeline_mode = #tpu.pipeline_mode<synchronous>, transform_indices = @transform_7, window_bounds = array<i64: 24, 32>}, {pipeline_mode = #tpu.pipeline_mode<synchronous>, transform_indices = @transform_8, window_bounds = array<i64: 1, 32>}, {pipeline_mode = #tpu.pipeline_mode<synchronous>, transform_indices = @transform_9, window_bounds = array<i64: 32, 16>}, {pipeline_mode = #tpu.pipeline_mode<synchronous>, transform_indices = @transform_10, window_bounds = array<i64: 1, 16>}, {pipeline_mode = #tpu.pipeline_mode<synchronous>, transform_indices = @transform_11, window_bounds = array<i64: 16, 8>}, {pipeline_mode = #tpu.pipeline_mode<synchronous>, transform_indices = @transform_12, window_bounds = array<i64: 1, 8>}, {pipeline_mode = #tpu.pipeline_mode<synchronous>, transform_indices = @transform_13, window_bounds = array<i64: 16, 24>}, {pipeline_mode = #tpu.pipeline_mode<synchronous>, transform_indices = @transform_14, window_bounds = array<i64: 1, 24>}, {pipeline_mode = #tpu.pipeline_mode<synchronous>, transform_indices = @transform_15, window_bounds = array<i64: 8, 24>}, {pipeline_mode = #tpu.pipeline_mode<synchronous>, transform_indices = @transform_16, window_bounds = array<i64: 1, 24>}, {transform_indices = @transform_17, window_bounds = array<i64: 2048, 8>}, {transform_indices = @transform_18, window_bounds = array<i64: 2048, 8>}]} {
    %get3A = arith.constant 0 : index
    %get3A_0 = arith.constant 0 : index
    %get3A_1 = vector.load %arg3[%get3A, %get3A_0] : memref<2048x16xf32, #tpu.memory_space<vmem>>, vector<2048x16xf32>
    %get3A_2 = arith.constant 0 : index
    %get3A_3 = arith.constant 0 : index
    %get3A_4 = vector.load %arg4[%get3A_2, %get3A_3] : memref<32x2048xf32, #tpu.memory_space<vmem>>, vector<32x2048xf32>
    %broadcast_in_dim3A = arith.constant 1.000000e+00 : f32
    %broadcast_in_dim3A_5 = vector.broadcast %broadcast_in_dim3A : f32 to vector<32x1xf32>
    %dot_general3A = arith.constant dense<0.000000e+00> : vector<2048x1xf32>
    %dot_general3A_6 = tpu.matmul %get3A_4, %broadcast_in_dim3A_5, %dot_general3A {dimension_numbers = #tpu.dot_dimension_numbers<[0], [0], [1], [1], [0, 1, 1, 1], [], []>, transpose_lhs_hint = false} : vector<32x2048xf32>, vector<32x1xf32>, vector<2048x1xf32> -> vector<2048x1xf32>
    %add3A = arith.constant 1.000000e+00 : f32
    %add3A_7 = vector.broadcast %add3A : f32 to vector<2048x1xf32>
    %add3A_8 = arith.addf %dot_general3A_6, %add3A_7 : vector<2048x1xf32>
    %rsqrt3A = math.rsqrt %add3A_8 : vector<2048x1xf32>
    %get3A_9 = arith.constant 0 : index
    %get3A_10 = arith.constant 0 : index
    %get3A_11 = arith.constant 0 : index
    %get3A_12 = vector.load %arg1[%get3A_9, %get3A_10, %get3A_11] : memref<1x2048x16xf32, #tpu.memory_space<vmem>>, vector<1x2048x16xf32>
    %get3A_13 = vector.shape_cast %get3A_12 : vector<1x2048x16xf32> to vector<2048x16xf32>
    %get3A_14 = arith.constant 0 : index
    %get3A_15 = arith.constant 0 : index
    %get3A_16 = arith.constant 0 : index
    %get3A_17 = vector.load %arg2[%get3A_14, %get3A_15, %get3A_16] : memref<1x2048x16xf32, #tpu.memory_space<vmem>>, vector<1x2048x16xf32>
    %get3A_18 = vector.shape_cast %get3A_17 : vector<1x2048x16xf32> to vector<2048x16xf32>
    %add3A_19 = arith.addf %get3A_13, %get3A_18 : vector<2048x16xf32>
    %add3A_20 = arith.addf %add3A_19, %get3A_1 : vector<2048x16xf32>
    %mul3A = vector.broadcast %rsqrt3A : vector<2048x1xf32> to vector<2048x16xf32>
    %mul3A_21 = arith.mulf %mul3A, %add3A_20 : vector<2048x16xf32>
    %div3A = vector.broadcast %add3A_8 : vector<2048x1xf32> to vector<2048x16xf32>
    %div3A_22 = arith.divf %mul3A_21, %div3A : vector<2048x16xf32>
    %get3A_23 = arith.constant 0 : index
    %get3A_24 = arith.constant 0 : index
    %get3A_25 = vector.load %arg7[%get3A_23, %get3A_24] : memref<1x16xf32, #tpu.memory_space<vmem>>, vector<1x16xf32>
    %add3A_26 = vector.broadcast %get3A_25 : vector<1x16xf32> to vector<2048x16xf32>
    %add3A_27 = arith.addf %div3A_22, %add3A_26 : vector<2048x16xf32>
    %get3A_28 = arith.constant 0 : index
    %get3A_29 = arith.constant 0 : index
    %get3A_30 = vector.load %arg5[%get3A_28, %get3A_29] : memref<2048x8xf32, #tpu.memory_space<vmem>>, vector<2048x8xf32>
    %concatenate3A = tpu.concatenate %add3A_27, %get3A_30 in 1 : vector<2048x16xf32>, vector<2048x8xf32> -> vector<2048x24xf32>
    %get3A_31 = arith.constant 0 : index
    %get3A_32 = arith.constant 0 : index
    %get3A_33 = vector.load %arg8[%get3A_31, %get3A_32] : memref<24x32xf32, #tpu.memory_space<vmem>>, vector<24x32xf32>
    %dot_general3A_34 = arith.constant dense<0.000000e+00> : vector<2048x32xf32>
    %dot_general3A_35 = tpu.matmul %concatenate3A, %get3A_33, %dot_general3A_34 {dimension_numbers = #tpu.dot_dimension_numbers<[1], [0], [0], [1], [0, 0, 1, 1], [], []>, transpose_lhs_hint = false} : vector<2048x24xf32>, vector<24x32xf32>, vector<2048x32xf32> -> vector<2048x32xf32>
    %get3A_36 = arith.constant 0 : index
    %get3A_37 = arith.constant 0 : index
    %get3A_38 = vector.load %arg9[%get3A_36, %get3A_37] : memref<1x32xf32, #tpu.memory_space<vmem>>, vector<1x32xf32>
    %add3A_39 = vector.broadcast %get3A_38 : vector<1x32xf32> to vector<2048x32xf32>
    %add3A_40 = arith.addf %dot_general3A_35, %add3A_39 : vector<2048x32xf32>
    %jit3A = arith.constant 0.00999999977 : f32
    %ge3A = arith.constant 0.000000e+00 : f32
    %ge3A_41 = vector.broadcast %ge3A : f32 to vector<2048x32xf32>
    %ge3A_42 = arith.cmpf oge, %add3A_40, %ge3A_41 : vector<2048x32xf32>
    %mul3A_43 = vector.broadcast %jit3A : f32 to vector<2048x32xf32>
    %mul3A_44 = arith.mulf %mul3A_43, %add3A_40 : vector<2048x32xf32>
    %select_n3A = arith.select %ge3A_42, %add3A_40, %mul3A_44 : vector<2048x32xi1>, vector<2048x32xf32>
    %get3A_45 = arith.constant 0 : index
    %get3A_46 = arith.constant 0 : index
    %get3A_47 = vector.load %arg10[%get3A_45, %get3A_46] : memref<32x16xf32, #tpu.memory_space<vmem>>, vector<32x16xf32>
    %dot_general3A_48 = arith.constant dense<0.000000e+00> : vector<2048x16xf32>
    %dot_general3A_49 = tpu.matmul %select_n3A, %get3A_47, %dot_general3A_48 {dimension_numbers = #tpu.dot_dimension_numbers<[1], [0], [0], [1], [0, 0, 1, 1], [], []>, transpose_lhs_hint = false} : vector<2048x32xf32>, vector<32x16xf32>, vector<2048x16xf32> -> vector<2048x16xf32>
    %get3A_50 = arith.constant 0 : index
    %get3A_51 = arith.constant 0 : index
    %get3A_52 = vector.load %arg11[%get3A_50, %get3A_51] : memref<1x16xf32, #tpu.memory_space<vmem>>, vector<1x16xf32>
    %add3A_53 = vector.broadcast %get3A_52 : vector<1x16xf32> to vector<2048x16xf32>
    %add3A_54 = arith.addf %dot_general3A_49, %add3A_53 : vector<2048x16xf32>
    %jit3A_55 = arith.constant 0.00999999977 : f32
    %ge3A_56 = arith.constant 0.000000e+00 : f32
    %ge3A_57 = vector.broadcast %ge3A_56 : f32 to vector<2048x16xf32>
    %ge3A_58 = arith.cmpf oge, %add3A_54, %ge3A_57 : vector<2048x16xf32>
    %mul3A_59 = vector.broadcast %jit3A_55 : f32 to vector<2048x16xf32>
    %mul3A_60 = arith.mulf %mul3A_59, %add3A_54 : vector<2048x16xf32>
    %select_n3A_61 = arith.select %ge3A_58, %add3A_54, %mul3A_60 : vector<2048x16xi1>, vector<2048x16xf32>
    %get3A_62 = arith.constant 0 : index
    %get3A_63 = arith.constant 0 : index
    %get3A_64 = vector.load %arg12[%get3A_62, %get3A_63] : memref<16x8xf32, #tpu.memory_space<vmem>>, vector<16x8xf32>
    %dot_general3A_65 = arith.constant dense<0.000000e+00> : vector<2048x8xf32>
    %dot_general3A_66 = tpu.matmul %select_n3A_61, %get3A_64, %dot_general3A_65 {dimension_numbers = #tpu.dot_dimension_numbers<[1], [0], [0], [1], [0, 0, 1, 1], [], []>, transpose_lhs_hint = false} : vector<2048x16xf32>, vector<16x8xf32>, vector<2048x8xf32> -> vector<2048x8xf32>
    %get3A_67 = arith.constant 0 : index
    %get3A_68 = arith.constant 0 : index
    %get3A_69 = vector.load %arg13[%get3A_67, %get3A_68] : memref<1x8xf32, #tpu.memory_space<vmem>>, vector<1x8xf32>
    %add3A_70 = vector.broadcast %get3A_69 : vector<1x8xf32> to vector<2048x8xf32>
    %add3A_71 = arith.addf %dot_general3A_66, %add3A_70 : vector<2048x8xf32>
    %swap3A = arith.constant 0 : index
    %swap3A_72 = arith.constant 0 : index
    %swap3A_73 = vector.load %arg18[%swap3A, %swap3A_72] : memref<2048x8xf32, #tpu.memory_space<vmem>>, vector<2048x8xf32>
    tpu.vector_store %arg18[%swap3A, %swap3A_72], %add3A_71 {strides = array<i32>} : memref<2048x8xf32, #tpu.memory_space<vmem>>, vector<2048x8xf32>,
    %get3A_74 = arith.constant 0 : index
    %get3A_75 = arith.constant 0 : index
    %get3A_76 = vector.load %arg6[%get3A_74, %get3A_75] : memref<2048x16xf32, #tpu.memory_space<vmem>>, vector<2048x16xf32>
    %get3A_77 = arith.constant 0 : index
    %get3A_78 = arith.constant 0 : index
    %get3A_79 = vector.load %arg14[%get3A_77, %get3A_78] : memref<16x24xf32, #tpu.memory_space<vmem>>, vector<16x24xf32>
    %dot_general3A_80 = arith.constant dense<0.000000e+00> : vector<2048x24xf32>
    %dot_general3A_81 = tpu.matmul %get3A_76, %get3A_79, %dot_general3A_80 {dimension_numbers = #tpu.dot_dimension_numbers<[1], [0], [0], [1], [0, 0, 1, 1], [], []>, transpose_lhs_hint = false} : vector<2048x16xf32>, vector<16x24xf32>, vector<2048x24xf32> -> vector<2048x24xf32>
    %get3A_82 = arith.constant 0 : index
    %get3A_83 = arith.constant 0 : index
    %get3A_84 = vector.load %arg15[%get3A_82, %get3A_83] : memref<1x24xf32, #tpu.memory_space<vmem>>, vector<1x24xf32>
    %add3A_85 = vector.broadcast %get3A_84 : vector<1x24xf32> to vector<2048x24xf32>
    %add3A_86 = arith.addf %dot_general3A_81, %add3A_85 : vector<2048x24xf32>
    %get3A_87 = arith.constant 0 : index
    %get3A_88 = arith.constant 0 : index
    %get3A_89 = vector.load %arg16[%get3A_87, %get3A_88] : memref<8x24xf32, #tpu.memory_space<vmem>>, vector<8x24xf32>
    %dot_general3A_90 = arith.constant dense<0.000000e+00> : vector<2048x24xf32>
    %dot_general3A_91 = tpu.matmul %add3A_71, %get3A_89, %dot_general3A_90 {dimension_numbers = #tpu.dot_dimension_numbers<[1], [0], [0], [1], [0, 0, 1, 1], [], []>, transpose_lhs_hint = false} : vector<2048x8xf32>, vector<8x24xf32>, vector<2048x24xf32> -> vector<2048x24xf32>
    %get3A_92 = arith.constant 0 : index
    %get3A_93 = arith.constant 0 : index
    %get3A_94 = vector.load %arg17[%get3A_92, %get3A_93] : memref<1x24xf32, #tpu.memory_space<vmem>>, vector<1x24xf32>
    %add3A_95 = vector.broadcast %get3A_94 : vector<1x24xf32> to vector<2048x24xf32>
    %add3A_96 = arith.addf %dot_general3A_91, %add3A_95 : vector<2048x24xf32>
    %slice3A = vector.extract_strided_slice %add3A_86 {offsets = [0, 0], sizes = [2048, 8], strides = [1, 1]} : vector<2048x24xf32> to vector<2048x8xf32>
    %slice3A_97 = vector.extract_strided_slice %add3A_96 {offsets = [0, 0], sizes = [2048, 8], strides = [1, 1]} : vector<2048x24xf32> to vector<2048x8xf32>
    %add3A_98 = arith.addf %slice3A, %slice3A_97 : vector<2048x8xf32>
    %logistic3A = arith.negf %add3A_98 : vector<2048x8xf32>
    %logistic3A_99 = math.exp %logistic3A : vector<2048x8xf32>
    %logistic3A_100 = arith.constant 1.000000e+00 : f32
    %logistic3A_101 = vector.broadcast %logistic3A_100 : f32 to vector<2048x8xf32>
    %logistic3A_102 = arith.addf %logistic3A_101, %logistic3A_99 : vector<2048x8xf32>
    %logistic3A_103 = arith.divf %logistic3A_101, %logistic3A_102 : vector<2048x8xf32>
    %slice3A_104 = vector.extract_strided_slice %add3A_86 {offsets = [0, 8], sizes = [2048, 8], strides = [1, 1]} : vector<2048x24xf32> to vector<2048x8xf32>
    %slice3A_105 = vector.extract_strided_slice %add3A_96 {offsets = [0, 8], sizes = [2048, 8], strides = [1, 1]} : vector<2048x24xf32> to vector<2048x8xf32>
    %add3A_106 = arith.addf %slice3A_104, %slice3A_105 : vector<2048x8xf32>
    %logistic3A_107 = arith.negf %add3A_106 : vector<2048x8xf32>
    %logistic3A_108 = math.exp %logistic3A_107 : vector<2048x8xf32>
    %logistic3A_109 = arith.constant 1.000000e+00 : f32
    %logistic3A_110 = vector.broadcast %logistic3A_109 : f32 to vector<2048x8xf32>
    %logistic3A_111 = arith.addf %logistic3A_110, %logistic3A_108 : vector<2048x8xf32>
    %logistic3A_112 = arith.divf %logistic3A_110, %logistic3A_111 : vector<2048x8xf32>
    %slice3A_113 = vector.extract_strided_slice %add3A_86 {offsets = [0, 16], sizes = [2048, 8], strides = [1, 1]} : vector<2048x24xf32> to vector<2048x8xf32>
    %slice3A_114 = vector.extract_strided_slice %add3A_96 {offsets = [0, 16], sizes = [2048, 8], strides = [1, 1]} : vector<2048x24xf32> to vector<2048x8xf32>
    %mul3A_115 = arith.mulf %logistic3A_103, %slice3A_114 : vector<2048x8xf32>
    %add3A_116 = arith.addf %slice3A_113, %mul3A_115 : vector<2048x8xf32>
    %tanh3A = math.tanh %add3A_116 : vector<2048x8xf32>
    %sub3A = arith.constant 1.000000e+00 : f32
    %sub3A_117 = vector.broadcast %sub3A : f32 to vector<2048x8xf32>
    %sub3A_118 = arith.subf %sub3A_117, %logistic3A_112 : vector<2048x8xf32>
    %mul3A_119 = arith.mulf %sub3A_118, %tanh3A : vector<2048x8xf32>
    %mul3A_120 = arith.mulf %logistic3A_112, %add3A_71 : vector<2048x8xf32>
    %add3A_121 = arith.addf %mul3A_119, %mul3A_120 : vector<2048x8xf32>
    %swap3A_122 = arith.constant 0 : index
    %swap3A_123 = arith.constant 0 : index
    %swap3A_124 = vector.load %arg19[%swap3A_122, %swap3A_123] : memref<2048x8xf32, #tpu.memory_space<vmem>>, vector<2048x8xf32>
    tpu.vector_store %arg19[%swap3A_122, %swap3A_123], %add3A_121 {strides = array<i32>} : memref<2048x8xf32, #tpu.memory_space<vmem>>, vector<2048x8xf32>,
    return
  }
  func.func @transform_0(%arg0: i32) -> (i32, i32, i32) {
    %c0_i32 = arith.constant 0 : i32
    %c0_i32_0 = arith.constant 0 : i32
    %c0_i32_1 = arith.constant 0 : i32
    return %c0_i32, %arg0, %c0_i32_0 : i32, i32, i32
  }
  func.func @transform_1(%arg0: i32) -> (i32, i32, i32) {
    %c1_i32 = arith.constant 1 : i32
    %c0_i32 = arith.constant 0 : i32
    %c0_i32_0 = arith.constant 0 : i32
    return %c1_i32, %arg0, %c0_i32 : i32, i32, i32
  }
  func.func @transform_2(%arg0: i32) -> (i32, i32) {
    %c0_i32 = arith.constant 0 : i32
    %c0_i32_0 = arith.constant 0 : i32
    return %arg0, %c0_i32 : i32, i32
  }
  func.func @transform_3(%arg0: i32) -> (i32, i32) {
    %c0_i32 = arith.constant 0 : i32
    %c0_i32_0 = arith.constant 0 : i32
    return %c0_i32, %arg0 : i32, i32
  }
  func.func @transform_4(%arg0: i32) -> (i32, i32) {
    %c0_i32 = arith.constant 0 : i32
    %c0_i32_0 = arith.constant 0 : i32
    return %arg0, %c0_i32 : i32, i32
  }
  func.func @transform_5(%arg0: i32) -> (i32, i32) {
    %c0_i32 = arith.constant 0 : i32
    %c0_i32_0 = arith.constant 0 : i32
    return %arg0, %c0_i32 : i32, i32
  }
  func.func @transform_6(%arg0: i32) -> (i32, i32) {
    %c0_i32 = arith.constant 0 : i32
    %c0_i32_0 = arith.constant 0 : i32
    %c0_i32_1 = arith.constant 0 : i32
    return %c0_i32, %c0_i32_0 : i32, i32
  }
  func.func @transform_7(%arg0: i32) -> (i32, i32) {
    %c0_i32 = arith.constant 0 : i32
    %c0_i32_0 = arith.constant 0 : i32
    %c0_i32_1 = arith.constant 0 : i32
    return %c0_i32, %c0_i32_0 : i32, i32
  }
  func.func @transform_8(%arg0: i32) -> (i32, i32) {
    %c0_i32 = arith.constant 0 : i32
    %c0_i32_0 = arith.constant 0 : i32
    %c0_i32_1 = arith.constant 0 : i32
    return %c0_i32, %c0_i32_0 : i32, i32
  }
  func.func @transform_9(%arg0: i32) -> (i32, i32) {
    %c0_i32 = arith.constant 0 : i32
    %c0_i32_0 = arith.constant 0 : i32
    %c0_i32_1 = arith.constant 0 : i32
    return %c0_i32, %c0_i32_0 : i32, i32
  }
  func.func @transform_10(%arg0: i32) -> (i32, i32) {
    %c0_i32 = arith.constant 0 : i32
    %c0_i32_0 = arith.constant 0 : i32
    %c0_i32_1 = arith.constant 0 : i32
    return %c0_i32, %c0_i32_0 : i32, i32
  }
  func.func @transform_11(%arg0: i32) -> (i32, i32) {
    %c0_i32 = arith.constant 0 : i32
    %c0_i32_0 = arith.constant 0 : i32
    %c0_i32_1 = arith.constant 0 : i32
    return %c0_i32, %c0_i32_0 : i32, i32
  }
  func.func @transform_12(%arg0: i32) -> (i32, i32) {
    %c0_i32 = arith.constant 0 : i32
    %c0_i32_0 = arith.constant 0 : i32
    %c0_i32_1 = arith.constant 0 : i32
    return %c0_i32, %c0_i32_0 : i32, i32
  }
  func.func @transform_13(%arg0: i32) -> (i32, i32) {
    %c0_i32 = arith.constant 0 : i32
    %c0_i32_0 = arith.constant 0 : i32
    %c0_i32_1 = arith.constant 0 : i32
    return %c0_i32, %c0_i32_0 : i32, i32
  }
  func.func @transform_14(%arg0: i32) -> (i32, i32) {
    %c0_i32 = arith.constant 0 : i32
    %c0_i32_0 = arith.constant 0 : i32
    %c0_i32_1 = arith.constant 0 : i32
    return %c0_i32, %c0_i32_0 : i32, i32
  }
  func.func @transform_15(%arg0: i32) -> (i32, i32) {
    %c0_i32 = arith.constant 0 : i32
    %c0_i32_0 = arith.constant 0 : i32
    %c0_i32_1 = arith.constant 0 : i32
    return %c0_i32, %c0_i32_0 : i32, i32
  }
  func.func @transform_16(%arg0: i32) -> (i32, i32) {
    %c0_i32 = arith.constant 0 : i32
    %c0_i32_0 = arith.constant 0 : i32
    %c0_i32_1 = arith.constant 0 : i32
    return %c0_i32, %c0_i32_0 : i32, i32
  }
  func.func @transform_17(%arg0: i32) -> (i32, i32) {
    %c0_i32 = arith.constant 0 : i32
    %c0_i32_0 = arith.constant 0 : i32
    return %arg0, %c0_i32 : i32, i32
  }
  func.func @transform_18(%arg0: i32) -> (i32, i32) {
    %c0_i32 = arith.constant 0 : i32
    %c0_i32_0 = arith.constant 0 : i32
    return %arg0, %c0_i32 : i32, i32
  }
}

</mosaic_0001>

<sc_bundles>
// kernel: kernel.10.cloned.1.call-start
scs
__scs_entry_jumppad:
0x0: {  	(pc) =	sbr.rel $0x88, $3  }
0x1: {  	(tag) =	ssettag $0x0;
	lr =	simm.s32 $0x1  }
0x2: {  	[smem:$0x3F7F] =	sst lr;
	_ =	strace $0xD0000000  }
0x3: {  	_ = 	snop  }
0x4: {  	_ = 	snop  }
0x5: {  	_ = 	snop  }
0x6: {  	_ = 	snop  }
0x7: {  	_ = 	snop  }
__scs_overlays_trampoline_lowered:
0x8: {  	[smem:$0x3F8E] =	sst s0  }
0x9: {  	[smem:$0x3F8F] =	sst s1  }
0xa: {  	[smem:$0x3F90] =	sst s2  }
0xb: {  	[smem:$0x3F91] =	sst s3  }
0xc: {  	[smem:$0x3F92] =	sst s4  }
0xd: {  	[smem:$0x3F93] =	sst s5  }
0xe: {  	[smem:$0x3F94] =	sst s6  }
0xf: {  	[smem:$0x3F95] =	sst s7  }
0x10: {  	[smem:$0x3F96] =	sst s8  }
0x11: {  	[smem:$0x3F97] =	sst s9;
	s0 =	simm.s32 @!p0 $0x0  }
0x12: {  	s1 =	sld [smem:$0x3F7D];
	s0 =	simm.s32 @p0 $0x1  }
0x13: {  	[smem:$0x3F98] =	sst s0;
	s0 =	simm.s32 @!p1 $0x0  }
0x14: {  	s2 =	sld [smem:$0x3F7C];
	s0 =	simm.s32 @p1 $0x1  }
0x15: {  	[smem:$0x3F99] =	sst s0;
	s0 =	simm.s32 @!p2 $0x0  }
0x16: {  	s3 =	sld [smem:$0x3FDB];
	s0 =	simm.s32 @p2 $0x1  }
0x17: {  	s4 =	simm.s32 $0x1BF5;
	[smem:$0x3F9B] =	sst s0  }
0x18: {  	s0 =	sld [smem:$0x3F7E];
	_ =	swait.ge [sflag:s4], $0x0  }
0x19: {  	s7 =	sld [smem:$0x3F7F]  }
0x1a: {  	s8 =	sadd.s32 $0xFFFFE003, lr  }
0x1b: {  	s9 =	sadd.s32 $0xFFFFFEF7, lr;
	s5 =	simm.s32 $0xFFFFFFFF;
	p2 =	slt.u32 s8, $0xFFFFF086  }
0x1c: {  	p1 =	slt.u32 s9, $0xF7A;
	s5 =	simm.s32 @!p2 $0x0  }
0x1d: {  	s5 =	simm.s32 @p1 $0x1;
	p0 =	seq.s32 s7, s2  }
0x1e: {  	s7 =	smul.u32 @!p0 $0xF7A, s2;
	p2 =	seq.s32 @!p0 s5, $0x0  }
0x1f: {  	s9 =	smul.u32 $0xF7A, s1;
	s8 =	simm.s32 @!p0 $0x1BF5;
	p2 =	por !p2, p0  }
0x20: {  	[sflag:s8] =	ssyncset.s32 @!p0 $0xFFFFF086;
	s6 =	sadd.s32 @!p0 s3, s7;
	s7 =	simm.s32 @!p0 $0x108  }
0x21: {  	s3 =	sadd.s32 s3, s9;
	s6 =	sadd.s32 @!p0 $0x88, s6;
	s7 =	simm.s32 @p2 $0x1082  }
0x22: {  	[simem:s7], [sflag:s8] =	dma.local @!p0 [hbm:s6], $0xF7A  }
0x23: {  	s9 =	sor.u32 $0xD0000000, s2;
	s6 =	simm.s32 $0x108;
	_ =	swait.ge @!p0 [sflag:s8], $0x0  }
0x24: {  	s3 =	sadd.s32 $0x88, s3;
	s6 =	simm.s32 @!p1 $0x1082;
	[sflag:s4] =	ssyncset.s32 $0xFFFFF086  }
0x25: {  	[simem:s6], [sflag:s4] =	dma.local [hbm:s3], $0xF7A  }
0x26: {  	[smem:$0x3F7F] =	sst s1;
	(tag) =	ssettag s2;
	_ =	strace s9  }
0x27: {  	s1 =	sld [smem:$0x3F8F]  }
0x28: {  	s2 =	sld [smem:$0x3F90]  }
0x29: {  	s4 =	sld [smem:$0x3F92]  }
0x2a: {  	p0 =	seq.s32 s5, $0x0;
	s5 =	sld [smem:$0x3F93]  }
0x2b: {  	s6 =	sld [smem:$0x3F94]  }
0x2c: {  	s7 =	sld [smem:$0x3F95]  }
0x2d: {  	s3 =	simm.s32 $0x108;
	s8 =	sld [smem:$0x3F96]  }
0x2e: {  	s3 =	simm.s32 @!p0 $0x1082;
	s9 =	sld [smem:$0x3F97]  }
0x2f: {  	lr =	sadd.s32 s0, s3;
	s0 =	sld [smem:$0x3F8E]  }
0x30: {  	s3 =	sld [smem:$0x3F91]  }
0x31: {  	[smem:$0x3F9A] =	sst s10  }
0x32: {  	s10 =	sld [smem:$0x3F98];
	_ =	sdelay $0x3  }
0x33: {  	p0 =	seq.s32 s10, $0x1;
	s10 =	sld [smem:$0x3F9A];
	_ =	sdelay $0x3  }
0x34: {  	[smem:$0x3F9A] =	sst s10  }
0x35: {  	s10 =	sld [smem:$0x3F99];
	_ =	sdelay $0x3  }
0x36: {  	p1 =	seq.s32 s10, $0x1;
	s10 =	sld [smem:$0x3F9A];
	_ =	sdelay $0x3  }
0x37: {  	[smem:$0x3F9A] =	sst s10  }
0x38: {  	s10 =	sld [smem:$0x3F9B]  }
0x39: {  	_ = 	snop;
	(pc) =	sbr.ind lr, $3  }
0x3a: {  	_ = 	snop  }
0x3b: {  	_ = 	snop  }
0x3c: {  	p2 =	seq.s32 s10, $0x1;
	s10 =	sld [smem:$0x3F9A]  }
0x3d: {  	_ =	shalt  }
0x3e: {  	_ =	shalt  }
0x3f: {  	_ =	shalt  }
0x40: {  	_ =	shalt  }
0x41: {  	_ =	shalt  }
0x42: {  	_ =	shalt  }
0x43: {  	_ =	shalt  }
0x44: {  	_ =	shalt  }
0x45: {  	_ =	shalt  }
0x46: {  	_ =	shalt  }
0x47: {  	_ =	shalt  }
0x48: {  	_ =	shalt  }
0x49: {  	_ =	shalt  }
0x4a: {  	_ =	shalt  }
0x4b: {  	_ =	shalt  }
0x4c: {  	_ =	shalt  }
0x4d: {  	_ =	shalt  }
0x4e: {  	_ =	shalt  }
0x4f: {  	_ =	shalt  }
0x50: {  	_ =	shalt  }
0x51: {  	_ =	shalt  }
0x52: {  	_ =	shalt  }
0x53: {  	_ =	shalt  }
0x54: {  	_ =	shalt  }
0x55: {  	_ =	shalt  }
0x56: {  	_ =	shalt  }
0x57: {  	_ =	shalt  }
0x58: {  	_ =	shalt  }
0x59: {  	_ =	shalt  }
0x5a: {  	_ =	shalt  }
0x5b: {  	_ =	shalt  }
0x5c: {  	_ =	shalt  }
0x5d: {  	_ =	shalt  }
0x5e: {  	_ =	shalt  }
0x5f: {  	_ =	shalt  }
0x60: {  	_ =	shalt  }
0x61: {  	_ =	shalt  }
0x62: {  	_ =	shalt  }
0x63: {  	_ =	shalt  }
0x64: {  	_ =	shalt  }
0x65: {  	_ =	shalt  }
0x66: {  	_ =	shalt  }
0x67: {  	_ =	shalt  }
0x68: {  	_ =	shalt  }
0x69: {  	_ =	shalt  }
0x6a: {  	_ =	shalt  }
0x6b: {  	_ =	shalt  }
0x6c: {  	_ =	shalt  }
0x6d: {  	_ =	shalt  }
0x6e: {  	_ =	shalt  }
0x6f: {  	_ =	shalt  }
0x70: {  	_ =	shalt  }
0x71: {  	_ =	shalt  }
0x72: {  	_ =	shalt  }
0x73: {  	_ =	shalt  }
0x74: {  	_ =	shalt  }
0x75: {  	_ =	shalt  }
0x76: {  	_ =	shalt  }
0x77: {  	_ =	shalt  }
0x78: {  	_ =	shalt  }
0x79: {  	_ =	shalt  }
0x7a: {  	_ =	shalt  }
0x7b: {  	_ =	shalt  }
0x7c: {  	_ =	shalt  }
0x7d: {  	_ =	shalt  }
0x7e: {  	_ =	shalt  }
0x7f: {  	_ =	shalt  }
0x80: {  	_ =	shalt  }
0x81: {  	_ =	shalt  }
0x82: {  	_ =	shalt  }
0x83: {  	_ =	shalt  }
0x84: {  	_ =	shalt  }
0x85: {  	_ =	shalt  }
0x86: {  	_ =	shalt  }
0x87: {  	_ =	shalt  }
.Lfunc_end0:
.L_simem_size_0:
called_computation.1_lowered:
.L_overlay_start_0:
0x88: {  	s2 =	sld [smem:$0x3FD9]  }
0x89: {  	s3 =	sld [smem:$0x3FFE];
	_ =	sdelay $0x1  }
0x8a: {  	s1 =	srdreg.scid  }
0x8b: {  	s0 =	sand.u32 $0x1, s1  }
0x8c: {  	s14 =	sshll.u32 s0, $0xA;
	s2 =	sadd.s32 s3, s2  }
0x8d: {  	s2 =	sadd.s32 s2, s14  }
0x8e: {  	[smem:$0x3FA6] =	sst s2  }
0x8f: {  	_ = 	snop  }
0x90: {  	s2 =	sld [smem:$0x3FD0];
	_ =	sdelay $0x2  }
0x91: {  	s15 =	simm.s32 $0xA;
	s4 =	simm.s32 $0x10  }
0x92: {  	[smem:s4], [sflag:s15] =	dma.local [hbm:s2], $0x1  }
0x93: {  	_ =	swait.eq [sflag:s15], $0x1  }
0x94: {  	[sflag:s15] =	ssyncset.done $0x0  }
0x95: {  	s16 =	sld [smem:$0x13];
	[sflag:s15] =	ssyncadd.s32 $0xFFFFFFFF  }
0x96: {  	s17 =	sld [smem:$0x14];
	(tm) =	ssettm $0x1  }
0x97: {  	s18 =	sld [smem:$0x3FFB];
	_ =	sdelay $0x3  }
0x98: {  	_ =	strace s18  }
0x99: {  	s4 =	sld [smem:$0x3FFC];
	_ =	sdelay $0x3  }
0x9a: {  	_ =	strace s4  }
0x9b: {  	s4 =	sld [smem:$0x3FFD];
	_ =	sdelay $0x3  }
0x9c: {  	_ =	strace s4  }
0x9d: {  	_ =	strace $0x8FFFFFFF  }
0x9e: {  	s19 =	sld [smem:$0x3FDB];
	_ =	sdelay $0x1  }
0x9f: {  	s5 =	simm.s32 $_scs_section_size  }
0xa0: {  	s6 =	simm.s32 $_size__tile_overlayer_lowered;
	s7 =	simm.s32 $_tile_overlayer_lowered  }
0xa1: {  	s22 =	simm.s32 $0x1BFF;
	s21 =	sshll.u32 s7, $0x1;
	s4 =	sadd.s32 s5, s19  }
0xa2: {  	s8 =	simm.s32 $0x0;
	s20 =	sshll.u32 s6, $0x1;
	s6 =	sadd.s32 s21, s4  }
0xa3: {  	[timem:s8], [sflag:s22] =	dma.local [hbm:s6], s20  }
0xa4: {  	_ =	swait.ge [sflag:s22], s20  }
0xa5: {  	s5 =	ssub.s32 $0x0, s20;
	[sflag:s22] =	ssyncset.done $0x0  }
0xa6: {  	[sflag:s22] =	ssyncadd.s32 s5;
	_ =	sdelay $0x1  }
0xa7: {  	s23 =	simm.s32 $0x1B8B  }
0xa8: {  	_ =	swait.ge [sflag:s23], $0x1  }
0xa9: {  	[sflag:s23] =	ssyncset.done $0x0  }
0xaa: {  	s25 =	simm.s32 $0x1B8E;
	s24 =	sld [smem:$0x3FFE];
	[sflag:s23] =	ssyncadd.s32 $0xFFFFFFFF  }
0xab: {  	s26 =	simm.s32 $execute0_lowered;
	[smem:$0x3FD2] =	sst s25  }
0xac: {  	s6 =	sshll.u32 s26, $0x1;
	_ =	strace $0x80000049;
	[dreg:$0x1] =	wrdreg $0xFFFFFFFF  }
0xad: {  	s28 =	simm.s32 $_size_execute0_lowered;
	s4 =	sadd.s32 s4, s6;
	[dreg:$0x0] =	wrdreg $0x0  }
0xae: {  	s6 =	sshll.u32 s28, $0x1;
	[dreg:$0x2] =	wrdreg s4  }
0xaf: {  	[dreg:$0x3] =	wrdreg s6  }
0xb0: {  	[dreg:$0x4] =	wrdreg $0xC0  }
0xb1: {  	_ =	task [dreg:s8], $0x5FFFF  }
0xb2: {  	[dreg:$0x1] =	wrdreg $0xFFFFFFFF  }
0xb3: {  	[dreg:$0x0] =	wrdreg $0x60  }
0xb4: {  	[dreg:$0x2] =	wrdreg s17  }
0xb5: {  	[dreg:$0x3] =	wrdreg s24  }
0xb6: {  	[dreg:$0x4] =	wrdreg s16  }
0xb7: {  	[dreg:$0x5] =	wrdreg $0x55400  }
0xb8: {  	[dreg:$0x6] =	wrdreg $0x9  }
0xb9: {  	_ =	task.clear_ibuf [dreg:s8], $0x7FFFF;
	_ =	strace $0x90000049  }
0xba: {  	s29 =	simm.s32 $0x9;
	_ =	strace $0x8000004B  }
0xbb: {  	_ =	swait.ge [sflag:s29], $0x1  }
0xbc: {  	[sflag:s29] =	ssyncadd.s32 $0xFFFFFFFF  }
0xbd: {  	_ =	strace $0x9000004B  }
0xbe: {  	_ =	sfence  }
0xbf: {  	s30 =	sld [smem:$0x0];
	_ =	sdelay $0x2  }
0xc0: {  	s31 =	sshll.u32 s1, $0xD;
	s1 =	sshrl.u32 s1, $0x2  }
0xc1: {  	s3 =	sand.u32 $0x4000, s31;
	s1 =	sadd.s32 s1, s30  }
0xc2: {  	s0 =	sor.u32 s3, s0;
	s1 =	sshll.u32 s1, $0x11  }
0xc3: {  	s0 =	sor.u32 s1, s0  }
0xc4: {  	s0 =	sadd.s32 $0x8F2B, s0  }
0xc5: {  	[sflag:s0] =	ssyncadd.remote.s32 $0x1  }
0xc6: {  	_ =	sfence.sel $0xFFFF  }
0xc7: {  	[dreg:$0x0] =	wrdreg $0xFFFFFFFF;
	(pc) =	sbr.abs _section_cstart, $3  }
0xc8: {  	[dreg:$0x1] =	wrdreg $0xFFFFFFFF  }
0xc9: {  	_ =	task.clear_ibuf [dreg:s8], $0x2FFFF;
	_ =	strace $0x9FFFFFFF  }
0xca: {  	(tm) =	ssettm $0x7FFFFFFF  }
0xcb: {  	_ =	shalt  }
tec
execute0_lowered:
.L_overlay_start_1:
0x0: {  	(tag) =	ssettag $0x1  }
0x1: {  	s1 =	rddreg [dreg:$0x0]  }
0x2: {  	s0 =	rddreg [dreg:$0x1]  }
0x3: {  	s2 =	rddreg [dreg:$0x3];
	s4 =	simm.s32 $0x0  }
0x4: {  	s3 =	srdreg.scid;
	s16 =	stileid.u32;
	s31 =	simm.s32 $0x8  }
0x5: {  	[smem:$0x7FF] =	sst s4;
	s3 =	sand.u32 $0x1, s3;
	s9 =	smul.u32 $0x18A00, s16  }
0x6: {  	s5 =	sadd.s32 $0x8600, s0;
	s7 =	sshll.u32 s16, $0x1;
	s16 =	smul.u32 $0x3100, s16  }
0x7: {  	s10 =	sadd.s32 $0xCCC00, s0;
	_ =	strace $0x8000004A;
	s15 =	smul.u32 $0x18A000, s3  }
0x8: {  	s6 =	ssub.s32 $0x2, s3;
	s7 =	sor.u32 s3, s7;
	s3 =	smul.u32 $0x1880, s3  }
0x9: {  	s8 =	sshrl.u32 s6, $0x1;
	s7 =	smul.u32 $0x1880, s7;
	s11 =	sadd.s32 $0x6280, s9  }
0xa: {  	s12 =	sadd.s32 $0x93C0, s9;
	s6 =	ssub.s32 s6, s8;
	s8 =	sadd.s32 $0x3140, s9  }
0xb: {  	s18 =	sadd.s32 s9, s15;
	s13 =	sadd.s32 s1, s7;
	s23 =	sadd.s32 s5, s7  }
0xc: {  	s24 =	sor.u32 $0x10, s7;
	s25 =	sor.u32 $0x20, s7;
	s7 =	sor.u32 $0x30, s7  }
0xd: {  	s19 =	sshrl.u32 s18, $0x3;
	s20 =	sadd.s32 s15, s8;
	[dreg:$0x7] =	wrdreg s13  }
0xe: {  	s18 =	sadd.s32 $0xF640, s9;
	s8 =	sadd.s32 s8, s2;
	[dreg:$0x8] =	wrdreg s23  }
0xf: {  	s14 =	sadd.s32 s1, s24;
	s13 =	sadd.s32 s5, s24;
	[dreg:$0x18] =	wrdreg s8  }
0x10: {  	s26 =	sadd.s32 s1, s25;
	s17 =	sadd.s32 s1, s7;
	[dreg:$0x9] =	wrdreg s14  }
0x11: {  	s1 =	sadd.s32 s16, s1;
	s7 =	sadd.s32 s5, s7;
	[dreg:$0xa] =	wrdreg s13  }
0x12: {  	s24 =	sadd.s32 s15, s11;
	s22 =	sadd.s32 s15, s18;
	[dreg:$0xb] =	wrdreg s26  }
0x13: {  	s28 =	sadd.s32 s18, s2;
	s18 =	simm.s32 $0x1400;
	[dreg:$0xd] =	wrdreg s17  }
0x14: {  	s14 =	sadd.s32 s5, s25;
	[dreg:$0xe] =	wrdreg s7;
	s1 =	sadd.s32 s3, s1  }
0x15: {  	s5 =	sadd.s32 s16, s5;
	s13 =	sadd.s32 $0xC500, s9;
	[dreg:$0x1c] =	wrdreg s28  }
0x16: {  	s7 =	sadd.s32 s10, s19;
	s25 =	sadd.s32 s15, s12;
	[dreg:$0xc] =	wrdreg s14  }
0x17: {  	s19 =	sadd.s32 $0x12780, s9;
	s12 =	sadd.s32 s12, s2;
	[dreg:$0x5] =	wrdreg s1  }
0x18: {  	[dreg:$0xf] =	wrdreg s7;
	s1 =	sshrl.u32 s20, $0x3;
	s21 =	sadd.s32 s3, s5  }
0x19: {  	s3 =	sshrl.u32 s24, $0x3;
	s26 =	sadd.s32 s15, s13;
	s14 =	sshrl.u32 s25, $0x3  }
0x1a: {  	s20 =	sadd.s32 $0x158C0, s9;
	s23 =	sadd.s32 s15, s19;
	s9 =	sadd.s32 s9, s2  }
0x1b: {  	s25 =	sadd.s32 s13, s2;
	s29 =	sadd.s32 s19, s2;
	s5 =	simm.s32 $0x80  }
0x1c: {  	s7 =	simm.s32 $0x5;
	s13 =	simm.s32 $0x180;
	s19 =	simm.s32 $0x2  }
0x1d: {  	[dreg:$0x1a] =	wrdreg s12;
	s1 =	sadd.s32 s10, s1;
	s3 =	sadd.s32 s10, s3  }
0x1e: {  	s16 =	sshrl.u32 s26, $0x3;
	s15 =	sadd.s32 s15, s20;
	[dreg:$0x6] =	wrdreg s21  }
0x1f: {  	s24 =	sshrl.u32 s23, $0x3;
	s21 =	sadd.s32 $0x9BE00, s0;
	[dreg:$0x1b] =	wrdreg s25  }
0x20: {  	s30 =	sadd.s32 s20, s2;
	s26 =	smax.u32 s6, $0x1;
	[dreg:$0x17] =	wrdreg s9  }
0x21: {  	s20 =	simm.s32 $0xA;
	s23 =	simm.s32 $0x3;
	[dreg:$0x1d] =	wrdreg s29  }
0x22: {  	s25 =	simm.s32 $0x4;
	s6 =	simm.s32 $0x0;
	[dreg:$0x10] =	wrdreg s1  }
0x23: {  	[dreg:$0x11] =	wrdreg s3;
	s3 =	sadd.s32 s10, s14;
	s17 =	sadd.s32 s10, s16  }
0x24: {  	s14 =	sshrl.u32 s22, $0x3;
	s15 =	sshrl.u32 s15, $0x3;
	[dreg:$0x1f] =	wrdreg s26  }
0x25: {  	s1 =	simm.s32 $0x2400;
	s16 =	simm.s32 $0x9;
	[dreg:$0x1e] =	wrdreg s30  }
0x26: {  	s22 =	simm.s32 $0x1C00;
	s26 =	simm.s32 $0xC;
	[dreg:$0x12] =	wrdreg s3  }
0x27: {  	[dreg:$0x13] =	wrdreg s17;
	s14 =	sadd.s32 s10, s14;
	s3 =	simm.s32 $0xD  }
0x28: {  	s17 =	simm.s32 $0x7;
	[dreg:$0x14] =	wrdreg s14;
	s14 =	sadd.s32 s10, s24  }
0x29: {  	s10 =	sadd.s32 s10, s15;
	s15 =	simm.s32 $0x1;
	[dreg:$0x15] =	wrdreg s14  }
0x2a: {  	s24 =	simm.s32 $0xB;
	[dreg:$0x16] =	wrdreg s10;
	s10 =	sadd.s32 s11, s2  }
0x2b: {  	s11 =	simm.s32 $0x6;
	s14 =	simm.s32 $0x380;
	[dreg:$0x19] =	wrdreg s10  }
.LBB2_1:
0x2c: {  	[smem:$0x7FD] =	sst s6  }
0x2d: {  	s0 =	rddreg [dreg:$0x2]  }
0x2e: {  	[tilespmem:s1], [sflag:$0xD] =	stream.linear.gather [hbm4b:s0+s4], $0x3140, $0x38;
	[tilespmem:$0x1DF40] =	vst v63  }
0x2f: {  	_ =	swait.ge [sflag:s3], $0x3140  }
0x30: {  	[sflag:s3] =	ssyncset.done $0x0  }
0x31: {  	[sflag:s3] =	ssyncadd.s32 $0xFFFFCEC0  }
0x32: {  	[spmem:s9] =	stream.linear.scatter [tilespmem:s1], [sflag:$0xD], $0x3140, $0x38;
	[tilespmem:$0x1DF40] =	vst v63  }
0x33: {  	_ =	swait.ge [sflag:s3], $0x3140  }
0x34: {  	[sflag:s3] =	ssyncset.done $0x0  }
0x35: {  	[sflag:s3] =	ssyncadd.s32 $0xFFFFCEC0  }
0x36: {  	[spmem:s8] =	stream.linear.scatter [tilespmem:s1], [sflag:$0xD], $0x3140, $0x38;
	[tilespmem:$0x1DF40] =	vst v63  }
0x37: {  	_ =	swait.ge [sflag:s3], $0x3140  }
0x38: {  	[sflag:s3] =	ssyncset.done $0x0  }
0x39: {  	[sflag:s3] =	ssyncadd.s32 $0xFFFFCEC0  }
0x3a: {  	[spmem:s10] =	stream.linear.scatter [tilespmem:s1], [sflag:$0xD], $0x3140, $0x38;
	[tilespmem:$0x1DF40] =	vst v63  }
0x3b: {  	_ =	swait.ge [sflag:s3], $0x3140  }
0x3c: {  	[sflag:s3] =	ssyncset.done $0x0  }
0x3d: {  	[sflag:s3] =	ssyncadd.s32 $0xFFFFCEC0  }
0x3e: {  	[spmem:s12] =	stream.linear.scatter [tilespmem:s1], [sflag:$0xD], $0x3140, $0x38;
	[tilespmem:$0x1DF40] =	vst v63  }
0x3f: {  	_ =	swait.ge [sflag:s3], $0x3140  }
0x40: {  	[sflag:s3] =	ssyncset.done $0x0  }
0x41: {  	s12 =	rddreg [dreg:$0x1b];
	[sflag:s3] =	ssyncadd.s32 $0xFFFFCEC0  }
0x42: {  	[spmem:s12] =	stream.linear.scatter [tilespmem:s1], [sflag:$0xD], $0x3140, $0x38;
	[tilespmem:$0x1DF40] =	vst v63  }
0x43: {  	_ =	swait.ge [sflag:s3], $0x3140  }
0x44: {  	[sflag:s3] =	ssyncset.done $0x0  }
0x45: {  	[sflag:s3] =	ssyncadd.s32 $0xFFFFCEC0  }
0x46: {  	[spmem:s28] =	stream.linear.scatter [tilespmem:s1], [sflag:$0xD], $0x3140, $0x38;
	[tilespmem:$0x1DF40] =	vst v63  }
0x47: {  	_ =	swait.ge [sflag:s3], $0x3140  }
0x48: {  	[sflag:s3] =	ssyncset.done $0x0  }
0x49: {  	[sflag:s3] =	ssyncadd.s32 $0xFFFFCEC0  }
0x4a: {  	[spmem:s29] =	stream.linear.scatter [tilespmem:s1], [sflag:$0xD], $0x3140, $0x38;
	[tilespmem:$0x1DF40] =	vst v63  }
0x4b: {  	_ =	swait.ge [sflag:s3], $0x3140  }
0x4c: {  	[sflag:s3] =	ssyncset.done $0x0  }
0x4d: {  	[sflag:s3] =	ssyncadd.s32 $0xFFFFCEC0  }
0x4e: {  	[spmem:s30] =	stream.linear.scatter [tilespmem:s1], [sflag:$0xD], $0x3140, $0x38;
	[tilespmem:$0x1DF40] =	vst v63  }
0x4f: {  	_ =	swait.ge [sflag:s3], $0x3140  }
0x50: {  	[sflag:s3] =	ssyncset.done $0x0  }
0x51: {  	[sflag:s3] =	ssyncadd.s32 $0xFFFFCEC0  }
0x52: {  	[bflag:$0x0] =	sbarrier.arrive $0xFFFF  }
0x53: {  	s6 =	rddreg [dreg:$0x7]  }
0x54: {  	[tilespmem:s4], [sflag:$0x5] =	stream.linear.gather [hbm4b:s6+s4], $0x80, $0x38;
	[tilespmem:$0x1DF40] =	vst v63  }
0x55: {  	s1 =	simm.s32 $0x200;
	s8 =	rddreg [dreg:$0x8]  }
0x56: {  	[tilespmem:s1], [sflag:$0x9] =	stream.linear.gather [hbm4b:s8+s4], $0x80, $0x38;
	[tilespmem:$0x1DF40] =	vst v63  }
0x57: {  	s9 =	rddreg [dreg:$0x9]  }
0x58: {  	[tilespmem:s5], [sflag:$0x6] =	stream.linear.gather [hbm4b:s9+s4], $0x80, $0x38;
	[tilespmem:$0x1DF40] =	vst v63  }
0x59: {  	s10 =	rddreg [dreg:$0xa];
	s6 =	simm.s32 $0x280  }
0x5a: {  	[tilespmem:s6], [sflag:$0xA] =	stream.linear.gather [hbm4b:s10+s4], $0x80, $0x38;
	[tilespmem:$0x1DF40] =	vst v63  }
0x5b: {  	_ =	swait.ge [sflag:s7], $0x80  }
0x5c: {  	[sflag:s7] =	ssyncset.done $0x0  }
0x5d: {  	s8 =	simm.s32 $0x400;
	[sflag:s7] =	ssyncadd.s32 $0xFFFFFF80  }
0x5e: {  	[tilespmem:s8], [sflag:$0x1] =	stream.indirect.gather [hbm4b:s21+s5], $0x10, s4, s5, $0xb8;
	[tilespmem:$0x1DF40] =	vst v63  }
0x5f: {  	s9 =	simm.s32 $0x100;
	s12 =	rddreg [dreg:$0xb]  }
0x60: {  	[tilespmem:s9], [sflag:$0x7] =	stream.linear.gather [hbm4b:s12+s4], $0x80, $0x38;
	[tilespmem:$0x1DF40] =	vst v63  }
0x61: {  	s10 =	simm.s32 $0x300;
	s28 =	rddreg [dreg:$0xc]  }
0x62: {  	[tilespmem:s10], [sflag:$0xB] =	stream.linear.gather [hbm4b:s28+s4], $0x80, $0x38;
	[tilespmem:$0x1DF40] =	vst v63  }
0x63: {  	_ =	swait.ge [sflag:s11], $0x80  }
0x64: {  	[sflag:s11] =	ssyncset.done $0x0  }
0x65: {  	s12 =	simm.s32 $0xC00;
	[sflag:s11] =	ssyncadd.s32 $0xFFFFFF80  }
0x66: {  	[tilespmem:s12], [sflag:$0x2] =	stream.indirect.gather [hbm4b:s21+s5], $0x10, s5, s5, $0xb8;
	[tilespmem:$0x1DF40] =	vst v63  }
0x67: {  	s30 =	rddreg [dreg:$0xd]  }
0x68: {  	[tilespmem:s13], [sflag:$0x8] =	stream.linear.gather [hbm4b:s30+s4], $0x80, $0x38;
	[tilespmem:$0x1DF40] =	vst v63  }
0x69: {  	s28 =	rddreg [dreg:$0xe]  }
0x6a: {  	[tilespmem:s14], [sflag:$0xC] =	stream.linear.gather [hbm4b:s28+s4], $0x80, $0x38;
	[tilespmem:$0x1DF40] =	vst v63  }
0x6b: {  	_ =	swait.ge [sflag:s15], $0x800  }
0x6c: {  	[sflag:s15] =	ssyncset.done $0x0  }
0x6d: {  	[sflag:s15] =	ssyncadd.s32 $0xFFFFF800  }
0x6e: {  	_ =	swait.ge [sflag:s16], $0x80  }
0x6f: {  	[sflag:s16] =	ssyncset.done $0x0  }
0x70: {  	[sflag:s16] =	ssyncadd.s32 $0xFFFFFF80  }
0x71: {  	[spmem:s2] =	stream.indirect.scatter.add.f32 [tilespmem:s8], [sflag:$0xD], $0x10, s1, s5, $0xb8;
	[tilespmem:$0x1DF40] =	vst v63  }
0x72: {  	_ =	swait.ge [sflag:s3], $0x800  }
0x73: {  	s30 =	rddreg [dreg:$0x5]  }
0x74: {  	s29 =	rddreg [dreg:$0x6];
	[sflag:s3] =	ssyncset.done $0x0;
	s28 =	sadd.s32 $0x0, s30  }
0x75: {  	[sflag:s3] =	ssyncadd.s32 $0xFFFFF800;
	s29 =	sadd.s32 $0x0, s29;
	s0 =	sadd.s32 $0x40, s28  }
0x76: {  	[tilespmem:s4], [sflag:$0x5] =	stream.linear.gather [hbm4b:s0+s4], $0x80, $0x38;
	[tilespmem:$0x1DF40] =	vst v63  }
0x77: {  	s0 =	sadd.s32 $0x40, s29  }
0x78: {  	[tilespmem:s1], [sflag:$0x9] =	stream.linear.gather [hbm4b:s0+s4], $0x80, $0x38;
	[tilespmem:$0x1DF40] =	vst v63  }
0x79: {  	_ =	swait.ge [sflag:s17], $0x80  }
0x7a: {  	[sflag:s17] =	ssyncset.done $0x0  }
0x7b: {  	[sflag:s17] =	ssyncadd.s32 $0xFFFFFF80  }
0x7c: {  	[tilespmem:s18], [sflag:$0x3] =	stream.indirect.gather [hbm4b:s21+s5], $0x10, s9, s5, $0xb8;
	[tilespmem:$0x1DF40] =	vst v63  }
0x7d: {  	_ =	swait.ge [sflag:s19], $0x800  }
0x7e: {  	[sflag:s19] =	ssyncset.done $0x0  }
0x7f: {  	[sflag:s19] =	ssyncadd.s32 $0xFFFFF800  }
0x80: {  	_ =	swait.ge [sflag:s20], $0x80  }
0x81: {  	[sflag:s20] =	ssyncset.done $0x0  }
0x82: {  	[sflag:s20] =	ssyncadd.s32 $0xFFFFFF80  }
0x83: {  	[spmem:s2] =	stream.indirect.scatter.add.f32 [tilespmem:s12], [sflag:$0xD], $0x10, s6, s5, $0xb8;
	[tilespmem:$0x1DF40] =	vst v63  }
0x84: {  	_ =	swait.ge [sflag:s3], $0x800  }
0x85: {  	[sflag:s3] =	ssyncset.done $0x0  }
0x86: {  	s0 =	sadd.s32 $0x50, s28;
	[sflag:s3] =	ssyncadd.s32 $0xFFFFF800  }
0x87: {  	[tilespmem:s5], [sflag:$0x6] =	stream.linear.gather [hbm4b:s0+s4], $0x80, $0x38;
	[tilespmem:$0x1DF40] =	vst v63  }
0x88: {  	s1 =	sadd.s32 $0x50, s29  }
0x89: {  	[tilespmem:s6], [sflag:$0xA] =	stream.linear.gather [hbm4b:s1+s4], $0x80, $0x38;
	[tilespmem:$0x1DF40] =	vst v63  }
0x8a: {  	_ =	swait.ge [sflag:s31], $0x80  }
0x8b: {  	[sflag:s31] =	ssyncset.done $0x0  }
0x8c: {  	[sflag:s31] =	ssyncadd.s32 $0xFFFFFF80  }
0x8d: {  	[tilespmem:s22], [sflag:$0x4] =	stream.indirect.gather [hbm4b:s21+s5], $0x10, s13, s5, $0xb8;
	[tilespmem:$0x1DF40] =	vst v63  }
0x8e: {  	_ =	swait.ge [sflag:s23], $0x800  }
0x8f: {  	[sflag:s23] =	ssyncset.done $0x0  }
0x90: {  	[sflag:s23] =	ssyncadd.s32 $0xFFFFF800  }
0x91: {  	_ =	swait.ge [sflag:s24], $0x80  }
0x92: {  	[sflag:s24] =	ssyncset.done $0x0  }
0x93: {  	[sflag:s24] =	ssyncadd.s32 $0xFFFFFF80  }
0x94: {  	[spmem:s2] =	stream.indirect.scatter.add.f32 [tilespmem:s18], [sflag:$0xD], $0x10, s10, s5, $0xb8;
	[tilespmem:$0x1DF40] =	vst v63  }
0x95: {  	_ =	swait.ge [sflag:s3], $0x800  }
0x96: {  	[sflag:s3] =	ssyncset.done $0x0  }
0x97: {  	s6 =	sadd.s32 $0x60, s28;
	[sflag:s3] =	ssyncadd.s32 $0xFFFFF800  }
0x98: {  	[tilespmem:s9], [sflag:$0x7] =	stream.linear.gather [hbm4b:s6+s4], $0x80, $0x38;
	[tilespmem:$0x1DF40] =	vst v63  }
0x99: {  	s12 =	sadd.s32 $0x60, s29  }
0x9a: {  	[tilespmem:s10], [sflag:$0xB] =	stream.linear.gather [hbm4b:s12+s4], $0x80, $0x38;
	[tilespmem:$0x1DF40] =	vst v63  }
0x9b: {  	_ =	swait.ge [sflag:s7], $0x80  }
0x9c: {  	[sflag:s7] =	ssyncset.done $0x0  }
0x9d: {  	[sflag:s7] =	ssyncadd.s32 $0xFFFFFF80  }
0x9e: {  	[tilespmem:s8], [sflag:$0x1] =	stream.indirect.gather [hbm4b:s21+s5], $0x10, s4, s5, $0xb8;
	[tilespmem:$0x1DF40] =	vst v63  }
0x9f: {  	_ =	swait.ge [sflag:s25], $0x800  }
0xa0: {  	[sflag:s25] =	ssyncset.done $0x0  }
0xa1: {  	[sflag:s25] =	ssyncadd.s32 $0xFFFFF800  }
0xa2: {  	_ =	swait.ge [sflag:s26], $0x80  }
0xa3: {  	[sflag:s26] =	ssyncset.done $0x0  }
0xa4: {  	[sflag:s26] =	ssyncadd.s32 $0xFFFFFF80  }
0xa5: {  	[spmem:s2] =	stream.indirect.scatter.add.f32 [tilespmem:s22], [sflag:$0xD], $0x10, s14, s5, $0xb8;
	[tilespmem:$0x1DF40] =	vst v63  }
0xa6: {  	_ =	swait.ge [sflag:s3], $0x800  }
0xa7: {  	[sflag:s3] =	ssyncset.done $0x0  }
0xa8: {  	s28 =	sadd.s32 $0x70, s28;
	[sflag:s3] =	ssyncadd.s32 $0xFFFFF800  }
0xa9: {  	[tilespmem:s13], [sflag:$0x8] =	stream.linear.gather [hbm4b:s28+s4], $0x80, $0x38;
	[tilespmem:$0x1DF40] =	vst v63  }
0xaa: {  	s30 =	sadd.s32 $0x70, s29  }
0xab: {  	[tilespmem:s14], [sflag:$0xC] =	stream.linear.gather [hbm4b:s30+s4], $0x80, $0x38;
	[tilespmem:$0x1DF40] =	vst v63  }
0xac: {  	_ =	swait.ge [sflag:s11], $0x80  }
0xad: {  	[sflag:s11] =	ssyncset.done $0x0  }
0xae: {  	s29 =	simm.s32 $0x40;
	[sflag:s11] =	ssyncadd.s32 $0xFFFFFF80  }
.LBB2_2:
0xaf: {  	s10 =	simm.s32 $0xC00  }
0xb0: {  	[tilespmem:s10], [sflag:$0x2] =	stream.indirect.gather [hbm4b:s21+s5], $0x10, s5, s5, $0xb8;
	[tilespmem:$0x1DF40] =	vst v63  }
0xb1: {  	_ =	swait.ge [sflag:s15], $0x800  }
0xb2: {  	[sflag:s15] =	ssyncset.done $0x0  }
0xb3: {  	[sflag:s15] =	ssyncadd.s32 $0xFFFFF800  }
0xb4: {  	_ =	swait.ge [sflag:s16], $0x80  }
0xb5: {  	[sflag:s16] =	ssyncset.done $0x0  }
0xb6: {  	s6 =	simm.s32 $0x200;
	s9 =	simm.s32 $0x400;
	[sflag:s16] =	ssyncadd.s32 $0xFFFFFF80  }
0xb7: {  	[spmem:s2] =	stream.indirect.scatter.add.f32 [tilespmem:s9], [sflag:$0xD], $0x10, s6, s5, $0xb8;
	[tilespmem:$0x1DF40] =	vst v63  }
0xb8: {  	_ =	swait.ge [sflag:s3], $0x800  }
0xb9: {  	s28 =	smov.u32 s29;
	s30 =	rddreg [dreg:$0x5]  }
0xba: {  	s0 =	rddreg [dreg:$0x6];
	[sflag:s3] =	ssyncset.done $0x0;
	s30 =	sadd.s32 s28, s30  }
0xbb: {  	[sflag:s3] =	ssyncadd.s32 $0xFFFFF800;
	s28 =	sadd.s32 s28, s0;
	s1 =	sadd.s32 $0x40, s30  }
0xbc: {  	[tilespmem:s4], [sflag:$0x5] =	stream.linear.gather [hbm4b:s1+s4], $0x80, $0x38;
	[tilespmem:$0x1DF40] =	vst v63  }
0xbd: {  	s0 =	sadd.s32 $0x40, s28  }
0xbe: {  	[tilespmem:s6], [sflag:$0x9] =	stream.linear.gather [hbm4b:s0+s4], $0x80, $0x38;
	[tilespmem:$0x1DF40] =	vst v63  }
0xbf: {  	_ =	swait.ge [sflag:s17], $0x80  }
0xc0: {  	[sflag:s17] =	ssyncset.done $0x0  }
0xc1: {  	s12 =	simm.s32 $0x100;
	[sflag:s17] =	ssyncadd.s32 $0xFFFFFF80  }
0xc2: {  	[tilespmem:s18], [sflag:$0x3] =	stream.indirect.gather [hbm4b:s21+s5], $0x10, s12, s5, $0xb8;
	[tilespmem:$0x1DF40] =	vst v63  }
0xc3: {  	_ =	swait.ge [sflag:s19], $0x800  }
0xc4: {  	[sflag:s19] =	ssyncset.done $0x0  }
0xc5: {  	[sflag:s19] =	ssyncadd.s32 $0xFFFFF800  }
0xc6: {  	_ =	swait.ge [sflag:s20], $0x80  }
0xc7: {  	[sflag:s20] =	ssyncset.done $0x0  }
0xc8: {  	s8 =	simm.s32 $0x280;
	[sflag:s20] =	ssyncadd.s32 $0xFFFFFF80  }
0xc9: {  	[spmem:s2] =	stream.indirect.scatter.add.f32 [tilespmem:s10], [sflag:$0xD], $0x10, s8, s5, $0xb8;
	[tilespmem:$0x1DF40] =	vst v63  }
0xca: {  	_ =	swait.ge [sflag:s3], $0x800  }
0xcb: {  	[sflag:s3] =	ssyncset.done $0x0  }
0xcc: {  	s6 =	sadd.s32 $0x50, s30;
	[sflag:s3] =	ssyncadd.s32 $0xFFFFF800  }
0xcd: {  	[tilespmem:s5], [sflag:$0x6] =	stream.linear.gather [hbm4b:s6+s4], $0x80, $0x38;
	[tilespmem:$0x1DF40] =	vst v63  }
0xce: {  	s10 =	sadd.s32 $0x50, s28  }
0xcf: {  	[tilespmem:s8], [sflag:$0xA] =	stream.linear.gather [hbm4b:s10+s4], $0x80, $0x38;
	[tilespmem:$0x1DF40] =	vst v63  }
0xd0: {  	_ =	swait.ge [sflag:s31], $0x80  }
0xd1: {  	[sflag:s31] =	ssyncset.done $0x0  }
0xd2: {  	[sflag:s31] =	ssyncadd.s32 $0xFFFFFF80  }
0xd3: {  	[tilespmem:s22], [sflag:$0x4] =	stream.indirect.gather [hbm4b:s21+s5], $0x10, s13, s5, $0xb8;
	[tilespmem:$0x1DF40] =	vst v63  }
0xd4: {  	_ =	swait.ge [sflag:s23], $0x800  }
0xd5: {  	[sflag:s23] =	ssyncset.done $0x0  }
0xd6: {  	[sflag:s23] =	ssyncadd.s32 $0xFFFFF800  }
0xd7: {  	_ =	swait.ge [sflag:s24], $0x80  }
0xd8: {  	[sflag:s24] =	ssyncset.done $0x0  }
0xd9: {  	s8 =	simm.s32 $0x300;
	[sflag:s24] =	ssyncadd.s32 $0xFFFFFF80  }
0xda: {  	[spmem:s2] =	stream.indirect.scatter.add.f32 [tilespmem:s18], [sflag:$0xD], $0x10, s8, s5, $0xb8;
	[tilespmem:$0x1DF40] =	vst v63  }
0xdb: {  	_ =	swait.ge [sflag:s3], $0x800  }
0xdc: {  	[sflag:s3] =	ssyncset.done $0x0  }
0xdd: {  	s0 =	sadd.s32 $0x60, s30;
	[sflag:s3] =	ssyncadd.s32 $0xFFFFF800  }
0xde: {  	[tilespmem:s12], [sflag:$0x7] =	stream.linear.gather [hbm4b:s0+s4], $0x80, $0x38;
	[tilespmem:$0x1DF40] =	vst v63  }
0xdf: {  	s0 =	sadd.s32 $0x60, s28  }
0xe0: {  	[tilespmem:s8], [sflag:$0xB] =	stream.linear.gather [hbm4b:s0+s4], $0x80, $0x38;
	[tilespmem:$0x1DF40] =	vst v63  }
0xe1: {  	_ =	swait.ge [sflag:s7], $0x80  }
0xe2: {  	[sflag:s7] =	ssyncset.done $0x0  }
0xe3: {  	[sflag:s7] =	ssyncadd.s32 $0xFFFFFF80  }
0xe4: {  	[tilespmem:s9], [sflag:$0x1] =	stream.indirect.gather [hbm4b:s21+s5], $0x10, s4, s5, $0xb8;
	[tilespmem:$0x1DF40] =	vst v63  }
0xe5: {  	_ =	swait.ge [sflag:s25], $0x800  }
0xe6: {  	[sflag:s25] =	ssyncset.done $0x0  }
0xe7: {  	[sflag:s25] =	ssyncadd.s32 $0xFFFFF800  }
0xe8: {  	_ =	swait.ge [sflag:s26], $0x80  }
0xe9: {  	[sflag:s26] =	ssyncset.done $0x0  }
0xea: {  	[sflag:s26] =	ssyncadd.s32 $0xFFFFFF80  }
0xeb: {  	[spmem:s2] =	stream.indirect.scatter.add.f32 [tilespmem:s22], [sflag:$0xD], $0x10, s14, s5, $0xb8;
	[tilespmem:$0x1DF40] =	vst v63  }
0xec: {  	_ =	swait.ge [sflag:s3], $0x800  }
0xed: {  	[sflag:s3] =	ssyncset.done $0x0  }
0xee: {  	p0 =	sne.s32 s29, $0x1800;
	s9 =	sadd.s32 $0x70, s30;
	[sflag:s3] =	ssyncadd.s32 $0xFFFFF800  }
0xef: {  	[tilespmem:s13], [sflag:$0x8] =	stream.linear.gather [hbm4b:s9+s4], $0x80, $0x38;
	[tilespmem:$0x1DF40] =	vst v63  }
.Ltmp0:
0xf0: {  	s30 =	sadd.s32 $0x70, s28;
	(pc) =	sbr.rel @p0 .LBB2_2-.Ltmp0, $4  }
0xf1: {  	[tilespmem:s14], [sflag:$0xC] =	stream.linear.gather [hbm4b:s30+s4], $0x80, $0x38;
	[tilespmem:$0x1DF40] =	vst v63  }
0xf2: {  	s29 =	sadd.s32 $0x40, s29;
	s1 =	simm.s32 $0x200;
	_ =	swait.ge [sflag:s11], $0x80  }
0xf3: {  	s6 =	simm.s32 $0x280;
	s10 =	simm.s32 $0x100;
	[sflag:s11] =	ssyncset.done $0x0  }
0xf4: {  	s12 =	simm.s32 $0x300;
	s8 =	simm.s32 $0x400;
	[sflag:s11] =	ssyncadd.s32 $0xFFFFFF80  }
0xf5: {  	s0 =	simm.s32 $0xC00  }
0xf6: {  	[tilespmem:s0], [sflag:$0x2] =	stream.indirect.gather [hbm4b:s21+s5], $0x10, s5, s5, $0xb8;
	[tilespmem:$0x1DF40] =	vst v63  }
0xf7: {  	_ =	swait.ge [sflag:s15], $0x800  }
0xf8: {  	[sflag:s15] =	ssyncset.done $0x0  }
0xf9: {  	[sflag:s15] =	ssyncadd.s32 $0xFFFFF800  }
0xfa: {  	_ =	swait.ge [sflag:s16], $0x80  }
0xfb: {  	[sflag:s16] =	ssyncset.done $0x0  }
0xfc: {  	[sflag:s16] =	ssyncadd.s32 $0xFFFFFF80  }
0xfd: {  	[spmem:s2] =	stream.indirect.scatter.add.f32 [tilespmem:s8], [sflag:$0xD], $0x10, s1, s5, $0xb8;
	[tilespmem:$0x1DF40] =	vst v63  }
0xfe: {  	_ =	swait.ge [sflag:s3], $0x800  }
0xff: {  	[sflag:s3] =	ssyncset.done $0x0  }
0x100: {  	[sflag:s3] =	ssyncadd.s32 $0xFFFFF800  }
0x101: {  	_ =	swait.ge [sflag:s17], $0x80  }
0x102: {  	[sflag:s17] =	ssyncset.done $0x0  }
0x103: {  	[sflag:s17] =	ssyncadd.s32 $0xFFFFFF80  }
0x104: {  	[tilespmem:s18], [sflag:$0x3] =	stream.indirect.gather [hbm4b:s21+s5], $0x10, s10, s5, $0xb8;
	[tilespmem:$0x1DF40] =	vst v63  }
0x105: {  	_ =	swait.ge [sflag:s19], $0x800  }
0x106: {  	[sflag:s19] =	ssyncset.done $0x0  }
0x107: {  	[sflag:s19] =	ssyncadd.s32 $0xFFFFF800  }
0x108: {  	_ =	swait.ge [sflag:s20], $0x80  }
0x109: {  	[sflag:s20] =	ssyncset.done $0x0  }
0x10a: {  	[sflag:s20] =	ssyncadd.s32 $0xFFFFFF80  }
0x10b: {  	[spmem:s2] =	stream.indirect.scatter.add.f32 [tilespmem:s0], [sflag:$0xD], $0x10, s6, s5, $0xb8;
	[tilespmem:$0x1DF40] =	vst v63  }
0x10c: {  	_ =	swait.ge [sflag:s3], $0x800  }
0x10d: {  	[sflag:s3] =	ssyncset.done $0x0  }
0x10e: {  	[sflag:s3] =	ssyncadd.s32 $0xFFFFF800  }
0x10f: {  	_ =	swait.ge [sflag:s31], $0x80  }
0x110: {  	[sflag:s31] =	ssyncset.done $0x0  }
0x111: {  	[sflag:s31] =	ssyncadd.s32 $0xFFFFFF80  }
0x112: {  	[tilespmem:s22], [sflag:$0x4] =	stream.indirect.gather [hbm4b:s21+s5], $0x10, s13, s5, $0xb8;
	[tilespmem:$0x1DF40] =	vst v63  }
0x113: {  	_ =	swait.ge [sflag:s23], $0x800  }
0x114: {  	[sflag:s23] =	ssyncset.done $0x0  }
0x115: {  	[sflag:s23] =	ssyncadd.s32 $0xFFFFF800  }
0x116: {  	_ =	swait.ge [sflag:s24], $0x80  }
0x117: {  	[sflag:s24] =	ssyncset.done $0x0  }
0x118: {  	[sflag:s24] =	ssyncadd.s32 $0xFFFFFF80  }
0x119: {  	[spmem:s2] =	stream.indirect.scatter.add.f32 [tilespmem:s18], [sflag:$0xD], $0x10, s12, s5, $0xb8;
	[tilespmem:$0x1DF40] =	vst v63  }
0x11a: {  	_ =	swait.ge [sflag:s3], $0x800  }
0x11b: {  	[sflag:s3] =	ssyncset.done $0x0  }
0x11c: {  	[sflag:s3] =	ssyncadd.s32 $0xFFFFF800  }
0x11d: {  	_ =	swait.ge [sflag:s25], $0x800  }
0x11e: {  	[sflag:s25] =	ssyncset.done $0x0  }
0x11f: {  	[sflag:s25] =	ssyncadd.s32 $0xFFFFF800  }
0x120: {  	_ =	swait.ge [sflag:s26], $0x80  }
0x121: {  	[sflag:s26] =	ssyncset.done $0x0  }
0x122: {  	[sflag:s26] =	ssyncadd.s32 $0xFFFFFF80  }
0x123: {  	[spmem:s2] =	stream.indirect.scatter.add.f32 [tilespmem:s22], [sflag:$0xD], $0x10, s14, s5, $0xb8;
	[tilespmem:$0x1DF40] =	vst v63  }
0x124: {  	_ =	swait.ge [sflag:s3], $0x800  }
0x125: {  	[sflag:s3] =	ssyncset.done $0x0  }
0x126: {  	[sflag:s3] =	ssyncadd.s32 $0xFFFFF800  }
0x127: {  	[bflag:$0x0] =	sbarrier.arrive $0xFFFF  }
0x128: {  	s1 =	simm.s32 $0x2400;
	s9 =	rddreg [dreg:$0x17]  }
0x129: {  	[tilespmem:s1], [sflag:$0xD] =	stream.linear.gather [spmem:s9], $0x3140, $0x38;
	[tilespmem:$0x1DF40] =	vst v63  }
0x12a: {  	_ =	swait.ge [sflag:s3], $0x3140  }
0x12b: {  	[sflag:s3] =	ssyncset.done $0x0  }
0x12c: {  	s8 =	rddreg [dreg:$0xf];
	[sflag:s3] =	ssyncadd.s32 $0xFFFFCEC0  }
0x12d: {  	[hbm4b:s8+s4] =	stream.linear.scatter [tilespmem:s1], [sflag:$0xD], $0x3140, $0x38;
	[tilespmem:$0x1DF40] =	vst v63  }
0x12e: {  	_ =	swait.ge [sflag:s3], $0x3140  }
0x12f: {  	[sflag:s3] =	ssyncset.done $0x0  }
0x130: {  	s8 =	rddreg [dreg:$0x18];
	[sflag:s3] =	ssyncadd.s32 $0xFFFFCEC0  }
0x131: {  	[tilespmem:s1], [sflag:$0xD] =	stream.linear.gather [spmem:s8], $0x3140, $0x38;
	[tilespmem:$0x1DF40] =	vst v63  }
0x132: {  	_ =	swait.ge [sflag:s3], $0x3140  }
0x133: {  	[sflag:s3] =	ssyncset.done $0x0  }
0x134: {  	s10 =	rddreg [dreg:$0x10];
	[sflag:s3] =	ssyncadd.s32 $0xFFFFCEC0  }
0x135: {  	[hbm4b:s10+s4] =	stream.linear.scatter [tilespmem:s1], [sflag:$0xD], $0x3140, $0x38;
	[tilespmem:$0x1DF40] =	vst v63  }
0x136: {  	_ =	swait.ge [sflag:s3], $0x3140  }
0x137: {  	[sflag:s3] =	ssyncset.done $0x0  }
0x138: {  	s10 =	rddreg [dreg:$0x19];
	[sflag:s3] =	ssyncadd.s32 $0xFFFFCEC0  }
0x139: {  	[tilespmem:s1], [sflag:$0xD] =	stream.linear.gather [spmem:s10], $0x3140, $0x38;
	[tilespmem:$0x1DF40] =	vst v63  }
0x13a: {  	_ =	swait.ge [sflag:s3], $0x3140  }
0x13b: {  	[sflag:s3] =	ssyncset.done $0x0  }
0x13c: {  	s12 =	rddreg [dreg:$0x11];
	[sflag:s3] =	ssyncadd.s32 $0xFFFFCEC0  }
0x13d: {  	[hbm4b:s12+s4] =	stream.linear.scatter [tilespmem:s1], [sflag:$0xD], $0x3140, $0x38;
	[tilespmem:$0x1DF40] =	vst v63  }
0x13e: {  	_ =	swait.ge [sflag:s3], $0x3140  }
0x13f: {  	[sflag:s3] =	ssyncset.done $0x0  }
0x140: {  	s12 =	rddreg [dreg:$0x1a];
	[sflag:s3] =	ssyncadd.s32 $0xFFFFCEC0  }
0x141: {  	[tilespmem:s1], [sflag:$0xD] =	stream.linear.gather [spmem:s12], $0x3140, $0x38;
	[tilespmem:$0x1DF40] =	vst v63  }
0x142: {  	_ =	swait.ge [sflag:s3], $0x3140  }
0x143: {  	[sflag:s3] =	ssyncset.done $0x0  }
0x144: {  	s6 =	rddreg [dreg:$0x12];
	[sflag:s3] =	ssyncadd.s32 $0xFFFFCEC0  }
0x145: {  	[hbm4b:s6+s4] =	stream.linear.scatter [tilespmem:s1], [sflag:$0xD], $0x3140, $0x38;
	[tilespmem:$0x1DF40] =	vst v63  }
0x146: {  	_ =	swait.ge [sflag:s3], $0x3140  }
0x147: {  	[sflag:s3] =	ssyncset.done $0x0  }
0x148: {  	s6 =	rddreg [dreg:$0x1b];
	[sflag:s3] =	ssyncadd.s32 $0xFFFFCEC0  }
0x149: {  	[tilespmem:s1], [sflag:$0xD] =	stream.linear.gather [spmem:s6], $0x3140, $0x38;
	[tilespmem:$0x1DF40] =	vst v63  }
0x14a: {  	_ =	swait.ge [sflag:s3], $0x3140  }
0x14b: {  	[sflag:s3] =	ssyncset.done $0x0  }
0x14c: {  	s6 =	rddreg [dreg:$0x13];
	[sflag:s3] =	ssyncadd.s32 $0xFFFFCEC0  }
0x14d: {  	[hbm4b:s6+s4] =	stream.linear.scatter [tilespmem:s1], [sflag:$0xD], $0x3140, $0x38;
	[tilespmem:$0x1DF40] =	vst v63  }
0x14e: {  	_ =	swait.ge [sflag:s3], $0x3140  }
0x14f: {  	[sflag:s3] =	ssyncset.done $0x0  }
0x150: {  	s28 =	rddreg [dreg:$0x1c];
	[sflag:s3] =	ssyncadd.s32 $0xFFFFCEC0  }
0x151: {  	[tilespmem:s1], [sflag:$0xD] =	stream.linear.gather [spmem:s28], $0x3140, $0x38;
	[tilespmem:$0x1DF40] =	vst v63  }
0x152: {  	_ =	swait.ge [sflag:s3], $0x3140  }
0x153: {  	[sflag:s3] =	ssyncset.done $0x0  }
0x154: {  	s6 =	rddreg [dreg:$0x14];
	[sflag:s3] =	ssyncadd.s32 $0xFFFFCEC0  }
0x155: {  	[hbm4b:s6+s4] =	stream.linear.scatter [tilespmem:s1], [sflag:$0xD], $0x3140, $0x38;
	[tilespmem:$0x1DF40] =	vst v63  }
0x156: {  	_ =	swait.ge [sflag:s3], $0x3140  }
0x157: {  	[sflag:s3] =	ssyncset.done $0x0  }
0x158: {  	s29 =	rddreg [dreg:$0x1d];
	[sflag:s3] =	ssyncadd.s32 $0xFFFFCEC0  }
0x159: {  	[tilespmem:s1], [sflag:$0xD] =	stream.linear.gather [spmem:s29], $0x3140, $0x38;
	[tilespmem:$0x1DF40] =	vst v63  }
0x15a: {  	_ =	swait.ge [sflag:s3], $0x3140  }
0x15b: {  	[sflag:s3] =	ssyncset.done $0x0  }
0x15c: {  	s6 =	rddreg [dreg:$0x15];
	[sflag:s3] =	ssyncadd.s32 $0xFFFFCEC0  }
0x15d: {  	[hbm4b:s6+s4] =	stream.linear.scatter [tilespmem:s1], [sflag:$0xD], $0x3140, $0x38;
	[tilespmem:$0x1DF40] =	vst v63  }
0x15e: {  	_ =	swait.ge [sflag:s3], $0x3140  }
0x15f: {  	[sflag:s3] =	ssyncset.done $0x0  }
0x160: {  	s30 =	rddreg [dreg:$0x1e];
	[sflag:s3] =	ssyncadd.s32 $0xFFFFCEC0  }
0x161: {  	[tilespmem:s1], [sflag:$0xD] =	stream.linear.gather [spmem:s30], $0x3140, $0x38;
	[tilespmem:$0x1DF40] =	vst v63  }
0x162: {  	_ =	swait.ge [sflag:s3], $0x3140  }
0x163: {  	[sflag:s3] =	ssyncset.done $0x0  }
0x164: {  	s6 =	rddreg [dreg:$0x16];
	[sflag:s3] =	ssyncadd.s32 $0xFFFFCEC0  }
0x165: {  	[hbm4b:s6+s4] =	stream.linear.scatter [tilespmem:s1], [sflag:$0xD], $0x3140, $0x38;
	[tilespmem:$0x1DF40] =	vst v63  }
0x166: {  	_ =	swait.ge [sflag:s3], $0x3140  }
0x167: {  	s0 =	sld [smem:$0x7FD];
	_ =	sdelay $0x2  }
0x168: {  	s6 =	sadd.s32 $0x1, s0;
	s0 =	rddreg [dreg:$0x1f]  }
0x169: {  	p0 =	sne.s32 s6, s0  }
.Ltmp1:
0x16a: {  	_ = 	snop;
	(pc) =	sbr.rel @p0 .LBB2_1-.Ltmp1, $3  }
0x16b: {  	_ =	sdelay $0x1  }
0x16c: {  	[sflag:s3] =	ssyncset.done $0x0  }
0x16d: {  	[sflag:s3] =	ssyncadd.s32 $0xFFFFCEC0  }
0x16e: {  	_ =	sfence.sel $0x180000  }
0x16f: {  	[bflag:$0x0] =	sbarrier.arrive $0xFFFF  }
0x170: {  	_ =	strace $0x9000004A  }
0x171: {  	s0 =	stileid.u32;
	[bflag:$0x2] =	sbarrier.arrive $0xFFFF  }
0x172: {  	p0 =	sne.s32 s0, $0x0;
	s0 =	rddreg [dreg:$0x4]  }
0x173: {  	s0 =	sadd.s32 @!p0 $0x100000, s0  }
0x174: {  	[sflag:s0] =	ssyncadd.tile.s32 @!p0 $0x1;
	_ =	shalt  }
.Lfunc_end2:
_tile_overlayer_lowered:
.L_overlay_start_2:
0x175: {  	(tag) =	ssettag $0x2  }
0x176: {  	s0 =	rddreg [dreg:$0x0];
	s2 =	stileid.u32  }
0x177: {  	s1 =	rddreg [dreg:$0x1];
	p0 =	sne.s32 s2, $0x0  }
0x178: {  	s3 =	rddreg [dreg:$0x2];
	[bflag:$0x3] =	sbarrier.arrive $0xFFFF;
	s2 =	simm.s32 @!p0 $0x1C0D  }
0x179: {  	[timem:s3], [sflag:s2] =	dma.local @!p0 [hbm:s0], s1  }
0x17a: {  	s0 =	simm.s32 @!p0 $0xD  }
0x17b: {  	_ =	swait.ge @!p0 [sflag:s0], s1  }
0x17c: {  	s1 =	ssub.s32 @!p0 $0x0, s1;
	[sflag:s0] =	ssyncset.done @!p0 $0x0  }
0x17d: {  	[sflag:s0] =	ssyncadd.s32 @!p0 s1  }
0x17e: {  	[bflag:$0x3] =	sbarrier.arrive $0xFFFF  }
0x17f: {  	_ =	shalt  }

// kernel: kernel.7.cloned.1.call-start
scs
__scs_entry_jumppad:
0x0: {  	(pc) =	sbr.rel $0x88, $3  }
0x1: {  	(tag) =	ssettag $0x0;
	lr =	simm.s32 $0x1  }
0x2: {  	[smem:$0x3F7F] =	sst lr;
	_ =	strace $0xD0000000  }
0x3: {  	_ = 	snop  }
0x4: {  	_ = 	snop  }
0x5: {  	_ = 	snop  }
0x6: {  	_ = 	snop  }
0x7: {  	_ = 	snop  }
__scs_overlays_trampoline_lowered:
0x8: {  	[smem:$0x3F8E] =	sst s0  }
0x9: {  	[smem:$0x3F8F] =	sst s1  }
0xa: {  	[smem:$0x3F90] =	sst s2  }
0xb: {  	[smem:$0x3F91] =	sst s3  }
0xc: {  	[smem:$0x3F92] =	sst s4  }
0xd: {  	[smem:$0x3F93] =	sst s5  }
0xe: {  	[smem:$0x3F94] =	sst s6  }
0xf: {  	[smem:$0x3F95] =	sst s7  }
0x10: {  	[smem:$0x3F96] =	sst s8  }
0x11: {  	[smem:$0x3F97] =	sst s9;
	s0 =	simm.s32 @!p0 $0x0  }
0x12: {  	s1 =	sld [smem:$0x3F7D];
	s0 =	simm.s32 @p0 $0x1  }
0x13: {  	[smem:$0x3F98] =	sst s0;
	s0 =	simm.s32 @!p1 $0x0  }
0x14: {  	s2 =	sld [smem:$0x3F7C];
	s0 =	simm.s32 @p1 $0x1  }
0x15: {  	[smem:$0x3F99] =	sst s0;
	s0 =	simm.s32 @!p2 $0x0  }
0x16: {  	s3 =	sld [smem:$0x3FDB];
	s0 =	simm.s32 @p2 $0x1  }
0x17: {  	s4 =	simm.s32 $0x1BF5;
	[smem:$0x3F9B] =	sst s0  }
0x18: {  	s0 =	sld [smem:$0x3F7E];
	_ =	swait.ge [sflag:s4], $0x0  }
0x19: {  	s7 =	sld [smem:$0x3F7F]  }
0x1a: {  	s8 =	sadd.s32 $0xFFFFE003, lr  }
0x1b: {  	s9 =	sadd.s32 $0xFFFFFEF7, lr;
	s5 =	simm.s32 $0xFFFFFFFF;
	p2 =	slt.u32 s8, $0xFFFFF086  }
0x1c: {  	p1 =	slt.u32 s9, $0xF7A;
	s5 =	simm.s32 @!p2 $0x0  }
0x1d: {  	s5 =	simm.s32 @p1 $0x1;
	p0 =	seq.s32 s7, s2  }
0x1e: {  	s7 =	smul.u32 @!p0 $0xF7A, s2;
	p2 =	seq.s32 @!p0 s5, $0x0  }
0x1f: {  	s9 =	smul.u32 $0xF7A, s1;
	s8 =	simm.s32 @!p0 $0x1BF5;
	p2 =	por !p2, p0  }
0x20: {  	[sflag:s8] =	ssyncset.s32 @!p0 $0xFFFFF086;
	s6 =	sadd.s32 @!p0 s3, s7;
	s7 =	simm.s32 @!p0 $0x108  }
0x21: {  	s3 =	sadd.s32 s3, s9;
	s6 =	sadd.s32 @!p0 $0x88, s6;
	s7 =	simm.s32 @p2 $0x1082  }
0x22: {  	[simem:s7], [sflag:s8] =	dma.local @!p0 [hbm:s6], $0xF7A  }
0x23: {  	s9 =	sor.u32 $0xD0000000, s2;
	s6 =	simm.s32 $0x108;
	_ =	swait.ge @!p0 [sflag:s8], $0x0  }
0x24: {  	s3 =	sadd.s32 $0x88, s3;
	s6 =	simm.s32 @!p1 $0x1082;
	[sflag:s4] =	ssyncset.s32 $0xFFFFF086  }
0x25: {  	[simem:s6], [sflag:s4] =	dma.local [hbm:s3], $0xF7A  }
0x26: {  	[smem:$0x3F7F] =	sst s1;
	(tag) =	ssettag s2;
	_ =	strace s9  }
0x27: {  	s1 =	sld [smem:$0x3F8F]  }
0x28: {  	s2 =	sld [smem:$0x3F90]  }
0x29: {  	s4 =	sld [smem:$0x3F92]  }
0x2a: {  	p0 =	seq.s32 s5, $0x0;
	s5 =	sld [smem:$0x3F93]  }
0x2b: {  	s6 =	sld [smem:$0x3F94]  }
0x2c: {  	s7 =	sld [smem:$0x3F95]  }
0x2d: {  	s3 =	simm.s32 $0x108;
	s8 =	sld [smem:$0x3F96]  }
0x2e: {  	s3 =	simm.s32 @!p0 $0x1082;
	s9 =	sld [smem:$0x3F97]  }
0x2f: {  	lr =	sadd.s32 s0, s3;
	s0 =	sld [smem:$0x3F8E]  }
0x30: {  	s3 =	sld [smem:$0x3F91]  }
0x31: {  	[smem:$0x3F9A] =	sst s10  }
0x32: {  	s10 =	sld [smem:$0x3F98];
	_ =	sdelay $0x3  }
0x33: {  	p0 =	seq.s32 s10, $0x1;
	s10 =	sld [smem:$0x3F9A];
	_ =	sdelay $0x3  }
0x34: {  	[smem:$0x3F9A] =	sst s10  }
0x35: {  	s10 =	sld [smem:$0x3F99];
	_ =	sdelay $0x3  }
0x36: {  	p1 =	seq.s32 s10, $0x1;
	s10 =	sld [smem:$0x3F9A];
	_ =	sdelay $0x3  }
0x37: {  	[smem:$0x3F9A] =	sst s10  }
0x38: {  	s10 =	sld [smem:$0x3F9B]  }
0x39: {  	_ = 	snop;
	(pc) =	sbr.ind lr, $3  }
0x3a: {  	_ = 	snop  }
0x3b: {  	_ = 	snop  }
0x3c: {  	p2 =	seq.s32 s10, $0x1;
	s10 =	sld [smem:$0x3F9A]  }
0x3d: {  	_ =	shalt  }
0x3e: {  	_ =	shalt  }
0x3f: {  	_ =	shalt  }
0x40: {  	_ =	shalt  }
0x41: {  	_ =	shalt  }
0x42: {  	_ =	shalt  }
0x43: {  	_ =	shalt  }
0x44: {  	_ =	shalt  }
0x45: {  	_ =	shalt  }
0x46: {  	_ =	shalt  }
0x47: {  	_ =	shalt  }
0x48: {  	_ =	shalt  }
0x49: {  	_ =	shalt  }
0x4a: {  	_ =	shalt  }
0x4b: {  	_ =	shalt  }
0x4c: {  	_ =	shalt  }
0x4d: {  	_ =	shalt  }
0x4e: {  	_ =	shalt  }
0x4f: {  	_ =	shalt  }
0x50: {  	_ =	shalt  }
0x51: {  	_ =	shalt  }
0x52: {  	_ =	shalt  }
0x53: {  	_ =	shalt  }
0x54: {  	_ =	shalt  }
0x55: {  	_ =	shalt  }
0x56: {  	_ =	shalt  }
0x57: {  	_ =	shalt  }
0x58: {  	_ =	shalt  }
0x59: {  	_ =	shalt  }
0x5a: {  	_ =	shalt  }
0x5b: {  	_ =	shalt  }
0x5c: {  	_ =	shalt  }
0x5d: {  	_ =	shalt  }
0x5e: {  	_ =	shalt  }
0x5f: {  	_ =	shalt  }
0x60: {  	_ =	shalt  }
0x61: {  	_ =	shalt  }
0x62: {  	_ =	shalt  }
0x63: {  	_ =	shalt  }
0x64: {  	_ =	shalt  }
0x65: {  	_ =	shalt  }
0x66: {  	_ =	shalt  }
0x67: {  	_ =	shalt  }
0x68: {  	_ =	shalt  }
0x69: {  	_ =	shalt  }
0x6a: {  	_ =	shalt  }
0x6b: {  	_ =	shalt  }
0x6c: {  	_ =	shalt  }
0x6d: {  	_ =	shalt  }
0x6e: {  	_ =	shalt  }
0x6f: {  	_ =	shalt  }
0x70: {  	_ =	shalt  }
0x71: {  	_ =	shalt  }
0x72: {  	_ =	shalt  }
0x73: {  	_ =	shalt  }
0x74: {  	_ =	shalt  }
0x75: {  	_ =	shalt  }
0x76: {  	_ =	shalt  }
0x77: {  	_ =	shalt  }
0x78: {  	_ =	shalt  }
0x79: {  	_ =	shalt  }
0x7a: {  	_ =	shalt  }
0x7b: {  	_ =	shalt  }
0x7c: {  	_ =	shalt  }
0x7d: {  	_ =	shalt  }
0x7e: {  	_ =	shalt  }
0x7f: {  	_ =	shalt  }
0x80: {  	_ =	shalt  }
0x81: {  	_ =	shalt  }
0x82: {  	_ =	shalt  }
0x83: {  	_ =	shalt  }
0x84: {  	_ =	shalt  }
0x85: {  	_ =	shalt  }
0x86: {  	_ =	shalt  }
0x87: {  	_ =	shalt  }
.Lfunc_end0:
.L_simem_size_0:
called_computation_lowered:
.L_overlay_start_0:
0x88: {  	s2 =	sld [smem:$0x3FD9]  }
0x89: {  	s3 =	sld [smem:$0x3FFE];
	_ =	sdelay $0x1  }
0x8a: {  	s1 =	srdreg.scid  }
0x8b: {  	s0 =	sand.u32 $0x1, s1  }
0x8c: {  	s14 =	sshll.u32 s0, $0xA;
	s2 =	sadd.s32 s3, s2  }
0x8d: {  	s2 =	sadd.s32 s2, s14  }
0x8e: {  	[smem:$0x3FA6] =	sst s2  }
0x8f: {  	_ = 	snop  }
0x90: {  	s2 =	sld [smem:$0x3FD0];
	_ =	sdelay $0x2  }
0x91: {  	s15 =	simm.s32 $0xA;
	s4 =	simm.s32 $0x10  }
0x92: {  	[smem:s4], [sflag:s15] =	dma.local [hbm:s2], $0x1  }
0x93: {  	_ =	swait.eq [sflag:s15], $0x1  }
0x94: {  	[sflag:s15] =	ssyncset.done $0x0  }
0x95: {  	[sflag:s15] =	ssyncadd.s32 $0xFFFFFFFF  }
0x96: {  	s16 =	sld [smem:$0x13];
	(tm) =	ssettm $0x1  }
0x97: {  	s17 =	sld [smem:$0x3FFB];
	_ =	sdelay $0x3  }
0x98: {  	_ =	strace s17  }
0x99: {  	s3 =	sld [smem:$0x3FFC];
	_ =	sdelay $0x3  }
0x9a: {  	_ =	strace s3  }
0x9b: {  	s3 =	sld [smem:$0x3FFD];
	_ =	sdelay $0x3  }
0x9c: {  	_ =	strace s3  }
0x9d: {  	_ =	strace $0x8FFFFFFF  }
0x9e: {  	s18 =	sld [smem:$0x3FDB];
	_ =	sdelay $0x1  }
0x9f: {  	s19 =	simm.s32 $_scs_section_size  }
0xa0: {  	s5 =	simm.s32 $_size__tile_overlayer_lowered;
	s6 =	simm.s32 $_tile_overlayer_lowered  }
0xa1: {  	s22 =	simm.s32 $0x1BFF;
	s21 =	sshll.u32 s6, $0x1;
	s3 =	sadd.s32 s19, s18  }
0xa2: {  	s7 =	simm.s32 $0x0;
	s20 =	sshll.u32 s5, $0x1;
	s5 =	sadd.s32 s21, s3  }
0xa3: {  	[timem:s7], [sflag:s22] =	dma.local [hbm:s5], s20  }
0xa4: {  	_ =	swait.ge [sflag:s22], s20  }
0xa5: {  	s4 =	ssub.s32 $0x0, s20;
	[sflag:s22] =	ssyncset.done $0x0  }
0xa6: {  	[sflag:s22] =	ssyncadd.s32 s4;
	_ =	sdelay $0x1  }
0xa7: {  	s23 =	simm.s32 $0x1B8B  }
0xa8: {  	_ =	swait.ge [sflag:s23], $0x1  }
0xa9: {  	[sflag:s23] =	ssyncset.done $0x0  }
0xaa: {  	s25 =	simm.s32 $0x1B8E;
	s24 =	sld [smem:$0x3FFE];
	[sflag:s23] =	ssyncadd.s32 $0xFFFFFFFF  }
0xab: {  	s26 =	simm.s32 $execute0_lowered;
	[smem:$0x3FD2] =	sst s25  }
0xac: {  	s5 =	sshll.u32 s26, $0x1;
	_ =	strace $0x80000046;
	[dreg:$0x1] =	wrdreg $0xFFFFFFFF  }
0xad: {  	s28 =	simm.s32 $_size_execute0_lowered;
	s3 =	sadd.s32 s3, s5;
	[dreg:$0x0] =	wrdreg $0x0  }
0xae: {  	s5 =	sshll.u32 s28, $0x1;
	[dreg:$0x2] =	wrdreg s3  }
0xaf: {  	[dreg:$0x3] =	wrdreg s5  }
0xb0: {  	[dreg:$0x4] =	wrdreg $0xC0  }
0xb1: {  	_ =	task [dreg:s7], $0x5FFFF  }
0xb2: {  	[dreg:$0x1] =	wrdreg $0xFFFFFFFF  }
0xb3: {  	[dreg:$0x0] =	wrdreg $0x60  }
0xb4: {  	[dreg:$0x2] =	wrdreg s24  }
0xb5: {  	[dreg:$0x3] =	wrdreg s16  }
0xb6: {  	[dreg:$0x4] =	wrdreg $0x9  }
0xb7: {  	_ =	task.clear_ibuf [dreg:s7], $0x5FFFF;
	_ =	strace $0x90000046  }
0xb8: {  	s29 =	simm.s32 $0x9;
	_ =	strace $0x80000048  }
0xb9: {  	_ =	swait.ge [sflag:s29], $0x1  }
0xba: {  	[sflag:s29] =	ssyncadd.s32 $0xFFFFFFFF  }
0xbb: {  	_ =	strace $0x90000048  }
0xbc: {  	_ =	sfence  }
0xbd: {  	s30 =	sld [smem:$0x0];
	_ =	sdelay $0x2  }
0xbe: {  	s31 =	sshll.u32 s1, $0xD;
	s1 =	sshrl.u32 s1, $0x2  }
0xbf: {  	s3 =	sand.u32 $0x4000, s31;
	s1 =	sadd.s32 s1, s30  }
0xc0: {  	s0 =	sor.u32 s3, s0;
	s1 =	sshll.u32 s1, $0x11  }
0xc1: {  	s0 =	sor.u32 s1, s0  }
0xc2: {  	s0 =	sadd.s32 $0x8F2B, s0  }
0xc3: {  	[sflag:s0] =	ssyncadd.remote.s32 $0x1  }
0xc4: {  	_ =	sfence.sel $0xFFFF  }
0xc5: {  	[dreg:$0x0] =	wrdreg $0xFFFFFFFF;
	(pc) =	sbr.abs _section_cstart, $3  }
0xc6: {  	[dreg:$0x1] =	wrdreg $0xFFFFFFFF  }
0xc7: {  	_ =	task.clear_ibuf [dreg:s7], $0x2FFFF;
	_ =	strace $0x9FFFFFFF  }
0xc8: {  	(tm) =	ssettm $0x7FFFFFFF  }
0xc9: {  	_ =	shalt  }
tec
execute0_lowered:
.L_overlay_start_1:
0x0: {  	(tag) =	ssettag $0x1  }
0x1: {  	s5 =	rddreg [dreg:$0x0];
	s1 =	srdreg.scid  }
0x2: {  	s0 =	stileid.u32;
	s2 =	rddreg [dreg:$0x1];
	s3 =	simm.s32 $0x0  }
0x3: {  	s13 =	simm.s32 $0x6280;
	s14 =	simm.s32 $0x93C0;
	s15 =	simm.s32 $0xC500  }
0x4: {  	s16 =	simm.s32 $0xF640;
	s17 =	simm.s32 $0x12780;
	s18 =	simm.s32 $0x158C0  }
0x5: {  	s19 =	simm.s32 $0x18A00;
	s20 =	simm.s32 $0x18C00;
	s21 =	simm.s32 $0x1  }
0x6: {  	s22 =	simm.s32 $0x2;
	s4 =	sand.u32 $0x1, s1;
	s6 =	sshll.u32 s0, $0x1  }
0x7: {  	s23 =	simm.s32 $0x0;
	s1 =	rddreg [dreg:$0x2];
	s6 =	sor.u32 s4, s6  }
0x8: {  	[smem:$0x7FF] =	sst s3;
	s7 =	ssub.s32 $0x2, s4;
	s8 =	smul.u32 $0xC400, s6  }
0x9: {  	_ =	strace $0x80000047;
	s6 =	smul.u32 $0x3140, s6;
	s9 =	sshrl.u32 s7, $0x1  }
0xa: {  	s4 =	sadd.s32 $0x8600, s5;
	s12 =	ssub.s32 s7, s9;
	s10 =	sshrl.u32 s8, $0x3  }
0xb: {  	s11 =	sadd.s32 s6, s5;
	s7 =	sadd.s32 $0x400, s8;
	s8 =	sadd.s32 $0x600, s8  }
0xc: {  	s5 =	sadd.s32 s4, s10;
	s9 =	sadd.s32 $0x39600, s11;
	s10 =	smax.u32 s12, $0x1  }
0xd: {  	v0 =	vimm.f32 $1.000000000e+00;
	s11 =	simm.s32 $0x3;
	s12 =	simm.s32 $0x3140;
	s6 =	sadd.s32 $0x40, s5  }
.LBB2_1:
0xe: {  	[tilespmem:s3], [sflag:$0x3] =	stream.linear.gather [hbm4b:s2+s3], $0x3140, $0x38;
	[tilespmem:$0x18E00] =	vst v63  }
0xf: {  	_ =	swait.ge [sflag:s11], $0x3140  }
0x10: {  	[sflag:s11] =	ssyncset.done $0x0  }
0x11: {  	[sflag:s11] =	ssyncadd.s32 $0xFFFFCEC0  }
0x12: {  	[tilespmem:s12], [sflag:$0x3] =	stream.linear.gather [hbm4b:s2+s3], $0x3140, $0x38;
	[tilespmem:$0x18E00] =	vst v63  }
0x13: {  	_ =	swait.ge [sflag:s11], $0x3140  }
0x14: {  	[sflag:s11] =	ssyncset.done $0x0  }
0x15: {  	[sflag:s11] =	ssyncadd.s32 $0xFFFFCEC0  }
0x16: {  	[tilespmem:s13], [sflag:$0x3] =	stream.linear.gather [hbm4b:s2+s3], $0x3140, $0x38;
	[tilespmem:$0x18E00] =	vst v63  }
0x17: {  	_ =	swait.ge [sflag:s11], $0x3140  }
0x18: {  	[sflag:s11] =	ssyncset.done $0x0  }
0x19: {  	[sflag:s11] =	ssyncadd.s32 $0xFFFFCEC0  }
0x1a: {  	[tilespmem:s14], [sflag:$0x3] =	stream.linear.gather [hbm4b:s2+s3], $0x3140, $0x38;
	[tilespmem:$0x18E00] =	vst v63  }
0x1b: {  	_ =	swait.ge [sflag:s11], $0x3140  }
0x1c: {  	[sflag:s11] =	ssyncset.done $0x0  }
0x1d: {  	[sflag:s11] =	ssyncadd.s32 $0xFFFFCEC0  }
0x1e: {  	[tilespmem:s15], [sflag:$0x3] =	stream.linear.gather [hbm4b:s2+s3], $0x3140, $0x38;
	[tilespmem:$0x18E00] =	vst v63  }
0x1f: {  	_ =	swait.ge [sflag:s11], $0x3140  }
0x20: {  	[sflag:s11] =	ssyncset.done $0x0  }
0x21: {  	[sflag:s11] =	ssyncadd.s32 $0xFFFFCEC0  }
0x22: {  	[tilespmem:s16], [sflag:$0x3] =	stream.linear.gather [hbm4b:s2+s3], $0x3140, $0x38;
	[tilespmem:$0x18E00] =	vst v63  }
0x23: {  	_ =	swait.ge [sflag:s11], $0x3140  }
0x24: {  	[sflag:s11] =	ssyncset.done $0x0  }
0x25: {  	[sflag:s11] =	ssyncadd.s32 $0xFFFFCEC0  }
0x26: {  	[tilespmem:s17], [sflag:$0x3] =	stream.linear.gather [hbm4b:s2+s3], $0x3140, $0x38;
	[tilespmem:$0x18E00] =	vst v63  }
0x27: {  	_ =	swait.ge [sflag:s11], $0x3140  }
0x28: {  	[sflag:s11] =	ssyncset.done $0x0  }
0x29: {  	[sflag:s11] =	ssyncadd.s32 $0xFFFFCEC0  }
0x2a: {  	[tilespmem:s18], [sflag:$0x3] =	stream.linear.gather [hbm4b:s2+s3], $0x3140, $0x38;
	[tilespmem:$0x18E00] =	vst v63  }
0x2b: {  	_ =	swait.ge [sflag:s11], $0x3140  }
0x2c: {  	[sflag:s11] =	ssyncset.done $0x0  }
0x2d: {  	[sflag:s11] =	ssyncadd.s32 $0xFFFFCEC0  }
0x2e: {  	[tilespmem:s19], [sflag:$0x1] =	stream.linear.gather [hbm4b:s5+s3], $0x200, $0x38;
	[tilespmem:$0x18E00] =	vst v63  }
0x2f: {  	s24 =	simm.s32 $0x0  }
0x30: {  	[tilespmem:s20], [sflag:$0x2] =	stream.linear.gather [hbm4b:s6+s3], $0x200, $0x38;
	[tilespmem:$0x18E00] =	vst v63  }
.LBB2_2:
0x31: {  	_ =	swait.ge [sflag:s21], $0x200  }
0x32: {  	[sflag:s21] =	ssyncset.done $0x0  }
0x33: {  	[sflag:s21] =	ssyncadd.s32 $0xFFFFFE00  }
0x34: {  	v1 =	vld [tilespmem:$0x18A00];
	_ =	sdelay $0x7  }
0x35: {  	[tilespmem:v1+s3+$0x0] =	vst.idx.add.f32.msk $0xffff, v0  }
0x36: {  	v1 =	vld [tilespmem:$0x18A10];
	_ =	sdelay $0x7  }
0x37: {  	[tilespmem:v1+s3+$0x0] =	vst.idx.add.f32.msk $0xffff, v0  }
0x38: {  	v1 =	vld [tilespmem:$0x18A20];
	_ =	sdelay $0x7  }
0x39: {  	[tilespmem:v1+s3+$0x0] =	vst.idx.add.f32.msk $0xffff, v0  }
0x3a: {  	v1 =	vld [tilespmem:$0x18A30];
	_ =	sdelay $0x7  }
0x3b: {  	[tilespmem:v1+s3+$0x0] =	vst.idx.add.f32.msk $0xffff, v0  }
0x3c: {  	v1 =	vld [tilespmem:$0x18A40];
	_ =	sdelay $0x7  }
0x3d: {  	[tilespmem:v1+s3+$0x0] =	vst.idx.add.f32.msk $0xffff, v0  }
0x3e: {  	v1 =	vld [tilespmem:$0x18A50];
	_ =	sdelay $0x7  }
0x3f: {  	[tilespmem:v1+s3+$0x0] =	vst.idx.add.f32.msk $0xffff, v0  }
0x40: {  	v1 =	vld [tilespmem:$0x18A60];
	_ =	sdelay $0x7  }
0x41: {  	[tilespmem:v1+s3+$0x0] =	vst.idx.add.f32.msk $0xffff, v0  }
0x42: {  	v1 =	vld [tilespmem:$0x18A70];
	_ =	sdelay $0x7  }
0x43: {  	[tilespmem:v1+s3+$0x0] =	vst.idx.add.f32.msk $0xffff, v0  }
0x44: {  	v1 =	vld [tilespmem:$0x18A80];
	_ =	sdelay $0x7  }
0x45: {  	[tilespmem:v1+s3+$0x0] =	vst.idx.add.f32.msk $0xffff, v0  }
0x46: {  	v1 =	vld [tilespmem:$0x18A90];
	_ =	sdelay $0x7  }
0x47: {  	[tilespmem:v1+s3+$0x0] =	vst.idx.add.f32.msk $0xffff, v0  }
0x48: {  	v1 =	vld [tilespmem:$0x18AA0];
	_ =	sdelay $0x7  }
0x49: {  	[tilespmem:v1+s3+$0x0] =	vst.idx.add.f32.msk $0xffff, v0  }
0x4a: {  	v1 =	vld [tilespmem:$0x18AB0];
	_ =	sdelay $0x7  }
0x4b: {  	[tilespmem:v1+s3+$0x0] =	vst.idx.add.f32.msk $0xffff, v0  }
0x4c: {  	v1 =	vld [tilespmem:$0x18AC0];
	_ =	sdelay $0x7  }
0x4d: {  	[tilespmem:v1+s3+$0x0] =	vst.idx.add.f32.msk $0xffff, v0  }
0x4e: {  	v1 =	vld [tilespmem:$0x18AD0];
	_ =	sdelay $0x7  }
0x4f: {  	[tilespmem:v1+s3+$0x0] =	vst.idx.add.f32.msk $0xffff, v0  }
0x50: {  	v1 =	vld [tilespmem:$0x18AE0];
	_ =	sdelay $0x7  }
0x51: {  	[tilespmem:v1+s3+$0x0] =	vst.idx.add.f32.msk $0xffff, v0  }
0x52: {  	v1 =	vld [tilespmem:$0x18AF0];
	_ =	sdelay $0x7  }
0x53: {  	[tilespmem:v1+s3+$0x0] =	vst.idx.add.f32.msk $0xffff, v0  }
0x54: {  	v1 =	vld [tilespmem:$0x18B00];
	_ =	sdelay $0x7  }
0x55: {  	[tilespmem:v1+s3+$0x0] =	vst.idx.add.f32.msk $0xffff, v0  }
0x56: {  	v1 =	vld [tilespmem:$0x18B10];
	_ =	sdelay $0x7  }
0x57: {  	[tilespmem:v1+s3+$0x0] =	vst.idx.add.f32.msk $0xffff, v0  }
0x58: {  	v1 =	vld [tilespmem:$0x18B20];
	_ =	sdelay $0x7  }
0x59: {  	[tilespmem:v1+s3+$0x0] =	vst.idx.add.f32.msk $0xffff, v0  }
0x5a: {  	v1 =	vld [tilespmem:$0x18B30];
	_ =	sdelay $0x7  }
0x5b: {  	[tilespmem:v1+s3+$0x0] =	vst.idx.add.f32.msk $0xffff, v0  }
0x5c: {  	v1 =	vld [tilespmem:$0x18B40];
	_ =	sdelay $0x7  }
0x5d: {  	[tilespmem:v1+s3+$0x0] =	vst.idx.add.f32.msk $0xffff, v0  }
0x5e: {  	v1 =	vld [tilespmem:$0x18B50];
	_ =	sdelay $0x7  }
0x5f: {  	[tilespmem:v1+s3+$0x0] =	vst.idx.add.f32.msk $0xffff, v0  }
0x60: {  	v1 =	vld [tilespmem:$0x18B60];
	_ =	sdelay $0x7  }
0x61: {  	[tilespmem:v1+s3+$0x0] =	vst.idx.add.f32.msk $0xffff, v0  }
0x62: {  	v1 =	vld [tilespmem:$0x18B70];
	_ =	sdelay $0x7  }
0x63: {  	[tilespmem:v1+s3+$0x0] =	vst.idx.add.f32.msk $0xffff, v0  }
0x64: {  	v1 =	vld [tilespmem:$0x18B80];
	_ =	sdelay $0x7  }
0x65: {  	[tilespmem:v1+s3+$0x0] =	vst.idx.add.f32.msk $0xffff, v0  }
0x66: {  	v1 =	vld [tilespmem:$0x18B90];
	_ =	sdelay $0x7  }
0x67: {  	[tilespmem:v1+s3+$0x0] =	vst.idx.add.f32.msk $0xffff, v0  }
0x68: {  	v1 =	vld [tilespmem:$0x18BA0];
	_ =	sdelay $0x7  }
0x69: {  	[tilespmem:v1+s3+$0x0] =	vst.idx.add.f32.msk $0xffff, v0  }
0x6a: {  	v1 =	vld [tilespmem:$0x18BB0];
	_ =	sdelay $0x7  }
0x6b: {  	[tilespmem:v1+s3+$0x0] =	vst.idx.add.f32.msk $0xffff, v0  }
0x6c: {  	v1 =	vld [tilespmem:$0x18BC0];
	_ =	sdelay $0x7  }
0x6d: {  	[tilespmem:v1+s3+$0x0] =	vst.idx.add.f32.msk $0xffff, v0  }
0x6e: {  	v1 =	vld [tilespmem:$0x18BD0];
	_ =	sdelay $0x7  }
0x6f: {  	[tilespmem:v1+s3+$0x0] =	vst.idx.add.f32.msk $0xffff, v0  }
0x70: {  	v1 =	vld [tilespmem:$0x18BE0];
	_ =	sdelay $0x7  }
0x71: {  	[tilespmem:v1+s3+$0x0] =	vst.idx.add.f32.msk $0xffff, v0  }
0x72: {  	v1 =	vld [tilespmem:$0x18BF0];
	_ =	sdelay $0x2  }
0x73: {  	p0 =	slt.s32 s24, $0x5F;
	s25 =	smov.u32 s24  }
0x74: {  	s25 =	simm.s32 @!p0 $0x5F  }
0x75: {  	s25 =	sshll.u32 s25, $0x9  }
0x76: {  	s25 =	sadd.s32 s25, s7  }
0x77: {  	s25 =	sshrl.u32 s25, $0x3  }
0x78: {  	s25 =	sadd.s32 s4, s25;
	[tilespmem:v1+s3+$0x0] =	vst.idx.add.f32.msk $0xffff, v0  }
0x79: {  	[tilespmem:s19], [sflag:$0x1] =	stream.linear.gather [hbm4b:s25+s3], $0x200, $0x38;
	[tilespmem:$0x18E00] =	vst v63  }
0x7a: {  	_ =	swait.ge [sflag:s22], $0x200  }
0x7b: {  	[sflag:s22] =	ssyncset.done $0x0  }
0x7c: {  	[sflag:s22] =	ssyncadd.s32 $0xFFFFFE00  }
0x7d: {  	v1 =	vld [tilespmem:$0x18C00];
	_ =	sdelay $0x7  }
0x7e: {  	[tilespmem:v1+s3+$0x0] =	vst.idx.add.f32.msk $0xffff, v0  }
0x7f: {  	v1 =	vld [tilespmem:$0x18C10];
	_ =	sdelay $0x7  }
0x80: {  	[tilespmem:v1+s3+$0x0] =	vst.idx.add.f32.msk $0xffff, v0  }
0x81: {  	v1 =	vld [tilespmem:$0x18C20];
	_ =	sdelay $0x7  }
0x82: {  	[tilespmem:v1+s3+$0x0] =	vst.idx.add.f32.msk $0xffff, v0  }
0x83: {  	v1 =	vld [tilespmem:$0x18C30];
	_ =	sdelay $0x7  }
0x84: {  	[tilespmem:v1+s3+$0x0] =	vst.idx.add.f32.msk $0xffff, v0  }
0x85: {  	v1 =	vld [tilespmem:$0x18C40];
	_ =	sdelay $0x7  }
0x86: {  	[tilespmem:v1+s3+$0x0] =	vst.idx.add.f32.msk $0xffff, v0  }
0x87: {  	v1 =	vld [tilespmem:$0x18C50];
	_ =	sdelay $0x7  }
0x88: {  	[tilespmem:v1+s3+$0x0] =	vst.idx.add.f32.msk $0xffff, v0  }
0x89: {  	v1 =	vld [tilespmem:$0x18C60];
	_ =	sdelay $0x7  }
0x8a: {  	[tilespmem:v1+s3+$0x0] =	vst.idx.add.f32.msk $0xffff, v0  }
0x8b: {  	v1 =	vld [tilespmem:$0x18C70];
	_ =	sdelay $0x7  }
0x8c: {  	[tilespmem:v1+s3+$0x0] =	vst.idx.add.f32.msk $0xffff, v0  }
0x8d: {  	v1 =	vld [tilespmem:$0x18C80];
	_ =	sdelay $0x7  }
0x8e: {  	[tilespmem:v1+s3+$0x0] =	vst.idx.add.f32.msk $0xffff, v0  }
0x8f: {  	v1 =	vld [tilespmem:$0x18C90];
	_ =	sdelay $0x7  }
0x90: {  	[tilespmem:v1+s3+$0x0] =	vst.idx.add.f32.msk $0xffff, v0  }
0x91: {  	v1 =	vld [tilespmem:$0x18CA0];
	_ =	sdelay $0x7  }
0x92: {  	[tilespmem:v1+s3+$0x0] =	vst.idx.add.f32.msk $0xffff, v0  }
0x93: {  	v1 =	vld [tilespmem:$0x18CB0];
	_ =	sdelay $0x7  }
0x94: {  	[tilespmem:v1+s3+$0x0] =	vst.idx.add.f32.msk $0xffff, v0  }
0x95: {  	v1 =	vld [tilespmem:$0x18CC0];
	_ =	sdelay $0x7  }
0x96: {  	[tilespmem:v1+s3+$0x0] =	vst.idx.add.f32.msk $0xffff, v0  }
0x97: {  	v1 =	vld [tilespmem:$0x18CD0];
	_ =	sdelay $0x7  }
0x98: {  	[tilespmem:v1+s3+$0x0] =	vst.idx.add.f32.msk $0xffff, v0  }
0x99: {  	v1 =	vld [tilespmem:$0x18CE0];
	_ =	sdelay $0x7  }
0x9a: {  	[tilespmem:v1+s3+$0x0] =	vst.idx.add.f32.msk $0xffff, v0  }
0x9b: {  	v1 =	vld [tilespmem:$0x18CF0];
	_ =	sdelay $0x7  }
0x9c: {  	[tilespmem:v1+s3+$0x0] =	vst.idx.add.f32.msk $0xffff, v0  }
0x9d: {  	v1 =	vld [tilespmem:$0x18D00];
	_ =	sdelay $0x7  }
0x9e: {  	[tilespmem:v1+s3+$0x0] =	vst.idx.add.f32.msk $0xffff, v0  }
0x9f: {  	v1 =	vld [tilespmem:$0x18D10];
	_ =	sdelay $0x7  }
0xa0: {  	[tilespmem:v1+s3+$0x0] =	vst.idx.add.f32.msk $0xffff, v0  }
0xa1: {  	v1 =	vld [tilespmem:$0x18D20];
	_ =	sdelay $0x7  }
0xa2: {  	[tilespmem:v1+s3+$0x0] =	vst.idx.add.f32.msk $0xffff, v0  }
0xa3: {  	v1 =	vld [tilespmem:$0x18D30];
	_ =	sdelay $0x7  }
0xa4: {  	[tilespmem:v1+s3+$0x0] =	vst.idx.add.f32.msk $0xffff, v0  }
0xa5: {  	v1 =	vld [tilespmem:$0x18D40];
	_ =	sdelay $0x7  }
0xa6: {  	[tilespmem:v1+s3+$0x0] =	vst.idx.add.f32.msk $0xffff, v0  }
0xa7: {  	v1 =	vld [tilespmem:$0x18D50];
	_ =	sdelay $0x7  }
0xa8: {  	[tilespmem:v1+s3+$0x0] =	vst.idx.add.f32.msk $0xffff, v0  }
0xa9: {  	v1 =	vld [tilespmem:$0x18D60];
	_ =	sdelay $0x7  }
0xaa: {  	[tilespmem:v1+s3+$0x0] =	vst.idx.add.f32.msk $0xffff, v0  }
0xab: {  	v1 =	vld [tilespmem:$0x18D70];
	_ =	sdelay $0x7  }
0xac: {  	[tilespmem:v1+s3+$0x0] =	vst.idx.add.f32.msk $0xffff, v0  }
0xad: {  	v1 =	vld [tilespmem:$0x18D80];
	_ =	sdelay $0x7  }
0xae: {  	[tilespmem:v1+s3+$0x0] =	vst.idx.add.f32.msk $0xffff, v0  }
0xaf: {  	v1 =	vld [tilespmem:$0x18D90];
	_ =	sdelay $0x7  }
0xb0: {  	[tilespmem:v1+s3+$0x0] =	vst.idx.add.f32.msk $0xffff, v0  }
0xb1: {  	v1 =	vld [tilespmem:$0x18DA0];
	_ =	sdelay $0x7  }
0xb2: {  	[tilespmem:v1+s3+$0x0] =	vst.idx.add.f32.msk $0xffff, v0  }
0xb3: {  	v1 =	vld [tilespmem:$0x18DB0];
	_ =	sdelay $0x7  }
0xb4: {  	[tilespmem:v1+s3+$0x0] =	vst.idx.add.f32.msk $0xffff, v0  }
0xb5: {  	v1 =	vld [tilespmem:$0x18DC0];
	_ =	sdelay $0x7  }
0xb6: {  	[tilespmem:v1+s3+$0x0] =	vst.idx.add.f32.msk $0xffff, v0  }
0xb7: {  	v1 =	vld [tilespmem:$0x18DD0];
	_ =	sdelay $0x7  }
0xb8: {  	[tilespmem:v1+s3+$0x0] =	vst.idx.add.f32.msk $0xffff, v0  }
0xb9: {  	v1 =	vld [tilespmem:$0x18DE0];
	_ =	sdelay $0x7  }
0xba: {  	[tilespmem:v1+s3+$0x0] =	vst.idx.add.f32.msk $0xffff, v0  }
0xbb: {  	v1 =	vld [tilespmem:$0x18DF0];
	_ =	sdelay $0x2  }
0xbc: {  	p0 =	slt.s32 s24, $0x5E;
	s25 =	smov.u32 s24  }
0xbd: {  	s25 =	simm.s32 @!p0 $0x5E;
	p0 =	sne.s32 s24, $0x60  }
.Ltmp0:
0xbe: {  	s25 =	sshll.u32 s25, $0x9;
	(pc) =	sbr.rel @p0 .LBB2_2-.Ltmp0, $4  }
0xbf: {  	s25 =	sadd.s32 s25, s8  }
0xc0: {  	s25 =	sshrl.u32 s25, $0x3  }
0xc1: {  	s24 =	sadd.s32 $0x2, s24;
	s25 =	sadd.s32 s4, s25;
	[tilespmem:v1+s3+$0x0] =	vst.idx.add.f32.msk $0xffff, v0  }
0xc2: {  	[tilespmem:s20], [sflag:$0x2] =	stream.linear.gather [hbm4b:s25+s3], $0x200, $0x38;
	[tilespmem:$0x18E00] =	vst v63  }
0xc3: {  	_ =	swait.ge [sflag:s21], $0x200  }
0xc4: {  	[sflag:s21] =	ssyncset.done $0x0  }
0xc5: {  	[sflag:s21] =	ssyncadd.s32 $0xFFFFFE00  }
0xc6: {  	s23 =	sadd.s32 $0x1, s23;
	_ =	swait.ge [sflag:s22], $0x200  }
0xc7: {  	p0 =	sne.s32 s23, s10;
	[sflag:s22] =	ssyncset.done $0x0  }
.Ltmp1:
0xc8: {  	[sflag:s22] =	ssyncadd.s32 $0xFFFFFE00;
	(pc) =	sbr.rel @p0 .LBB2_1-.Ltmp1, $4  }
0xc9: {  	[hbm4b:s9+s3] =	stream.linear.scatter [tilespmem:s3], [sflag:$0x3], $0x18A00, $0x38;
	[tilespmem:$0x18E00] =	vst v63  }
0xca: {  	_ =	swait.ge [sflag:s11], $0x18A00  }
0xcb: {  	[sflag:s11] =	ssyncset.done $0x0  }
0xcc: {  	[sflag:s11] =	ssyncadd.s32 $0xFFFE7600  }
0xcd: {  	_ =	sfence.sel $0x180000  }
0xce: {  	[bflag:$0x0] =	sbarrier.arrive $0xFFFF  }
0xcf: {  	p0 =	sne.s32 s0, $0x0;
	_ =	strace $0x90000047  }
0xd0: {  	s0 =	sadd.s32 @!p0 $0x100000, s1;
	[bflag:$0x2] =	sbarrier.arrive $0xFFFF  }
0xd1: {  	[sflag:s0] =	ssyncadd.tile.s32 @!p0 $0x1;
	_ =	shalt  }
.Lfunc_end2:
_tile_overlayer_lowered:
.L_overlay_start_2:
0xd2: {  	(tag) =	ssettag $0x2  }
0xd3: {  	s0 =	rddreg [dreg:$0x0];
	s2 =	stileid.u32  }
0xd4: {  	s1 =	rddreg [dreg:$0x1];
	p0 =	sne.s32 s2, $0x0  }
0xd5: {  	s3 =	rddreg [dreg:$0x2];
	[bflag:$0x3] =	sbarrier.arrive $0xFFFF;
	s2 =	simm.s32 @!p0 $0x1C03  }
0xd6: {  	[timem:s3], [sflag:s2] =	dma.local @!p0 [hbm:s0], s1  }
0xd7: {  	s0 =	simm.s32 @!p0 $0x3  }
0xd8: {  	_ =	swait.ge @!p0 [sflag:s0], s1  }
0xd9: {  	s1 =	ssub.s32 @!p0 $0x0, s1;
	[sflag:s0] =	ssyncset.done @!p0 $0x0  }
0xda: {  	[sflag:s0] =	ssyncadd.s32 @!p0 s1  }
0xdb: {  	[bflag:$0x3] =	sbarrier.arrive $0xFFFF  }
0xdc: {  	_ =	shalt  }

</sc_bundles>
